<compile_context>
chip_gen: v7x
topology: tpu7x:2x2x1
jax: 0.10.2.dev20260603
libtpu: 0.0.44.dev20260713+nightly
codegen_flags: <defaults>
</compile_context>

<pallas_src>
import jax
import jax.numpy as jnp
from jax import lax
from jax.experimental import pallas as pl
from jax.experimental.pallas import tpu as pltpu
from jax.experimental.pallas import tpu_sc as plsc

N = 10000
E = 320000
D_IN = 128
D_OUT = 128
D_EDGE = 16
HEADS = 4
D_K = D_OUT // HEADS
TIME_UNIT = 86400.0
SCALE = D_K ** -0.5
SELU_ALPHA = 1.6732632423543772
SELU_SCALE = 1.0507009873554805

NC = 2
NS = 16
NW = NC * NS
CHUNK = 64
NCHUNK = 158
PER_W = NCHUNK * CHUNK
EPAD = NW * PER_W
BE = 2048
BN = 2000
NPAD = 10240
NPS = NPAD // NS
NZC = 64
ETB = NPAD // 32
G_CHUNK = 128
G_NCHUNK = PER_W // G_CHUNK



def _gather_body(x_hbm, idx_hbm, out_hbm, idxv, rows, sem):
    c = lax.axis_index("c")
    s = lax.axis_index("s")
    wid = s * NC + c
    for t in range(2):
        def body(ci, _):
            pltpu.sync_copy(idx_hbm.at[t, wid, ci, 0], idxv)
            pltpu.async_copy(x_hbm.at[idxv], rows, sem).wait()
            pltpu.sync_copy(
                rows, out_hbm.at[t, pl.ds(wid * PER_W + ci * G_CHUNK, G_CHUNK)])
            return 0

        lax.fori_loop(0, G_NCHUNK, body, 0)



def _scatter_body(idx_hbm, idx2_hbm, zidx_hbm, zidx2_hbm, wv_hbm, ex_hbm,
                  zero_hbm, aggw_hbm, agge_hbm, idxv, idx2v, wvbuf, exbuf, shw, she):
    c = lax.axis_index("c")
    s = lax.axis_index("s")
    wid = s * NC + c
    pltpu.sync_copy(zero_hbm, wvbuf)
    for r in range(NPS // NZC):
        pltpu.sync_copy(zidx_hbm.at[s, r, 0], idxv)
        pltpu.sync_copy(wvbuf, shw.at[idxv])

    @pl.when(s == 0)
    def _zero_e():
        for r in range(ETB // NZC):
            pltpu.sync_copy(zidx2_hbm.at[r, 0], idxv)
            pltpu.sync_copy(wvbuf, she.at[idxv])

    plsc.subcore_barrier()

    def body(ci, _):
        base = wid * PER_W + ci * CHUNK
        pltpu.sync_copy(idx_hbm.at[wid, ci, 0], idxv)
        pltpu.sync_copy(idx2_hbm.at[wid, ci, 0], idx2v)
        pltpu.sync_copy(wv_hbm.at[pl.ds(base, CHUNK)], wvbuf)
        pltpu.sync_copy(ex_hbm.at[pl.ds(base, CHUNK)], exbuf)
        pltpu.sync_copy(wvbuf, shw.at[idxv], add=True)
        pltpu.sync_copy(exbuf, she.at[idx2v], add=True)
        return 0

    lax.fori_loop(0, NCHUNK, body, 0)
    plsc.subcore_barrier()
    for r in range(NPS // NZC):
        pltpu.sync_copy(zidx_hbm.at[s, r, 0], idxv)
        pltpu.sync_copy(shw.at[idxv], wvbuf)
        pltpu.sync_copy(wvbuf, aggw_hbm.at[c, pl.ds(s * NPS + r * NZC, NZC)])

    @pl.when(s == 0)
    def _dump_e():
        for r in range(ETB // NZC):
            pltpu.sync_copy(zidx2_hbm.at[r, 0], idxv)
            pltpu.sync_copy(she.at[idxv], exbuf)
            pltpu.sync_copy(exbuf, agge_hbm.at[c, pl.ds(r * NZC, NZC)])



def _edge_body(g_ref, ea_ref, dt_ref, ei_ref,
               wq_ref, bq_ref,
               ktop_ref, kbot_ref, kbias_ref, kc_ref, kla_ref,
               vtop_ref, vbot_ref, vbias_ref, vc_ref, vla_ref,
               sdk_ref, shd_ref, rmat_ref, tmat_ref,
               wv_ref, ex_ref):
    xi = g_ref[0]
    xj = g_ref[1]
    ea = ea_ref[...]
    dtn = dt_ref[...] / TIME_UNIT

    q = jnp.maximum(
        jnp.dot(xi, wq_ref[...], preferred_element_type=jnp.float32) + bq_ref[...], 0.0)

    def gate(top_ref, bot_ref, bias_ref, c_ref, la_ref):
        u = (jnp.dot(xj, top_ref[...], preferred_element_type=jnp.float32)
             + jnp.dot(ea, bot_ref[...], preferred_element_type=jnp.float32)
             + bias_ref[...])
        state = u[:, :D_OUT]
        bu = u[:, D_OUT:2 * D_OUT]
        outl = u[:, 2 * D_OUT:]
        a = -jnp.exp(la_ref[...])
        a_zoh = jnp.exp(dtn * a)
        pre = a_zoh * state + dtn * bu
        z = jnp.dot(pre, c_ref[...], preferred_element_type=jnp.float32)
        g = SELU_SCALE * jnp.where(
            z > 0.0, z, SELU_ALPHA * (jnp.exp(jnp.minimum(z, 0.0)) - 1.0))
        return g * outl

    k = jnp.maximum(gate(ktop_ref, kbot_ref, kbias_ref, kc_ref, kla_ref), 0.0)
    v = gate(vtop_ref, vbot_ref, vbias_ref, vc_ref, vla_ref)

    res = jnp.dot(q * k, sdk_ref[...], preferred_element_type=jnp.float32) * SCALE
    ex = jnp.exp(res)
    wv = jnp.dot(ex, shd_ref[...], preferred_element_type=jnp.float32) * v

    b = pl.program_id(0)
    rowid = b * BE + lax.broadcasted_iota(jnp.int32, (BE, 1), 0)
    m = jnp.where(rowid < E, 1.0, 0.0)
    imod = ei_ref[...] % 32
    onehot = jnp.where(
        imod == lax.broadcasted_iota(jnp.int32, (BE, 32), 1), 1.0, 0.0)
    ex128 = (jnp.dot(onehot, rmat_ref[...], preferred_element_type=jnp.float32)
             * jnp.dot(ex, tmat_ref[...], preferred_element_type=jnp.float32))
    wv_ref[...] = wv * m
    ex_ref[...] = ex128 * m



def _final_body(x_ref, ag_ref, de_ref, m1a_ref, m1b_ref, b1_ref, m2_ref, b2_ref,
                shd_ref, out_ref):
    xb = x_ref[...]
    agg = ag_ref[0] + ag_ref[1]
    den = de_ref[0] + de_ref[1]
    rec = 1.0 / (den + 1e-16)
    aggn = agg * jnp.dot(rec, shd_ref[...], preferred_element_type=jnp.float32)
    h = jnp.maximum(
        jnp.dot(xb, m1a_ref[...], preferred_element_type=jnp.float32)
        + jnp.dot(aggn, m1b_ref[...], preferred_element_type=jnp.float32)
        + b1_ref[...], 0.0)
    out_ref[...] = (jnp.dot(h, m2_ref[...], preferred_element_type=jnp.float32)
                    + b2_ref[...] + xb)


def _full(shape):
    nd = len(shape)
    return pl.BlockSpec(shape, lambda b: (0,) * nd)


def kernel(x, edge_index, edge_time, edge_attr, params):
    f32 = jnp.float32
    pad = EPAD - E
    ipad = jnp.concatenate([edge_index[0], jnp.zeros((pad,), jnp.int32)])
    jpad = jnp.concatenate([edge_index[1], jnp.zeros((pad,), jnp.int32)])
    idx_g = jnp.stack([ipad, jpad]).reshape(2, NW, G_NCHUNK, 1, G_CHUNK)
    idx_s = ipad.reshape(NW, NCHUNK, 1, CHUNK)
    idx2_s = (ipad // 32).reshape(NW, NCHUNK, 1, CHUNK)
    zidx = jnp.arange(NPAD, dtype=jnp.int32).reshape(NS, NPS // NZC, 1, NZC)
    zidx2 = jnp.arange(ETB, dtype=jnp.int32).reshape(ETB // NZC, 1, NZC)
    ei = ipad.reshape(EPAD, 1)
    ea = jnp.pad(edge_attr, ((0, pad), (0, 0)))
    dt = jnp.pad(edge_time, (0, pad)).reshape(EPAD, 1)
    zero_tab = jnp.zeros((NZC, D_OUT), f32)

    mesh = plsc.VectorSubcoreMesh(core_axis_name="c", subcore_axis_name="s")
    gath = pl.kernel(
        _gather_body,
        out_type=jax.ShapeDtypeStruct((2, EPAD, D_IN), f32),
        mesh=mesh,
        scratch_types=[
            pltpu.VMEM((G_CHUNK,), jnp.int32),
            pltpu.VMEM((G_CHUNK, D_IN), f32),
            pltpu.SemaphoreType.DMA,
        ],
    )(x, idx_g)

    def gate_mats(p):
        top = jnp.concatenate(
            [p["W_state"][:D_IN], p["B"][:D_IN], p["W_out"][:D_IN]], axis=1)
        bot = jnp.concatenate(
            [p["W_state"][D_IN:], p["B"][D_IN:], p["W_out"][D_IN:]], axis=1)
        bias = jnp.concatenate(
            [p["b_state"], jnp.zeros((D_OUT,), f32), p["b_out"]]).reshape(1, 3 * D_OUT)
        return top, bot, bias, p["C"], p["log_nA"].reshape(1, D_OUT)

    ktop, kbot, kbias, kc, kla = gate_mats(params["k"])
    vtop, vbot, vbias, vc, vla = gate_mats(params["v"])
    heads = jnp.arange(HEADS, dtype=jnp.int32)
    sdk = (jnp.arange(D_OUT, dtype=jnp.int32)[:, None] // D_K == heads[None, :]).astype(f32)
    shd = sdk.T
    lanes = jnp.arange(D_OUT, dtype=jnp.int32)
    rmat = (jnp.arange(32, dtype=jnp.int32)[:, None] == lanes[None, :] // 4).astype(f32)
    tmat = (heads[:, None] == lanes[None, :] % 4).astype(f32)
    bq = params["bq"].reshape(1, D_OUT)

    weights = [params["Wq"], bq, ktop, kbot, kbias, kc, kla,
               vtop, vbot, vbias, vc, vla, sdk, shd, rmat, tmat]

    wv, ex128 = pl.pallas_call(
        _edge_body,
        grid=(EPAD // BE,),
        in_specs=[
            pl.BlockSpec((2, BE, D_IN), lambda b: (0, b, 0)),
            pl.BlockSpec((BE, D_EDGE), lambda b: (b, 0)),
            pl.BlockSpec((BE, 1), lambda b: (b, 0)),
            pl.BlockSpec((BE, 1), lambda b: (b, 0)),
        ] + [_full(w.shape) for w in weights],
        out_specs=[
            pl.BlockSpec((BE, D_OUT), lambda b: (b, 0)),
            pl.BlockSpec((BE, D_OUT), lambda b: (b, 0)),
        ],
        out_shape=[
            jax.ShapeDtypeStruct((EPAD, D_OUT), f32),
            jax.ShapeDtypeStruct((EPAD, D_OUT), f32),
        ],
    )(gath, ea, dt, ei, *weights)

    aggw, agge = pl.kernel(
        _scatter_body,
        out_type=[
            jax.ShapeDtypeStruct((NC, NPAD, D_OUT), f32),
            jax.ShapeDtypeStruct((NC, ETB, D_OUT), f32),
        ],
        mesh=mesh,
        scratch_types=[
            pltpu.VMEM((CHUNK,), jnp.int32),
            pltpu.VMEM((CHUNK,), jnp.int32),
            pltpu.VMEM((CHUNK, D_OUT), f32),
            pltpu.VMEM((CHUNK, D_OUT), f32),
            pltpu.VMEM_SHARED((NPAD, D_OUT), f32),
            pltpu.VMEM_SHARED((ETB, D_OUT), f32),
        ],
    )(idx_s, idx2_s, zidx, zidx2, wv, ex128, zero_tab)
    den_tab = agge.reshape(NC, NPAD, HEADS)

    m1a = params["m1_W"][:D_IN]
    m1b = params["m1_W"][D_IN:]
    b1 = params["m1_b"].reshape(1, D_IN)
    b2 = params["m2_b"].reshape(1, D_OUT)
    fw = [m1a, m1b, b1, params["m2_W"], b2, shd]

    out = pl.pallas_call(
        _final_body,
        grid=(N // BN,),
        in_specs=[
            pl.BlockSpec((BN, D_IN), lambda b: (b, 0)),
            pl.BlockSpec((NC, BN, D_OUT), lambda b: (0, b, 0)),
            pl.BlockSpec((NC, BN, HEADS), lambda b: (0, b, 0)),
        ] + [_full(w.shape) for w in fw],
        out_specs=pl.BlockSpec((BN, D_OUT), lambda b: (b, 0)),
        out_shape=jax.ShapeDtypeStruct((N, D_OUT), f32),
    )(x, aggw, den_tab, *fw)
    return out

# --- scband reference (transcript-rebuilt; emitter-appended) ---
"""Pipeline reference for scband-gated-temporal-graph-attention-76836964926227 (READ-ONLY COPY).

The authoritative reference and input builder live on the scoring server;
editing this copy changes nothing except your own understanding.
"""

import jax, jax.numpy as jnp
import numpy as np

N = 10000
E = 320000
D_IN = 128
D_OUT = 128
D_EDGE = 16
HEADS = 4
D_K = D_OUT // HEADS
KEY_DIM = D_IN + D_EDGE
TIME_UNIT = 86400.0
SCALE = D_K ** -0.5


def _gate_params(key, d_in, d_s):
    ks = jax.random.split(key, 5)
    return {
        "log_nA": jax.random.normal(ks[0], (d_s,), jnp.float32) * 0.5,
        "B": jax.random.normal(ks[1], (d_in, d_s), jnp.float32) * (d_in ** -0.5),
        "C": jax.random.normal(ks[2], (d_s, d_s), jnp.float32) * (d_s ** -0.5),
        "W_state": jax.random.normal(ks[3], (d_in, d_s), jnp.float32) * (d_in ** -0.5),
        "b_state": jnp.zeros((d_s,), jnp.float32),
        "W_out": jax.random.normal(ks[4], (d_in, d_s), jnp.float32) * (d_in ** -0.5),
        "b_out": jnp.zeros((d_s,), jnp.float32),
    }


def setup_inputs(seed: int = 0):
    key = jax.random.key(seed)
    ks = jax.random.split(key, 8)
    x = jax.random.normal(ks[0], (N, D_IN), jnp.float32)
    edge_index = jax.random.randint(ks[1], (2, E), 0, N, jnp.int32)
    edge_time = jax.random.uniform(ks[2], (E,), jnp.float32) * TIME_UNIT
    edge_attr = jax.random.normal(ks[3], (E, D_EDGE), jnp.float32)
    km = jax.random.split(ks[7], 2)
    params = {
        "Wq": jax.random.normal(ks[4], (D_IN, D_OUT), jnp.float32) * (D_IN ** -0.5),
        "bq": jnp.zeros((D_OUT,), jnp.float32),
        "k": _gate_params(ks[5], KEY_DIM, D_OUT),
        "v": _gate_params(ks[6], KEY_DIM, D_OUT),
        "m1_W": jax.random.normal(km[0], (D_IN + D_OUT, D_IN), jnp.float32) * ((D_IN + D_OUT) ** -0.5),
        "m1_b": jnp.zeros((D_IN,), jnp.float32),
        "m2_W": jax.random.normal(km[1], (D_IN, D_OUT), jnp.float32) * (D_IN ** -0.5),
        "m2_b": jnp.zeros((D_OUT,), jnp.float32),
    }
    return {"x": x, "edge_index": edge_index, "edge_time": edge_time, "edge_attr": edge_attr, "params": params}


def _ssm_gate(p, delta_t, x):
    state = x @ p["W_state"] + p["b_state"]
    dt = delta_t / TIME_UNIT
    A = -jnp.exp(p["log_nA"])
    A_zoh = jnp.exp(dt[:, None] * A[None, :])
    B_x = dt[:, None] * (x @ p["B"])
    gate = jax.nn.selu((A_zoh * state + B_x) @ p["C"])
    return gate * (x @ p["W_out"] + p["b_out"])


def _scatter_softmax(res_att, seg, n):
    seg_max = jax.ops.segment_max(res_att, seg, num_segments=n)
    seg_max = jnp.where(jnp.isfinite(seg_max), seg_max, 0.0)
    seg_max = jax.lax.stop_gradient(seg_max)
    ex = jnp.exp(res_att - seg_max[seg])
    denom = jax.ops.segment_sum(ex, seg, num_segments=n)
    return ex / (denom[seg] + 1e-16)


def _forward(x, edge_time, edge_attr, params, edge_index):
    node_i = edge_index[0]
    node_j = edge_index[1]
    x_i = jnp.take(x, node_i, axis=0)
    x_j = jnp.take(x, node_j, axis=0)
    target = jnp.concatenate([x_j, edge_attr], axis=1)
    q = jax.nn.relu(x_i @ params["Wq"] + params["bq"]).reshape(-1, HEADS, D_K)
    k = jax.nn.relu(_ssm_gate(params["k"], edge_time, target)).reshape(-1, HEADS, D_K)
    v = _ssm_gate(params["v"], edge_time, target).reshape(-1, HEADS, D_K)
    res_att = jnp.sum(q * k, axis=-1) * SCALE
    scores = _scatter_softmax(res_att, node_i, N)
    v = scores[:, :, None] * v
    v = v.reshape(-1, D_OUT)
    agg = jax.ops.segment_sum(v, node_i, num_segments=N)
    h = jnp.concatenate([x, agg], axis=1)
    h = jax.nn.relu(h @ params["m1_W"] + params["m1_b"])
    out = h @ params["m2_W"] + params["m2_b"]
    return out + x


def reference(x, edge_index, edge_time, edge_attr, params):
    return _forward(x, edge_time, edge_attr, params, edge_index)

if __name__ == "__main__":
    import jax
    _d = setup_inputs()
    print(jax.jit(kernel)(*tuple(_d.values())))

</pallas_src>

<mosaic_0001>
#map = affine_map<(d0, d1) -> (0, 0)>
#map1 = affine_map<(d0, d1) -> (0, 0, 0, 0, 0)>
#map2 = affine_map<(d0, d1) -> (0, 0, 0)>
module attributes {stable_mosaic.version = 14 : i64} {
  func.func @_gather_body(%arg0: i32, %arg1: i32, %arg2: memref<10000x128xf32, #tpu.memory_space<hbm>>, %arg3: memref<2x32x79x1x128xi32, #tpu.memory_space<hbm>>, %arg4: memref<2x323584x128xf32, #tpu.memory_space<hbm>>, %arg5: memref<128xi32, #tpu.memory_space<vmem>>, %arg6: memref<128x128xf32, #tpu.memory_space<vmem>>, %arg7: memref<!tpu.dma_semaphore, #tpu.memory_space<semaphore_mem>>) attributes {dimension_semantics = [#tpu.dimension_semantics<core_parallel>, #tpu.dimension_semantics<subcore_parallel>], iteration_bounds = array<i64: 2, 16>, scalar_prefetch = 0 : i64, scratch_operands = 3 : i64, tpu.core_type = #tpu.core_type<sc_vector_subcore>, window_params = [{transform_indices = #map}, {transform_indices = #map1}, {transform_indices = #map2}]} {
    %mul3A = arith.constant 2 : i32
    %mul3A_0 = arith.muli %arg1, %mul3A : i32
    %add3A = arith.addi %mul3A_0, %arg0 : i32
    %scan3A = arith.constant 0 : i32
    %scan3A_1 = arith.constant 0 : i32
    %scan3A_2 = arith.constant 79 : i32
    %scan3A_3 = arith.addi %scan3A_1, %scan3A_2 : i32
    %scan3A_4 = arith.constant 1 : i32
    %scan3A_5 = scf.for %scan3A_14 = %scan3A_1 to %scan3A_3 step %scan3A_4 iter_args(%scan3A_15 = %scan3A) -> (i32)  : i32 {
      %run_scoped3A = arith.constant 0 : i32
      %run_scoped3A_16 = arith.constant 0 : i32
      "tpu.region"() ({
        %run_scoped3A_28 = tpu.sem_alloc : memref<!tpu.dma_semaphore, #tpu.memory_space<semaphore_mem>>
        %dma_start3A_29 = arith.constant 0 : i32
        %dma_start3A_30 = tpu.memref_slice %arg3[%run_scoped3A, %add3A, %scan3A_14, %run_scoped3A_16, %dma_start3A_29] : memref<2x32x79x1x128xi32, #tpu.memory_space<hbm>> -> memref<1x1x1x1x128xi32, #tpu.memory_space<hbm>>
        %dma_start3A_31 = tpu.memref_squeeze %dma_start3A_30 : memref<1x1x1x1x128xi32, #tpu.memory_space<hbm>> -> memref<128xi32, #tpu.memory_space<hbm>>
        %dma_start3A_32 = arith.constant 0 : i32
        %dma_start3A_33 = tpu.memref_slice %arg3[%run_scoped3A, %add3A, %scan3A_14, %run_scoped3A_16, %dma_start3A_32] : memref<2x32x79x1x128xi32, #tpu.memory_space<hbm>> -> memref<1x1x1x1x128xi32, #tpu.memory_space<hbm>>
        %dma_start3A_34 = tpu.memref_squeeze %dma_start3A_33 : memref<1x1x1x1x128xi32, #tpu.memory_space<hbm>> -> memref<128xi32, #tpu.memory_space<hbm>>
        tpu.enqueue_dma source(%dma_start3A_34 : memref<128xi32, #tpu.memory_space<hbm>>) target(%arg5 : memref<128xi32, #tpu.memory_space<vmem>>) target_semaphore(%run_scoped3A_28 : memref<!tpu.dma_semaphore, #tpu.memory_space<semaphore_mem>>)
        %dma_wait3A_35 = arith.constant 0 : i32
        %dma_wait3A_36 = tpu.memref_slice %arg3[%run_scoped3A, %add3A, %scan3A_14, %run_scoped3A_16, %dma_wait3A_35] : memref<2x32x79x1x128xi32, #tpu.memory_space<hbm>> -> memref<1x1x1x1x128xi32, #tpu.memory_space<hbm>>
        %dma_wait3A_37 = tpu.memref_squeeze %dma_wait3A_36 : memref<1x1x1x1x128xi32, #tpu.memory_space<hbm>> -> memref<128xi32, #tpu.memory_space<hbm>>
        %dma_wait3A_38 = arith.constant 0 : i32
        %dma_wait3A_39 = tpu.memref_slice %arg3[%run_scoped3A, %add3A, %scan3A_14, %run_scoped3A_16, %dma_wait3A_38] : memref<2x32x79x1x128xi32, #tpu.memory_space<hbm>> -> memref<1x1x1x1x128xi32, #tpu.memory_space<hbm>>
        %dma_wait3A_40 = tpu.memref_squeeze %dma_wait3A_39 : memref<1x1x1x1x128xi32, #tpu.memory_space<hbm>> -> memref<128xi32, #tpu.memory_space<hbm>>
        tpu.wait_dma2 semaphore(%run_scoped3A_28 : memref<!tpu.dma_semaphore, #tpu.memory_space<semaphore_mem>>) src(%dma_wait3A_40 : memref<128xi32, #tpu.memory_space<hbm>>) dst(%arg5 : memref<128xi32, #tpu.memory_space<vmem>>)
        tpu.yield
      }) : () -> ()
      %dma_start3A = arith.constant 0 : i32
      %dma_start3A_17 = arith.constant 0 : i32
      %dma_start3A_18 = tpu.memref_slice %arg2[%dma_start3A, %dma_start3A_17] : memref<10000x128xf32, #tpu.memory_space<hbm>> -> memref<10000x128xf32, #tpu.memory_space<hbm>>
      tpu.enqueue_indirect_dma source(%dma_start3A_18 : memref<10000x128xf32, #tpu.memory_space<hbm>>) target(%arg6 : memref<128x128xf32, #tpu.memory_space<vmem>>) offsets(%arg5 : memref<128xi32, #tpu.memory_space<vmem>>) semaphore(%arg7 : memref<!tpu.dma_semaphore, #tpu.memory_space<semaphore_mem>>)
      %dma_wait3A = arith.constant 0 : i32
      %dma_wait3A_19 = arith.constant 0 : i32
      %dma_wait3A_20 = tpu.memref_slice %arg2[%dma_wait3A, %dma_wait3A_19] : memref<10000x128xf32, #tpu.memory_space<hbm>> -> memref<10000x128xf32, #tpu.memory_space<hbm>>
      tpu.wait_indirect_dma semaphore(%arg7 : memref<!tpu.dma_semaphore, #tpu.memory_space<semaphore_mem>>) src(%dma_wait3A_20 : memref<10000x128xf32, #tpu.memory_space<hbm>>) dst(%arg6 : memref<128x128xf32, #tpu.memory_space<vmem>>)
      %mul3A_21 = arith.constant 10112 : i32
      %mul3A_22 = arith.muli %add3A, %mul3A_21 : i32
      %mul3A_23 = arith.constant 128 : i32
      %mul3A_24 = arith.muli %scan3A_14, %mul3A_23 : i32
      %add3A_25 = arith.addi %mul3A_22, %mul3A_24 : i32
      %run_scoped3A_26 = arith.constant 0 : i32
      "tpu.region"() ({
        %run_scoped3A_28 = tpu.sem_alloc : memref<!tpu.dma_semaphore, #tpu.memory_space<semaphore_mem>>
        %dma_start3A_29 = arith.constant 0 : i32
        %dma_start3A_30 = tpu.memref_slice %arg4[%run_scoped3A_26, %add3A_25, %dma_start3A_29] : memref<2x323584x128xf32, #tpu.memory_space<hbm>> -> memref<1x128x128xf32, #tpu.memory_space<hbm>>
        %dma_start3A_31 = tpu.memref_squeeze %dma_start3A_30 : memref<1x128x128xf32, #tpu.memory_space<hbm>> -> memref<128x128xf32, #tpu.memory_space<hbm>>
        %dma_start3A_32 = arith.constant 0 : i32
        %dma_start3A_33 = tpu.memref_slice %arg4[%run_scoped3A_26, %add3A_25, %dma_start3A_32] : memref<2x323584x128xf32, #tpu.memory_space<hbm>> -> memref<1x128x128xf32, #tpu.memory_space<hbm>>
        %dma_start3A_34 = tpu.memref_squeeze %dma_start3A_33 : memref<1x128x128xf32, #tpu.memory_space<hbm>> -> memref<128x128xf32, #tpu.memory_space<hbm>>
        tpu.enqueue_dma source(%arg6 : memref<128x128xf32, #tpu.memory_space<vmem>>) target(%dma_start3A_34 : memref<128x128xf32, #tpu.memory_space<hbm>>) target_semaphore(%run_scoped3A_28 : memref<!tpu.dma_semaphore, #tpu.memory_space<semaphore_mem>>)
        %dma_wait3A_35 = arith.constant 0 : i32
        %dma_wait3A_36 = tpu.memref_slice %arg4[%run_scoped3A_26, %add3A_25, %dma_wait3A_35] : memref<2x323584x128xf32, #tpu.memory_space<hbm>> -> memref<1x128x128xf32, #tpu.memory_space<hbm>>
        %dma_wait3A_37 = tpu.memref_squeeze %dma_wait3A_36 : memref<1x128x128xf32, #tpu.memory_space<hbm>> -> memref<128x128xf32, #tpu.memory_space<hbm>>
        %dma_wait3A_38 = arith.constant 0 : i32
        %dma_wait3A_39 = tpu.memref_slice %arg4[%run_scoped3A_26, %add3A_25, %dma_wait3A_38] : memref<2x323584x128xf32, #tpu.memory_space<hbm>> -> memref<1x128x128xf32, #tpu.memory_space<hbm>>
        %dma_wait3A_40 = tpu.memref_squeeze %dma_wait3A_39 : memref<1x128x128xf32, #tpu.memory_space<hbm>> -> memref<128x128xf32, #tpu.memory_space<hbm>>
        tpu.wait_dma2 semaphore(%run_scoped3A_28 : memref<!tpu.dma_semaphore, #tpu.memory_space<semaphore_mem>>) src(%arg6 : memref<128x128xf32, #tpu.memory_space<vmem>>) dst(%dma_wait3A_40 : memref<128x128xf32, #tpu.memory_space<hbm>>)
        tpu.yield
      }) : () -> ()
      %scan3A_27 = arith.constant 0 : i32
      scf.yield %scan3A_27 : i32
    }
    %scan3A_6 = arith.constant 79 : i32
    %scan3A_7 = arith.constant 0 : i32
    %scan3A_8 = arith.constant 0 : i32
    %scan3A_9 = arith.constant 79 : i32
    %scan3A_10 = arith.addi %scan3A_8, %scan3A_9 : i32
    %scan3A_11 = arith.constant 1 : i32
    %scan3A_12 = scf.for %scan3A_14 = %scan3A_8 to %scan3A_10 step %scan3A_11 iter_args(%scan3A_15 = %scan3A_7) -> (i32)  : i32 {
      %run_scoped3A = arith.constant 1 : i32
      %run_scoped3A_16 = arith.constant 0 : i32
      "tpu.region"() ({
        %run_scoped3A_28 = tpu.sem_alloc : memref<!tpu.dma_semaphore, #tpu.memory_space<semaphore_mem>>
        %dma_start3A_29 = arith.constant 0 : i32
        %dma_start3A_30 = tpu.memref_slice %arg3[%run_scoped3A, %add3A, %scan3A_14, %run_scoped3A_16, %dma_start3A_29] : memref<2x32x79x1x128xi32, #tpu.memory_space<hbm>> -> memref<1x1x1x1x128xi32, #tpu.memory_space<hbm>>
        %dma_start3A_31 = tpu.memref_squeeze %dma_start3A_30 : memref<1x1x1x1x128xi32, #tpu.memory_space<hbm>> -> memref<128xi32, #tpu.memory_space<hbm>>
        %dma_start3A_32 = arith.constant 0 : i32
        %dma_start3A_33 = tpu.memref_slice %arg3[%run_scoped3A, %add3A, %scan3A_14, %run_scoped3A_16, %dma_start3A_32] : memref<2x32x79x1x128xi32, #tpu.memory_space<hbm>> -> memref<1x1x1x1x128xi32, #tpu.memory_space<hbm>>
        %dma_start3A_34 = tpu.memref_squeeze %dma_start3A_33 : memref<1x1x1x1x128xi32, #tpu.memory_space<hbm>> -> memref<128xi32, #tpu.memory_space<hbm>>
        tpu.enqueue_dma source(%dma_start3A_34 : memref<128xi32, #tpu.memory_space<hbm>>) target(%arg5 : memref<128xi32, #tpu.memory_space<vmem>>) target_semaphore(%run_scoped3A_28 : memref<!tpu.dma_semaphore, #tpu.memory_space<semaphore_mem>>)
        %dma_wait3A_35 = arith.constant 0 : i32
        %dma_wait3A_36 = tpu.memref_slice %arg3[%run_scoped3A, %add3A, %scan3A_14, %run_scoped3A_16, %dma_wait3A_35] : memref<2x32x79x1x128xi32, #tpu.memory_space<hbm>> -> memref<1x1x1x1x128xi32, #tpu.memory_space<hbm>>
        %dma_wait3A_37 = tpu.memref_squeeze %dma_wait3A_36 : memref<1x1x1x1x128xi32, #tpu.memory_space<hbm>> -> memref<128xi32, #tpu.memory_space<hbm>>
        %dma_wait3A_38 = arith.constant 0 : i32
        %dma_wait3A_39 = tpu.memref_slice %arg3[%run_scoped3A, %add3A, %scan3A_14, %run_scoped3A_16, %dma_wait3A_38] : memref<2x32x79x1x128xi32, #tpu.memory_space<hbm>> -> memref<1x1x1x1x128xi32, #tpu.memory_space<hbm>>
        %dma_wait3A_40 = tpu.memref_squeeze %dma_wait3A_39 : memref<1x1x1x1x128xi32, #tpu.memory_space<hbm>> -> memref<128xi32, #tpu.memory_space<hbm>>
        tpu.wait_dma2 semaphore(%run_scoped3A_28 : memref<!tpu.dma_semaphore, #tpu.memory_space<semaphore_mem>>) src(%dma_wait3A_40 : memref<128xi32, #tpu.memory_space<hbm>>) dst(%arg5 : memref<128xi32, #tpu.memory_space<vmem>>)
        tpu.yield
      }) : () -> ()
      %dma_start3A = arith.constant 0 : i32
      %dma_start3A_17 = arith.constant 0 : i32
      %dma_start3A_18 = tpu.memref_slice %arg2[%dma_start3A, %dma_start3A_17] : memref<10000x128xf32, #tpu.memory_space<hbm>> -> memref<10000x128xf32, #tpu.memory_space<hbm>>
      tpu.enqueue_indirect_dma source(%dma_start3A_18 : memref<10000x128xf32, #tpu.memory_space<hbm>>) target(%arg6 : memref<128x128xf32, #tpu.memory_space<vmem>>) offsets(%arg5 : memref<128xi32, #tpu.memory_space<vmem>>) semaphore(%arg7 : memref<!tpu.dma_semaphore, #tpu.memory_space<semaphore_mem>>)
      %dma_wait3A = arith.constant 0 : i32
      %dma_wait3A_19 = arith.constant 0 : i32
      %dma_wait3A_20 = tpu.memref_slice %arg2[%dma_wait3A, %dma_wait3A_19] : memref<10000x128xf32, #tpu.memory_space<hbm>> -> memref<10000x128xf32, #tpu.memory_space<hbm>>
      tpu.wait_indirect_dma semaphore(%arg7 : memref<!tpu.dma_semaphore, #tpu.memory_space<semaphore_mem>>) src(%dma_wait3A_20 : memref<10000x128xf32, #tpu.memory_space<hbm>>) dst(%arg6 : memref<128x128xf32, #tpu.memory_space<vmem>>)
      %mul3A_21 = arith.constant 10112 : i32
      %mul3A_22 = arith.muli %add3A, %mul3A_21 : i32
      %mul3A_23 = arith.constant 128 : i32
      %mul3A_24 = arith.muli %scan3A_14, %mul3A_23 : i32
      %add3A_25 = arith.addi %mul3A_22, %mul3A_24 : i32
      %run_scoped3A_26 = arith.constant 1 : i32
      "tpu.region"() ({
        %run_scoped3A_28 = tpu.sem_alloc : memref<!tpu.dma_semaphore, #tpu.memory_space<semaphore_mem>>
        %dma_start3A_29 = arith.constant 0 : i32
        %dma_start3A_30 = tpu.memref_slice %arg4[%run_scoped3A_26, %add3A_25, %dma_start3A_29] : memref<2x323584x128xf32, #tpu.memory_space<hbm>> -> memref<1x128x128xf32, #tpu.memory_space<hbm>>
        %dma_start3A_31 = tpu.memref_squeeze %dma_start3A_30 : memref<1x128x128xf32, #tpu.memory_space<hbm>> -> memref<128x128xf32, #tpu.memory_space<hbm>>
        %dma_start3A_32 = arith.constant 0 : i32
        %dma_start3A_33 = tpu.memref_slice %arg4[%run_scoped3A_26, %add3A_25, %dma_start3A_32] : memref<2x323584x128xf32, #tpu.memory_space<hbm>> -> memref<1x128x128xf32, #tpu.memory_space<hbm>>
        %dma_start3A_34 = tpu.memref_squeeze %dma_start3A_33 : memref<1x128x128xf32, #tpu.memory_space<hbm>> -> memref<128x128xf32, #tpu.memory_space<hbm>>
        tpu.enqueue_dma source(%arg6 : memref<128x128xf32, #tpu.memory_space<vmem>>) target(%dma_start3A_34 : memref<128x128xf32, #tpu.memory_space<hbm>>) target_semaphore(%run_scoped3A_28 : memref<!tpu.dma_semaphore, #tpu.memory_space<semaphore_mem>>)
        %dma_wait3A_35 = arith.constant 0 : i32
        %dma_wait3A_36 = tpu.memref_slice %arg4[%run_scoped3A_26, %add3A_25, %dma_wait3A_35] : memref<2x323584x128xf32, #tpu.memory_space<hbm>> -> memref<1x128x128xf32, #tpu.memory_space<hbm>>
        %dma_wait3A_37 = tpu.memref_squeeze %dma_wait3A_36 : memref<1x128x128xf32, #tpu.memory_space<hbm>> -> memref<128x128xf32, #tpu.memory_space<hbm>>
        %dma_wait3A_38 = arith.constant 0 : i32
        %dma_wait3A_39 = tpu.memref_slice %arg4[%run_scoped3A_26, %add3A_25, %dma_wait3A_38] : memref<2x323584x128xf32, #tpu.memory_space<hbm>> -> memref<1x128x128xf32, #tpu.memory_space<hbm>>
        %dma_wait3A_40 = tpu.memref_squeeze %dma_wait3A_39 : memref<1x128x128xf32, #tpu.memory_space<hbm>> -> memref<128x128xf32, #tpu.memory_space<hbm>>
        tpu.wait_dma2 semaphore(%run_scoped3A_28 : memref<!tpu.dma_semaphore, #tpu.memory_space<semaphore_mem>>) src(%arg6 : memref<128x128xf32, #tpu.memory_space<vmem>>) dst(%dma_wait3A_40 : memref<128x128xf32, #tpu.memory_space<hbm>>)
        tpu.yield
      }) : () -> ()
      %scan3A_27 = arith.constant 0 : i32
      scf.yield %scan3A_27 : i32
    }
    %scan3A_13 = arith.constant 79 : i32
    return
  }
}

#map = affine_map<(d0, d1) -> (0, 0, 0, 0)>
#map1 = affine_map<(d0, d1) -> (0, 0, 0)>
#map2 = affine_map<(d0, d1) -> (0, 0)>
module attributes {stable_mosaic.version = 14 : i64} {
  func.func @_scatter_body(%arg0: i32, %arg1: i32, %arg2: memref<32x158x1x64xi32, #tpu.memory_space<hbm>>, %arg3: memref<32x158x1x64xi32, #tpu.memory_space<hbm>>, %arg4: memref<16x10x1x64xi32, #tpu.memory_space<hbm>>, %arg5: memref<5x1x64xi32, #tpu.memory_space<hbm>>, %arg6: memref<323584x128xf32, #tpu.memory_space<hbm>>, %arg7: memref<323584x128xf32, #tpu.memory_space<hbm>>, %arg8: memref<64x128xf32, #tpu.memory_space<hbm>>, %arg9: memref<2x10240x128xf32, #tpu.memory_space<hbm>>, %arg10: memref<2x320x128xf32, #tpu.memory_space<hbm>>, %arg11: memref<64xi32, #tpu.memory_space<vmem>>, %arg12: memref<64xi32, #tpu.memory_space<vmem>>, %arg13: memref<64x128xf32, #tpu.memory_space<vmem>>, %arg14: memref<64x128xf32, #tpu.memory_space<vmem>>, %arg15: memref<10240x128xf32, #tpu.memory_space<vmem_shared>>, %arg16: memref<320x128xf32, #tpu.memory_space<vmem_shared>>) attributes {dimension_semantics = [#tpu.dimension_semantics<core_parallel>, #tpu.dimension_semantics<subcore_parallel>], iteration_bounds = array<i64: 2, 16>, scalar_prefetch = 0 : i64, scratch_operands = 6 : i64, tpu.core_type = #tpu.core_type<sc_vector_subcore>, window_params = [{transform_indices = #map}, {transform_indices = #map}, {transform_indices = #map}, {transform_indices = #map1}, {transform_indices = #map2}, {transform_indices = #map2}, {transform_indices = #map2}, {transform_indices = #map1}, {transform_indices = #map1}]} {
    %mul3A = arith.constant 2 : i32
    %mul3A_0 = arith.muli %arg1, %mul3A : i32
    %add3A = arith.addi %mul3A_0, %arg0 : i32
    "tpu.region"() ({
      %run_scoped3A_94 = tpu.sem_alloc : memref<!tpu.dma_semaphore, #tpu.memory_space<semaphore_mem>>
      tpu.enqueue_dma source(%arg8 : memref<64x128xf32, #tpu.memory_space<hbm>>) target(%arg13 : memref<64x128xf32, #tpu.memory_space<vmem>>) target_semaphore(%run_scoped3A_94 : memref<!tpu.dma_semaphore, #tpu.memory_space<semaphore_mem>>)
      tpu.wait_dma2 semaphore(%run_scoped3A_94 : memref<!tpu.dma_semaphore, #tpu.memory_space<semaphore_mem>>) src(%arg8 : memref<64x128xf32, #tpu.memory_space<hbm>>) dst(%arg13 : memref<64x128xf32, #tpu.memory_space<vmem>>)
      tpu.yield
    }) : () -> ()
    %run_scoped3A = arith.constant 0 : i32
    %run_scoped3A_1 = arith.constant 0 : i32
    "tpu.region"() ({
      %run_scoped3A_94 = tpu.sem_alloc : memref<!tpu.dma_semaphore, #tpu.memory_space<semaphore_mem>>
      %dma_start3A = arith.constant 0 : i32
      %dma_start3A_95 = tpu.memref_slice %arg4[%arg1, %run_scoped3A, %run_scoped3A_1, %dma_start3A] : memref<16x10x1x64xi32, #tpu.memory_space<hbm>> -> memref<1x1x1x64xi32, #tpu.memory_space<hbm>>
      %dma_start3A_96 = tpu.memref_squeeze %dma_start3A_95 : memref<1x1x1x64xi32, #tpu.memory_space<hbm>> -> memref<64xi32, #tpu.memory_space<hbm>>
      %dma_start3A_97 = arith.constant 0 : i32
      %dma_start3A_98 = tpu.memref_slice %arg4[%arg1, %run_scoped3A, %run_scoped3A_1, %dma_start3A_97] : memref<16x10x1x64xi32, #tpu.memory_space<hbm>> -> memref<1x1x1x64xi32, #tpu.memory_space<hbm>>
      %dma_start3A_99 = tpu.memref_squeeze %dma_start3A_98 : memref<1x1x1x64xi32, #tpu.memory_space<hbm>> -> memref<64xi32, #tpu.memory_space<hbm>>
      tpu.enqueue_dma source(%dma_start3A_99 : memref<64xi32, #tpu.memory_space<hbm>>) target(%arg11 : memref<64xi32, #tpu.memory_space<vmem>>) target_semaphore(%run_scoped3A_94 : memref<!tpu.dma_semaphore, #tpu.memory_space<semaphore_mem>>)
      %dma_wait3A = arith.constant 0 : i32
      %dma_wait3A_100 = tpu.memref_slice %arg4[%arg1, %run_scoped3A, %run_scoped3A_1, %dma_wait3A] : memref<16x10x1x64xi32, #tpu.memory_space<hbm>> -> memref<1x1x1x64xi32, #tpu.memory_space<hbm>>
      %dma_wait3A_101 = tpu.memref_squeeze %dma_wait3A_100 : memref<1x1x1x64xi32, #tpu.memory_space<hbm>> -> memref<64xi32, #tpu.memory_space<hbm>>
      %dma_wait3A_102 = arith.constant 0 : i32
      %dma_wait3A_103 = tpu.memref_slice %arg4[%arg1, %run_scoped3A, %run_scoped3A_1, %dma_wait3A_102] : memref<16x10x1x64xi32, #tpu.memory_space<hbm>> -> memref<1x1x1x64xi32, #tpu.memory_space<hbm>>
      %dma_wait3A_104 = tpu.memref_squeeze %dma_wait3A_103 : memref<1x1x1x64xi32, #tpu.memory_space<hbm>> -> memref<64xi32, #tpu.memory_space<hbm>>
      tpu.wait_dma2 semaphore(%run_scoped3A_94 : memref<!tpu.dma_semaphore, #tpu.memory_space<semaphore_mem>>) src(%dma_wait3A_104 : memref<64xi32, #tpu.memory_space<hbm>>) dst(%arg11 : memref<64xi32, #tpu.memory_space<vmem>>)
      tpu.yield
    }) : () -> ()
    "tpu.region"() ({
      %run_scoped3A_94 = tpu.sem_alloc : memref<!tpu.dma_semaphore, #tpu.memory_space<semaphore_mem>>
      %dma_start3A = arith.constant 0 : i32
      %dma_start3A_95 = arith.constant 0 : i32
      %dma_start3A_96 = tpu.memref_slice %arg15[%dma_start3A, %dma_start3A_95] : memref<10240x128xf32, #tpu.memory_space<vmem_shared>> -> memref<10240x128xf32, #tpu.memory_space<vmem_shared>>
      tpu.enqueue_indirect_dma source(%arg13 : memref<64x128xf32, #tpu.memory_space<vmem>>) target(%dma_start3A_96 : memref<10240x128xf32, #tpu.memory_space<vmem_shared>>) offsets(%arg11 : memref<64xi32, #tpu.memory_space<vmem>>) semaphore(%run_scoped3A_94 : memref<!tpu.dma_semaphore, #tpu.memory_space<semaphore_mem>>)
      %dma_wait3A = arith.constant 0 : i32
      %dma_wait3A_97 = arith.constant 0 : i32
      %dma_wait3A_98 = tpu.memref_slice %arg15[%dma_wait3A, %dma_wait3A_97] : memref<10240x128xf32, #tpu.memory_space<vmem_shared>> -> memref<10240x128xf32, #tpu.memory_space<vmem_shared>>
      tpu.wait_indirect_dma semaphore(%run_scoped3A_94 : memref<!tpu.dma_semaphore, #tpu.memory_space<semaphore_mem>>) src(%arg13 : memref<64x128xf32, #tpu.memory_space<vmem>>) dst(%dma_wait3A_98 : memref<10240x128xf32, #tpu.memory_space<vmem_shared>>)
      tpu.yield
    }) : () -> ()
    %run_scoped3A_2 = arith.constant 1 : i32
    %run_scoped3A_3 = arith.constant 0 : i32
    "tpu.region"() ({
      %run_scoped3A_94 = tpu.sem_alloc : memref<!tpu.dma_semaphore, #tpu.memory_space<semaphore_mem>>
      %dma_start3A = arith.constant 0 : i32
      %dma_start3A_95 = tpu.memref_slice %arg4[%arg1, %run_scoped3A_2, %run_scoped3A_3, %dma_start3A] : memref<16x10x1x64xi32, #tpu.memory_space<hbm>> -> memref<1x1x1x64xi32, #tpu.memory_space<hbm>>
      %dma_start3A_96 = tpu.memref_squeeze %dma_start3A_95 : memref<1x1x1x64xi32, #tpu.memory_space<hbm>> -> memref<64xi32, #tpu.memory_space<hbm>>
      %dma_start3A_97 = arith.constant 0 : i32
      %dma_start3A_98 = tpu.memref_slice %arg4[%arg1, %run_scoped3A_2, %run_scoped3A_3, %dma_start3A_97] : memref<16x10x1x64xi32, #tpu.memory_space<hbm>> -> memref<1x1x1x64xi32, #tpu.memory_space<hbm>>
      %dma_start3A_99 = tpu.memref_squeeze %dma_start3A_98 : memref<1x1x1x64xi32, #tpu.memory_space<hbm>> -> memref<64xi32, #tpu.memory_space<hbm>>
      tpu.enqueue_dma source(%dma_start3A_99 : memref<64xi32, #tpu.memory_space<hbm>>) target(%arg11 : memref<64xi32, #tpu.memory_space<vmem>>) target_semaphore(%run_scoped3A_94 : memref<!tpu.dma_semaphore, #tpu.memory_space<semaphore_mem>>)
      %dma_wait3A = arith.constant 0 : i32
      %dma_wait3A_100 = tpu.memref_slice %arg4[%arg1, %run_scoped3A_2, %run_scoped3A_3, %dma_wait3A] : memref<16x10x1x64xi32, #tpu.memory_space<hbm>> -> memref<1x1x1x64xi32, #tpu.memory_space<hbm>>
      %dma_wait3A_101 = tpu.memref_squeeze %dma_wait3A_100 : memref<1x1x1x64xi32, #tpu.memory_space<hbm>> -> memref<64xi32, #tpu.memory_space<hbm>>
      %dma_wait3A_102 = arith.constant 0 : i32
      %dma_wait3A_103 = tpu.memref_slice %arg4[%arg1, %run_scoped3A_2, %run_scoped3A_3, %dma_wait3A_102] : memref<16x10x1x64xi32, #tpu.memory_space<hbm>> -> memref<1x1x1x64xi32, #tpu.memory_space<hbm>>
      %dma_wait3A_104 = tpu.memref_squeeze %dma_wait3A_103 : memref<1x1x1x64xi32, #tpu.memory_space<hbm>> -> memref<64xi32, #tpu.memory_space<hbm>>
      tpu.wait_dma2 semaphore(%run_scoped3A_94 : memref<!tpu.dma_semaphore, #tpu.memory_space<semaphore_mem>>) src(%dma_wait3A_104 : memref<64xi32, #tpu.memory_space<hbm>>) dst(%arg11 : memref<64xi32, #tpu.memory_space<vmem>>)
      tpu.yield
    }) : () -> ()
    "tpu.region"() ({
      %run_scoped3A_94 = tpu.sem_alloc : memref<!tpu.dma_semaphore, #tpu.memory_space<semaphore_mem>>
      %dma_start3A = arith.constant 0 : i32
      %dma_start3A_95 = arith.constant 0 : i32
      %dma_start3A_96 = tpu.memref_slice %arg15[%dma_start3A, %dma_start3A_95] : memref<10240x128xf32, #tpu.memory_space<vmem_shared>> -> memref<10240x128xf32, #tpu.memory_space<vmem_shared>>
      tpu.enqueue_indirect_dma source(%arg13 : memref<64x128xf32, #tpu.memory_space<vmem>>) target(%dma_start3A_96 : memref<10240x128xf32, #tpu.memory_space<vmem_shared>>) offsets(%arg11 : memref<64xi32, #tpu.memory_space<vmem>>) semaphore(%run_scoped3A_94 : memref<!tpu.dma_semaphore, #tpu.memory_space<semaphore_mem>>)
      %dma_wait3A = arith.constant 0 : i32
      %dma_wait3A_97 = arith.constant 0 : i32
      %dma_wait3A_98 = tpu.memref_slice %arg15[%dma_wait3A, %dma_wait3A_97] : memref<10240x128xf32, #tpu.memory_space<vmem_shared>> -> memref<10240x128xf32, #tpu.memory_space<vmem_shared>>
      tpu.wait_indirect_dma semaphore(%run_scoped3A_94 : memref<!tpu.dma_semaphore, #tpu.memory_space<semaphore_mem>>) src(%arg13 : memref<64x128xf32, #tpu.memory_space<vmem>>) dst(%dma_wait3A_98 : memref<10240x128xf32, #tpu.memory_space<vmem_shared>>)
      tpu.yield
    }) : () -> ()
    %run_scoped3A_4 = arith.constant 2 : i32
    %run_scoped3A_5 = arith.constant 0 : i32
    "tpu.region"() ({
      %run_scoped3A_94 = tpu.sem_alloc : memref<!tpu.dma_semaphore, #tpu.memory_space<semaphore_mem>>
      %dma_start3A = arith.constant 0 : i32
      %dma_start3A_95 = tpu.memref_slice %arg4[%arg1, %run_scoped3A_4, %run_scoped3A_5, %dma_start3A] : memref<16x10x1x64xi32, #tpu.memory_space<hbm>> -> memref<1x1x1x64xi32, #tpu.memory_space<hbm>>
      %dma_start3A_96 = tpu.memref_squeeze %dma_start3A_95 : memref<1x1x1x64xi32, #tpu.memory_space<hbm>> -> memref<64xi32, #tpu.memory_space<hbm>>
      %dma_start3A_97 = arith.constant 0 : i32
      %dma_start3A_98 = tpu.memref_slice %arg4[%arg1, %run_scoped3A_4, %run_scoped3A_5, %dma_start3A_97] : memref<16x10x1x64xi32, #tpu.memory_space<hbm>> -> memref<1x1x1x64xi32, #tpu.memory_space<hbm>>
      %dma_start3A_99 = tpu.memref_squeeze %dma_start3A_98 : memref<1x1x1x64xi32, #tpu.memory_space<hbm>> -> memref<64xi32, #tpu.memory_space<hbm>>
      tpu.enqueue_dma source(%dma_start3A_99 : memref<64xi32, #tpu.memory_space<hbm>>) target(%arg11 : memref<64xi32, #tpu.memory_space<vmem>>) target_semaphore(%run_scoped3A_94 : memref<!tpu.dma_semaphore, #tpu.memory_space<semaphore_mem>>)
      %dma_wait3A = arith.constant 0 : i32
      %dma_wait3A_100 = tpu.memref_slice %arg4[%arg1, %run_scoped3A_4, %run_scoped3A_5, %dma_wait3A] : memref<16x10x1x64xi32, #tpu.memory_space<hbm>> -> memref<1x1x1x64xi32, #tpu.memory_space<hbm>>
      %dma_wait3A_101 = tpu.memref_squeeze %dma_wait3A_100 : memref<1x1x1x64xi32, #tpu.memory_space<hbm>> -> memref<64xi32, #tpu.memory_space<hbm>>
      %dma_wait3A_102 = arith.constant 0 : i32
      %dma_wait3A_103 = tpu.memref_slice %arg4[%arg1, %run_scoped3A_4, %run_scoped3A_5, %dma_wait3A_102] : memref<16x10x1x64xi32, #tpu.memory_space<hbm>> -> memref<1x1x1x64xi32, #tpu.memory_space<hbm>>
      %dma_wait3A_104 = tpu.memref_squeeze %dma_wait3A_103 : memref<1x1x1x64xi32, #tpu.memory_space<hbm>> -> memref<64xi32, #tpu.memory_space<hbm>>
      tpu.wait_dma2 semaphore(%run_scoped3A_94 : memref<!tpu.dma_semaphore, #tpu.memory_space<semaphore_mem>>) src(%dma_wait3A_104 : memref<64xi32, #tpu.memory_space<hbm>>) dst(%arg11 : memref<64xi32, #tpu.memory_space<vmem>>)
      tpu.yield
    }) : () -> ()
    "tpu.region"() ({
      %run_scoped3A_94 = tpu.sem_alloc : memref<!tpu.dma_semaphore, #tpu.memory_space<semaphore_mem>>
      %dma_start3A = arith.constant 0 : i32
      %dma_start3A_95 = arith.constant 0 : i32
      %dma_start3A_96 = tpu.memref_slice %arg15[%dma_start3A, %dma_start3A_95] : memref<10240x128xf32, #tpu.memory_space<vmem_shared>> -> memref<10240x128xf32, #tpu.memory_space<vmem_shared>>
      tpu.enqueue_indirect_dma source(%arg13 : memref<64x128xf32, #tpu.memory_space<vmem>>) target(%dma_start3A_96 : memref<10240x128xf32, #tpu.memory_space<vmem_shared>>) offsets(%arg11 : memref<64xi32, #tpu.memory_space<vmem>>) semaphore(%run_scoped3A_94 : memref<!tpu.dma_semaphore, #tpu.memory_space<semaphore_mem>>)
      %dma_wait3A = arith.constant 0 : i32
      %dma_wait3A_97 = arith.constant 0 : i32
      %dma_wait3A_98 = tpu.memref_slice %arg15[%dma_wait3A, %dma_wait3A_97] : memref<10240x128xf32, #tpu.memory_space<vmem_shared>> -> memref<10240x128xf32, #tpu.memory_space<vmem_shared>>
      tpu.wait_indirect_dma semaphore(%run_scoped3A_94 : memref<!tpu.dma_semaphore, #tpu.memory_space<semaphore_mem>>) src(%arg13 : memref<64x128xf32, #tpu.memory_space<vmem>>) dst(%dma_wait3A_98 : memref<10240x128xf32, #tpu.memory_space<vmem_shared>>)
      tpu.yield
    }) : () -> ()
    %run_scoped3A_6 = arith.constant 3 : i32
    %run_scoped3A_7 = arith.constant 0 : i32
    "tpu.region"() ({
      %run_scoped3A_94 = tpu.sem_alloc : memref<!tpu.dma_semaphore, #tpu.memory_space<semaphore_mem>>
      %dma_start3A = arith.constant 0 : i32
      %dma_start3A_95 = tpu.memref_slice %arg4[%arg1, %run_scoped3A_6, %run_scoped3A_7, %dma_start3A] : memref<16x10x1x64xi32, #tpu.memory_space<hbm>> -> memref<1x1x1x64xi32, #tpu.memory_space<hbm>>
      %dma_start3A_96 = tpu.memref_squeeze %dma_start3A_95 : memref<1x1x1x64xi32, #tpu.memory_space<hbm>> -> memref<64xi32, #tpu.memory_space<hbm>>
      %dma_start3A_97 = arith.constant 0 : i32
      %dma_start3A_98 = tpu.memref_slice %arg4[%arg1, %run_scoped3A_6, %run_scoped3A_7, %dma_start3A_97] : memref<16x10x1x64xi32, #tpu.memory_space<hbm>> -> memref<1x1x1x64xi32, #tpu.memory_space<hbm>>
      %dma_start3A_99 = tpu.memref_squeeze %dma_start3A_98 : memref<1x1x1x64xi32, #tpu.memory_space<hbm>> -> memref<64xi32, #tpu.memory_space<hbm>>
      tpu.enqueue_dma source(%dma_start3A_99 : memref<64xi32, #tpu.memory_space<hbm>>) target(%arg11 : memref<64xi32, #tpu.memory_space<vmem>>) target_semaphore(%run_scoped3A_94 : memref<!tpu.dma_semaphore, #tpu.memory_space<semaphore_mem>>)
      %dma_wait3A = arith.constant 0 : i32
      %dma_wait3A_100 = tpu.memref_slice %arg4[%arg1, %run_scoped3A_6, %run_scoped3A_7, %dma_wait3A] : memref<16x10x1x64xi32, #tpu.memory_space<hbm>> -> memref<1x1x1x64xi32, #tpu.memory_space<hbm>>
      %dma_wait3A_101 = tpu.memref_squeeze %dma_wait3A_100 : memref<1x1x1x64xi32, #tpu.memory_space<hbm>> -> memref<64xi32, #tpu.memory_space<hbm>>
      %dma_wait3A_102 = arith.constant 0 : i32
      %dma_wait3A_103 = tpu.memref_slice %arg4[%arg1, %run_scoped3A_6, %run_scoped3A_7, %dma_wait3A_102] : memref<16x10x1x64xi32, #tpu.memory_space<hbm>> -> memref<1x1x1x64xi32, #tpu.memory_space<hbm>>
      %dma_wait3A_104 = tpu.memref_squeeze %dma_wait3A_103 : memref<1x1x1x64xi32, #tpu.memory_space<hbm>> -> memref<64xi32, #tpu.memory_space<hbm>>
      tpu.wait_dma2 semaphore(%run_scoped3A_94 : memref<!tpu.dma_semaphore, #tpu.memory_space<semaphore_mem>>) src(%dma_wait3A_104 : memref<64xi32, #tpu.memory_space<hbm>>) dst(%arg11 : memref<64xi32, #tpu.memory_space<vmem>>)
      tpu.yield
    }) : () -> ()
    "tpu.region"() ({
      %run_scoped3A_94 = tpu.sem_alloc : memref<!tpu.dma_semaphore, #tpu.memory_space<semaphore_mem>>
      %dma_start3A = arith.constant 0 : i32
      %dma_start3A_95 = arith.constant 0 : i32
      %dma_start3A_96 = tpu.memref_slice %arg15[%dma_start3A, %dma_start3A_95] : memref<10240x128xf32, #tpu.memory_space<vmem_shared>> -> memref<10240x128xf32, #tpu.memory_space<vmem_shared>>
      tpu.enqueue_indirect_dma source(%arg13 : memref<64x128xf32, #tpu.memory_space<vmem>>) target(%dma_start3A_96 : memref<10240x128xf32, #tpu.memory_space<vmem_shared>>) offsets(%arg11 : memref<64xi32, #tpu.memory_space<vmem>>) semaphore(%run_scoped3A_94 : memref<!tpu.dma_semaphore, #tpu.memory_space<semaphore_mem>>)
      %dma_wait3A = arith.constant 0 : i32
      %dma_wait3A_97 = arith.constant 0 : i32
      %dma_wait3A_98 = tpu.memref_slice %arg15[%dma_wait3A, %dma_wait3A_97] : memref<10240x128xf32, #tpu.memory_space<vmem_shared>> -> memref<10240x128xf32, #tpu.memory_space<vmem_shared>>
      tpu.wait_indirect_dma semaphore(%run_scoped3A_94 : memref<!tpu.dma_semaphore, #tpu.memory_space<semaphore_mem>>) src(%arg13 : memref<64x128xf32, #tpu.memory_space<vmem>>) dst(%dma_wait3A_98 : memref<10240x128xf32, #tpu.memory_space<vmem_shared>>)
      tpu.yield
    }) : () -> ()
    %run_scoped3A_8 = arith.constant 4 : i32
    %run_scoped3A_9 = arith.constant 0 : i32
    "tpu.region"() ({
      %run_scoped3A_94 = tpu.sem_alloc : memref<!tpu.dma_semaphore, #tpu.memory_space<semaphore_mem>>
      %dma_start3A = arith.constant 0 : i32
      %dma_start3A_95 = tpu.memref_slice %arg4[%arg1, %run_scoped3A_8, %run_scoped3A_9, %dma_start3A] : memref<16x10x1x64xi32, #tpu.memory_space<hbm>> -> memref<1x1x1x64xi32, #tpu.memory_space<hbm>>
      %dma_start3A_96 = tpu.memref_squeeze %dma_start3A_95 : memref<1x1x1x64xi32, #tpu.memory_space<hbm>> -> memref<64xi32, #tpu.memory_space<hbm>>
      %dma_start3A_97 = arith.constant 0 : i32
      %dma_start3A_98 = tpu.memref_slice %arg4[%arg1, %run_scoped3A_8, %run_scoped3A_9, %dma_start3A_97] : memref<16x10x1x64xi32, #tpu.memory_space<hbm>> -> memref<1x1x1x64xi32, #tpu.memory_space<hbm>>
      %dma_start3A_99 = tpu.memref_squeeze %dma_start3A_98 : memref<1x1x1x64xi32, #tpu.memory_space<hbm>> -> memref<64xi32, #tpu.memory_space<hbm>>
      tpu.enqueue_dma source(%dma_start3A_99 : memref<64xi32, #tpu.memory_space<hbm>>) target(%arg11 : memref<64xi32, #tpu.memory_space<vmem>>) target_semaphore(%run_scoped3A_94 : memref<!tpu.dma_semaphore, #tpu.memory_space<semaphore_mem>>)
      %dma_wait3A = arith.constant 0 : i32
      %dma_wait3A_100 = tpu.memref_slice %arg4[%arg1, %run_scoped3A_8, %run_scoped3A_9, %dma_wait3A] : memref<16x10x1x64xi32, #tpu.memory_space<hbm>> -> memref<1x1x1x64xi32, #tpu.memory_space<hbm>>
      %dma_wait3A_101 = tpu.memref_squeeze %dma_wait3A_100 : memref<1x1x1x64xi32, #tpu.memory_space<hbm>> -> memref<64xi32, #tpu.memory_space<hbm>>
      %dma_wait3A_102 = arith.constant 0 : i32
      %dma_wait3A_103 = tpu.memref_slice %arg4[%arg1, %run_scoped3A_8, %run_scoped3A_9, %dma_wait3A_102] : memref<16x10x1x64xi32, #tpu.memory_space<hbm>> -> memref<1x1x1x64xi32, #tpu.memory_space<hbm>>
      %dma_wait3A_104 = tpu.memref_squeeze %dma_wait3A_103 : memref<1x1x1x64xi32, #tpu.memory_space<hbm>> -> memref<64xi32, #tpu.memory_space<hbm>>
      tpu.wait_dma2 semaphore(%run_scoped3A_94 : memref<!tpu.dma_semaphore, #tpu.memory_space<semaphore_mem>>) src(%dma_wait3A_104 : memref<64xi32, #tpu.memory_space<hbm>>) dst(%arg11 : memref<64xi32, #tpu.memory_space<vmem>>)
      tpu.yield
    }) : () -> ()
    "tpu.region"() ({
      %run_scoped3A_94 = tpu.sem_alloc : memref<!tpu.dma_semaphore, #tpu.memory_space<semaphore_mem>>
      %dma_start3A = arith.constant 0 : i32
      %dma_start3A_95 = arith.constant 0 : i32
      %dma_start3A_96 = tpu.memref_slice %arg15[%dma_start3A, %dma_start3A_95] : memref<10240x128xf32, #tpu.memory_space<vmem_shared>> -> memref<10240x128xf32, #tpu.memory_space<vmem_shared>>
      tpu.enqueue_indirect_dma source(%arg13 : memref<64x128xf32, #tpu.memory_space<vmem>>) target(%dma_start3A_96 : memref<10240x128xf32, #tpu.memory_space<vmem_shared>>) offsets(%arg11 : memref<64xi32, #tpu.memory_space<vmem>>) semaphore(%run_scoped3A_94 : memref<!tpu.dma_semaphore, #tpu.memory_space<semaphore_mem>>)
      %dma_wait3A = arith.constant 0 : i32
      %dma_wait3A_97 = arith.constant 0 : i32
      %dma_wait3A_98 = tpu.memref_slice %arg15[%dma_wait3A, %dma_wait3A_97] : memref<10240x128xf32, #tpu.memory_space<vmem_shared>> -> memref<10240x128xf32, #tpu.memory_space<vmem_shared>>
      tpu.wait_indirect_dma semaphore(%run_scoped3A_94 : memref<!tpu.dma_semaphore, #tpu.memory_space<semaphore_mem>>) src(%arg13 : memref<64x128xf32, #tpu.memory_space<vmem>>) dst(%dma_wait3A_98 : memref<10240x128xf32, #tpu.memory_space<vmem_shared>>)
      tpu.yield
    }) : () -> ()
    %run_scoped3A_10 = arith.constant 5 : i32
    %run_scoped3A_11 = arith.constant 0 : i32
    "tpu.region"() ({
      %run_scoped3A_94 = tpu.sem_alloc : memref<!tpu.dma_semaphore, #tpu.memory_space<semaphore_mem>>
      %dma_start3A = arith.constant 0 : i32
      %dma_start3A_95 = tpu.memref_slice %arg4[%arg1, %run_scoped3A_10, %run_scoped3A_11, %dma_start3A] : memref<16x10x1x64xi32, #tpu.memory_space<hbm>> -> memref<1x1x1x64xi32, #tpu.memory_space<hbm>>
      %dma_start3A_96 = tpu.memref_squeeze %dma_start3A_95 : memref<1x1x1x64xi32, #tpu.memory_space<hbm>> -> memref<64xi32, #tpu.memory_space<hbm>>
      %dma_start3A_97 = arith.constant 0 : i32
      %dma_start3A_98 = tpu.memref_slice %arg4[%arg1, %run_scoped3A_10, %run_scoped3A_11, %dma_start3A_97] : memref<16x10x1x64xi32, #tpu.memory_space<hbm>> -> memref<1x1x1x64xi32, #tpu.memory_space<hbm>>
      %dma_start3A_99 = tpu.memref_squeeze %dma_start3A_98 : memref<1x1x1x64xi32, #tpu.memory_space<hbm>> -> memref<64xi32, #tpu.memory_space<hbm>>
      tpu.enqueue_dma source(%dma_start3A_99 : memref<64xi32, #tpu.memory_space<hbm>>) target(%arg11 : memref<64xi32, #tpu.memory_space<vmem>>) target_semaphore(%run_scoped3A_94 : memref<!tpu.dma_semaphore, #tpu.memory_space<semaphore_mem>>)
      %dma_wait3A = arith.constant 0 : i32
      %dma_wait3A_100 = tpu.memref_slice %arg4[%arg1, %run_scoped3A_10, %run_scoped3A_11, %dma_wait3A] : memref<16x10x1x64xi32, #tpu.memory_space<hbm>> -> memref<1x1x1x64xi32, #tpu.memory_space<hbm>>
      %dma_wait3A_101 = tpu.memref_squeeze %dma_wait3A_100 : memref<1x1x1x64xi32, #tpu.memory_space<hbm>> -> memref<64xi32, #tpu.memory_space<hbm>>
      %dma_wait3A_102 = arith.constant 0 : i32
      %dma_wait3A_103 = tpu.memref_slice %arg4[%arg1, %run_scoped3A_10, %run_scoped3A_11, %dma_wait3A_102] : memref<16x10x1x64xi32, #tpu.memory_space<hbm>> -> memref<1x1x1x64xi32, #tpu.memory_space<hbm>>
      %dma_wait3A_104 = tpu.memref_squeeze %dma_wait3A_103 : memref<1x1x1x64xi32, #tpu.memory_space<hbm>> -> memref<64xi32, #tpu.memory_space<hbm>>
      tpu.wait_dma2 semaphore(%run_scoped3A_94 : memref<!tpu.dma_semaphore, #tpu.memory_space<semaphore_mem>>) src(%dma_wait3A_104 : memref<64xi32, #tpu.memory_space<hbm>>) dst(%arg11 : memref<64xi32, #tpu.memory_space<vmem>>)
      tpu.yield
    }) : () -> ()
    "tpu.region"() ({
      %run_scoped3A_94 = tpu.sem_alloc : memref<!tpu.dma_semaphore, #tpu.memory_space<semaphore_mem>>
      %dma_start3A = arith.constant 0 : i32
      %dma_start3A_95 = arith.constant 0 : i32
      %dma_start3A_96 = tpu.memref_slice %arg15[%dma_start3A, %dma_start3A_95] : memref<10240x128xf32, #tpu.memory_space<vmem_shared>> -> memref<10240x128xf32, #tpu.memory_space<vmem_shared>>
      tpu.enqueue_indirect_dma source(%arg13 : memref<64x128xf32, #tpu.memory_space<vmem>>) target(%dma_start3A_96 : memref<10240x128xf32, #tpu.memory_space<vmem_shared>>) offsets(%arg11 : memref<64xi32, #tpu.memory_space<vmem>>) semaphore(%run_scoped3A_94 : memref<!tpu.dma_semaphore, #tpu.memory_space<semaphore_mem>>)
      %dma_wait3A = arith.constant 0 : i32
      %dma_wait3A_97 = arith.constant 0 : i32
      %dma_wait3A_98 = tpu.memref_slice %arg15[%dma_wait3A, %dma_wait3A_97] : memref<10240x128xf32, #tpu.memory_space<vmem_shared>> -> memref<10240x128xf32, #tpu.memory_space<vmem_shared>>
      tpu.wait_indirect_dma semaphore(%run_scoped3A_94 : memref<!tpu.dma_semaphore, #tpu.memory_space<semaphore_mem>>) src(%arg13 : memref<64x128xf32, #tpu.memory_space<vmem>>) dst(%dma_wait3A_98 : memref<10240x128xf32, #tpu.memory_space<vmem_shared>>)
      tpu.yield
    }) : () -> ()
    %run_scoped3A_12 = arith.constant 6 : i32
    %run_scoped3A_13 = arith.constant 0 : i32
    "tpu.region"() ({
      %run_scoped3A_94 = tpu.sem_alloc : memref<!tpu.dma_semaphore, #tpu.memory_space<semaphore_mem>>
      %dma_start3A = arith.constant 0 : i32
      %dma_start3A_95 = tpu.memref_slice %arg4[%arg1, %run_scoped3A_12, %run_scoped3A_13, %dma_start3A] : memref<16x10x1x64xi32, #tpu.memory_space<hbm>> -> memref<1x1x1x64xi32, #tpu.memory_space<hbm>>
      %dma_start3A_96 = tpu.memref_squeeze %dma_start3A_95 : memref<1x1x1x64xi32, #tpu.memory_space<hbm>> -> memref<64xi32, #tpu.memory_space<hbm>>
      %dma_start3A_97 = arith.constant 0 : i32
      %dma_start3A_98 = tpu.memref_slice %arg4[%arg1, %run_scoped3A_12, %run_scoped3A_13, %dma_start3A_97] : memref<16x10x1x64xi32, #tpu.memory_space<hbm>> -> memref<1x1x1x64xi32, #tpu.memory_space<hbm>>
      %dma_start3A_99 = tpu.memref_squeeze %dma_start3A_98 : memref<1x1x1x64xi32, #tpu.memory_space<hbm>> -> memref<64xi32, #tpu.memory_space<hbm>>
      tpu.enqueue_dma source(%dma_start3A_99 : memref<64xi32, #tpu.memory_space<hbm>>) target(%arg11 : memref<64xi32, #tpu.memory_space<vmem>>) target_semaphore(%run_scoped3A_94 : memref<!tpu.dma_semaphore, #tpu.memory_space<semaphore_mem>>)
      %dma_wait3A = arith.constant 0 : i32
      %dma_wait3A_100 = tpu.memref_slice %arg4[%arg1, %run_scoped3A_12, %run_scoped3A_13, %dma_wait3A] : memref<16x10x1x64xi32, #tpu.memory_space<hbm>> -> memref<1x1x1x64xi32, #tpu.memory_space<hbm>>
      %dma_wait3A_101 = tpu.memref_squeeze %dma_wait3A_100 : memref<1x1x1x64xi32, #tpu.memory_space<hbm>> -> memref<64xi32, #tpu.memory_space<hbm>>
      %dma_wait3A_102 = arith.constant 0 : i32
      %dma_wait3A_103 = tpu.memref_slice %arg4[%arg1, %run_scoped3A_12, %run_scoped3A_13, %dma_wait3A_102] : memref<16x10x1x64xi32, #tpu.memory_space<hbm>> -> memref<1x1x1x64xi32, #tpu.memory_space<hbm>>
      %dma_wait3A_104 = tpu.memref_squeeze %dma_wait3A_103 : memref<1x1x1x64xi32, #tpu.memory_space<hbm>> -> memref<64xi32, #tpu.memory_space<hbm>>
      tpu.wait_dma2 semaphore(%run_scoped3A_94 : memref<!tpu.dma_semaphore, #tpu.memory_space<semaphore_mem>>) src(%dma_wait3A_104 : memref<64xi32, #tpu.memory_space<hbm>>) dst(%arg11 : memref<64xi32, #tpu.memory_space<vmem>>)
      tpu.yield
    }) : () -> ()
    "tpu.region"() ({
      %run_scoped3A_94 = tpu.sem_alloc : memref<!tpu.dma_semaphore, #tpu.memory_space<semaphore_mem>>
      %dma_start3A = arith.constant 0 : i32
      %dma_start3A_95 = arith.constant 0 : i32
      %dma_start3A_96 = tpu.memref_slice %arg15[%dma_start3A, %dma_start3A_95] : memref<10240x128xf32, #tpu.memory_space<vmem_shared>> -> memref<10240x128xf32, #tpu.memory_space<vmem_shared>>
      tpu.enqueue_indirect_dma source(%arg13 : memref<64x128xf32, #tpu.memory_space<vmem>>) target(%dma_start3A_96 : memref<10240x128xf32, #tpu.memory_space<vmem_shared>>) offsets(%arg11 : memref<64xi32, #tpu.memory_space<vmem>>) semaphore(%run_scoped3A_94 : memref<!tpu.dma_semaphore, #tpu.memory_space<semaphore_mem>>)
      %dma_wait3A = arith.constant 0 : i32
      %dma_wait3A_97 = arith.constant 0 : i32
      %dma_wait3A_98 = tpu.memref_slice %arg15[%dma_wait3A, %dma_wait3A_97] : memref<10240x128xf32, #tpu.memory_space<vmem_shared>> -> memref<10240x128xf32, #tpu.memory_space<vmem_shared>>
      tpu.wait_indirect_dma semaphore(%run_scoped3A_94 : memref<!tpu.dma_semaphore, #tpu.memory_space<semaphore_mem>>) src(%arg13 : memref<64x128xf32, #tpu.memory_space<vmem>>) dst(%dma_wait3A_98 : memref<10240x128xf32, #tpu.memory_space<vmem_shared>>)
      tpu.yield
    }) : () -> ()
    %run_scoped3A_14 = arith.constant 7 : i32
    %run_scoped3A_15 = arith.constant 0 : i32
    "tpu.region"() ({
      %run_scoped3A_94 = tpu.sem_alloc : memref<!tpu.dma_semaphore, #tpu.memory_space<semaphore_mem>>
      %dma_start3A = arith.constant 0 : i32
      %dma_start3A_95 = tpu.memref_slice %arg4[%arg1, %run_scoped3A_14, %run_scoped3A_15, %dma_start3A] : memref<16x10x1x64xi32, #tpu.memory_space<hbm>> -> memref<1x1x1x64xi32, #tpu.memory_space<hbm>>
      %dma_start3A_96 = tpu.memref_squeeze %dma_start3A_95 : memref<1x1x1x64xi32, #tpu.memory_space<hbm>> -> memref<64xi32, #tpu.memory_space<hbm>>
      %dma_start3A_97 = arith.constant 0 : i32
      %dma_start3A_98 = tpu.memref_slice %arg4[%arg1, %run_scoped3A_14, %run_scoped3A_15, %dma_start3A_97] : memref<16x10x1x64xi32, #tpu.memory_space<hbm>> -> memref<1x1x1x64xi32, #tpu.memory_space<hbm>>
      %dma_start3A_99 = tpu.memref_squeeze %dma_start3A_98 : memref<1x1x1x64xi32, #tpu.memory_space<hbm>> -> memref<64xi32, #tpu.memory_space<hbm>>
      tpu.enqueue_dma source(%dma_start3A_99 : memref<64xi32, #tpu.memory_space<hbm>>) target(%arg11 : memref<64xi32, #tpu.memory_space<vmem>>) target_semaphore(%run_scoped3A_94 : memref<!tpu.dma_semaphore, #tpu.memory_space<semaphore_mem>>)
      %dma_wait3A = arith.constant 0 : i32
      %dma_wait3A_100 = tpu.memref_slice %arg4[%arg1, %run_scoped3A_14, %run_scoped3A_15, %dma_wait3A] : memref<16x10x1x64xi32, #tpu.memory_space<hbm>> -> memref<1x1x1x64xi32, #tpu.memory_space<hbm>>
      %dma_wait3A_101 = tpu.memref_squeeze %dma_wait3A_100 : memref<1x1x1x64xi32, #tpu.memory_space<hbm>> -> memref<64xi32, #tpu.memory_space<hbm>>
      %dma_wait3A_102 = arith.constant 0 : i32
      %dma_wait3A_103 = tpu.memref_slice %arg4[%arg1, %run_scoped3A_14, %run_scoped3A_15, %dma_wait3A_102] : memref<16x10x1x64xi32, #tpu.memory_space<hbm>> -> memref<1x1x1x64xi32, #tpu.memory_space<hbm>>
      %dma_wait3A_104 = tpu.memref_squeeze %dma_wait3A_103 : memref<1x1x1x64xi32, #tpu.memory_space<hbm>> -> memref<64xi32, #tpu.memory_space<hbm>>
      tpu.wait_dma2 semaphore(%run_scoped3A_94 : memref<!tpu.dma_semaphore, #tpu.memory_space<semaphore_mem>>) src(%dma_wait3A_104 : memref<64xi32, #tpu.memory_space<hbm>>) dst(%arg11 : memref<64xi32, #tpu.memory_space<vmem>>)
      tpu.yield
    }) : () -> ()
    "tpu.region"() ({
      %run_scoped3A_94 = tpu.sem_alloc : memref<!tpu.dma_semaphore, #tpu.memory_space<semaphore_mem>>
      %dma_start3A = arith.constant 0 : i32
      %dma_start3A_95 = arith.constant 0 : i32
      %dma_start3A_96 = tpu.memref_slice %arg15[%dma_start3A, %dma_start3A_95] : memref<10240x128xf32, #tpu.memory_space<vmem_shared>> -> memref<10240x128xf32, #tpu.memory_space<vmem_shared>>
      tpu.enqueue_indirect_dma source(%arg13 : memref<64x128xf32, #tpu.memory_space<vmem>>) target(%dma_start3A_96 : memref<10240x128xf32, #tpu.memory_space<vmem_shared>>) offsets(%arg11 : memref<64xi32, #tpu.memory_space<vmem>>) semaphore(%run_scoped3A_94 : memref<!tpu.dma_semaphore, #tpu.memory_space<semaphore_mem>>)
      %dma_wait3A = arith.constant 0 : i32
      %dma_wait3A_97 = arith.constant 0 : i32
      %dma_wait3A_98 = tpu.memref_slice %arg15[%dma_wait3A, %dma_wait3A_97] : memref<10240x128xf32, #tpu.memory_space<vmem_shared>> -> memref<10240x128xf32, #tpu.memory_space<vmem_shared>>
      tpu.wait_indirect_dma semaphore(%run_scoped3A_94 : memref<!tpu.dma_semaphore, #tpu.memory_space<semaphore_mem>>) src(%arg13 : memref<64x128xf32, #tpu.memory_space<vmem>>) dst(%dma_wait3A_98 : memref<10240x128xf32, #tpu.memory_space<vmem_shared>>)
      tpu.yield
    }) : () -> ()
    %run_scoped3A_16 = arith.constant 8 : i32
    %run_scoped3A_17 = arith.constant 0 : i32
    "tpu.region"() ({
      %run_scoped3A_94 = tpu.sem_alloc : memref<!tpu.dma_semaphore, #tpu.memory_space<semaphore_mem>>
      %dma_start3A = arith.constant 0 : i32
      %dma_start3A_95 = tpu.memref_slice %arg4[%arg1, %run_scoped3A_16, %run_scoped3A_17, %dma_start3A] : memref<16x10x1x64xi32, #tpu.memory_space<hbm>> -> memref<1x1x1x64xi32, #tpu.memory_space<hbm>>
      %dma_start3A_96 = tpu.memref_squeeze %dma_start3A_95 : memref<1x1x1x64xi32, #tpu.memory_space<hbm>> -> memref<64xi32, #tpu.memory_space<hbm>>
      %dma_start3A_97 = arith.constant 0 : i32
      %dma_start3A_98 = tpu.memref_slice %arg4[%arg1, %run_scoped3A_16, %run_scoped3A_17, %dma_start3A_97] : memref<16x10x1x64xi32, #tpu.memory_space<hbm>> -> memref<1x1x1x64xi32, #tpu.memory_space<hbm>>
      %dma_start3A_99 = tpu.memref_squeeze %dma_start3A_98 : memref<1x1x1x64xi32, #tpu.memory_space<hbm>> -> memref<64xi32, #tpu.memory_space<hbm>>
      tpu.enqueue_dma source(%dma_start3A_99 : memref<64xi32, #tpu.memory_space<hbm>>) target(%arg11 : memref<64xi32, #tpu.memory_space<vmem>>) target_semaphore(%run_scoped3A_94 : memref<!tpu.dma_semaphore, #tpu.memory_space<semaphore_mem>>)
      %dma_wait3A = arith.constant 0 : i32
      %dma_wait3A_100 = tpu.memref_slice %arg4[%arg1, %run_scoped3A_16, %run_scoped3A_17, %dma_wait3A] : memref<16x10x1x64xi32, #tpu.memory_space<hbm>> -> memref<1x1x1x64xi32, #tpu.memory_space<hbm>>
      %dma_wait3A_101 = tpu.memref_squeeze %dma_wait3A_100 : memref<1x1x1x64xi32, #tpu.memory_space<hbm>> -> memref<64xi32, #tpu.memory_space<hbm>>
      %dma_wait3A_102 = arith.constant 0 : i32
      %dma_wait3A_103 = tpu.memref_slice %arg4[%arg1, %run_scoped3A_16, %run_scoped3A_17, %dma_wait3A_102] : memref<16x10x1x64xi32, #tpu.memory_space<hbm>> -> memref<1x1x1x64xi32, #tpu.memory_space<hbm>>
      %dma_wait3A_104 = tpu.memref_squeeze %dma_wait3A_103 : memref<1x1x1x64xi32, #tpu.memory_space<hbm>> -> memref<64xi32, #tpu.memory_space<hbm>>
      tpu.wait_dma2 semaphore(%run_scoped3A_94 : memref<!tpu.dma_semaphore, #tpu.memory_space<semaphore_mem>>) src(%dma_wait3A_104 : memref<64xi32, #tpu.memory_space<hbm>>) dst(%arg11 : memref<64xi32, #tpu.memory_space<vmem>>)
      tpu.yield
    }) : () -> ()
    "tpu.region"() ({
      %run_scoped3A_94 = tpu.sem_alloc : memref<!tpu.dma_semaphore, #tpu.memory_space<semaphore_mem>>
      %dma_start3A = arith.constant 0 : i32
      %dma_start3A_95 = arith.constant 0 : i32
      %dma_start3A_96 = tpu.memref_slice %arg15[%dma_start3A, %dma_start3A_95] : memref<10240x128xf32, #tpu.memory_space<vmem_shared>> -> memref<10240x128xf32, #tpu.memory_space<vmem_shared>>
      tpu.enqueue_indirect_dma source(%arg13 : memref<64x128xf32, #tpu.memory_space<vmem>>) target(%dma_start3A_96 : memref<10240x128xf32, #tpu.memory_space<vmem_shared>>) offsets(%arg11 : memref<64xi32, #tpu.memory_space<vmem>>) semaphore(%run_scoped3A_94 : memref<!tpu.dma_semaphore, #tpu.memory_space<semaphore_mem>>)
      %dma_wait3A = arith.constant 0 : i32
      %dma_wait3A_97 = arith.constant 0 : i32
      %dma_wait3A_98 = tpu.memref_slice %arg15[%dma_wait3A, %dma_wait3A_97] : memref<10240x128xf32, #tpu.memory_space<vmem_shared>> -> memref<10240x128xf32, #tpu.memory_space<vmem_shared>>
      tpu.wait_indirect_dma semaphore(%run_scoped3A_94 : memref<!tpu.dma_semaphore, #tpu.memory_space<semaphore_mem>>) src(%arg13 : memref<64x128xf32, #tpu.memory_space<vmem>>) dst(%dma_wait3A_98 : memref<10240x128xf32, #tpu.memory_space<vmem_shared>>)
      tpu.yield
    }) : () -> ()
    %run_scoped3A_18 = arith.constant 9 : i32
    %run_scoped3A_19 = arith.constant 0 : i32
    "tpu.region"() ({
      %run_scoped3A_94 = tpu.sem_alloc : memref<!tpu.dma_semaphore, #tpu.memory_space<semaphore_mem>>
      %dma_start3A = arith.constant 0 : i32
      %dma_start3A_95 = tpu.memref_slice %arg4[%arg1, %run_scoped3A_18, %run_scoped3A_19, %dma_start3A] : memref<16x10x1x64xi32, #tpu.memory_space<hbm>> -> memref<1x1x1x64xi32, #tpu.memory_space<hbm>>
      %dma_start3A_96 = tpu.memref_squeeze %dma_start3A_95 : memref<1x1x1x64xi32, #tpu.memory_space<hbm>> -> memref<64xi32, #tpu.memory_space<hbm>>
      %dma_start3A_97 = arith.constant 0 : i32
      %dma_start3A_98 = tpu.memref_slice %arg4[%arg1, %run_scoped3A_18, %run_scoped3A_19, %dma_start3A_97] : memref<16x10x1x64xi32, #tpu.memory_space<hbm>> -> memref<1x1x1x64xi32, #tpu.memory_space<hbm>>
      %dma_start3A_99 = tpu.memref_squeeze %dma_start3A_98 : memref<1x1x1x64xi32, #tpu.memory_space<hbm>> -> memref<64xi32, #tpu.memory_space<hbm>>
      tpu.enqueue_dma source(%dma_start3A_99 : memref<64xi32, #tpu.memory_space<hbm>>) target(%arg11 : memref<64xi32, #tpu.memory_space<vmem>>) target_semaphore(%run_scoped3A_94 : memref<!tpu.dma_semaphore, #tpu.memory_space<semaphore_mem>>)
      %dma_wait3A = arith.constant 0 : i32
      %dma_wait3A_100 = tpu.memref_slice %arg4[%arg1, %run_scoped3A_18, %run_scoped3A_19, %dma_wait3A] : memref<16x10x1x64xi32, #tpu.memory_space<hbm>> -> memref<1x1x1x64xi32, #tpu.memory_space<hbm>>
      %dma_wait3A_101 = tpu.memref_squeeze %dma_wait3A_100 : memref<1x1x1x64xi32, #tpu.memory_space<hbm>> -> memref<64xi32, #tpu.memory_space<hbm>>
      %dma_wait3A_102 = arith.constant 0 : i32
      %dma_wait3A_103 = tpu.memref_slice %arg4[%arg1, %run_scoped3A_18, %run_scoped3A_19, %dma_wait3A_102] : memref<16x10x1x64xi32, #tpu.memory_space<hbm>> -> memref<1x1x1x64xi32, #tpu.memory_space<hbm>>
      %dma_wait3A_104 = tpu.memref_squeeze %dma_wait3A_103 : memref<1x1x1x64xi32, #tpu.memory_space<hbm>> -> memref<64xi32, #tpu.memory_space<hbm>>
      tpu.wait_dma2 semaphore(%run_scoped3A_94 : memref<!tpu.dma_semaphore, #tpu.memory_space<semaphore_mem>>) src(%dma_wait3A_104 : memref<64xi32, #tpu.memory_space<hbm>>) dst(%arg11 : memref<64xi32, #tpu.memory_space<vmem>>)
      tpu.yield
    }) : () -> ()
    "tpu.region"() ({
      %run_scoped3A_94 = tpu.sem_alloc : memref<!tpu.dma_semaphore, #tpu.memory_space<semaphore_mem>>
      %dma_start3A = arith.constant 0 : i32
      %dma_start3A_95 = arith.constant 0 : i32
      %dma_start3A_96 = tpu.memref_slice %arg15[%dma_start3A, %dma_start3A_95] : memref<10240x128xf32, #tpu.memory_space<vmem_shared>> -> memref<10240x128xf32, #tpu.memory_space<vmem_shared>>
      tpu.enqueue_indirect_dma source(%arg13 : memref<64x128xf32, #tpu.memory_space<vmem>>) target(%dma_start3A_96 : memref<10240x128xf32, #tpu.memory_space<vmem_shared>>) offsets(%arg11 : memref<64xi32, #tpu.memory_space<vmem>>) semaphore(%run_scoped3A_94 : memref<!tpu.dma_semaphore, #tpu.memory_space<semaphore_mem>>)
      %dma_wait3A = arith.constant 0 : i32
      %dma_wait3A_97 = arith.constant 0 : i32
      %dma_wait3A_98 = tpu.memref_slice %arg15[%dma_wait3A, %dma_wait3A_97] : memref<10240x128xf32, #tpu.memory_space<vmem_shared>> -> memref<10240x128xf32, #tpu.memory_space<vmem_shared>>
      tpu.wait_indirect_dma semaphore(%run_scoped3A_94 : memref<!tpu.dma_semaphore, #tpu.memory_space<semaphore_mem>>) src(%arg13 : memref<64x128xf32, #tpu.memory_space<vmem>>) dst(%dma_wait3A_98 : memref<10240x128xf32, #tpu.memory_space<vmem_shared>>)
      tpu.yield
    }) : () -> ()
    %eq3A = arith.constant 0 : i32
    %eq3A_20 = arith.cmpi eq, %arg1, %eq3A : i32
    %convert_element_type3A = arith.extui %eq3A_20 : i1 to i32
    %cond3A = arith.constant 0 : i32
    %cond3A_21 = arith.cmpi ne, %convert_element_type3A, %cond3A : i32
    scf.if %cond3A_21 {
      %run_scoped3A_94 = arith.constant 0 : i32
      %run_scoped3A_95 = arith.constant 0 : i32
      "tpu.region"() ({
        %run_scoped3A_104 = tpu.sem_alloc : memref<!tpu.dma_semaphore, #tpu.memory_space<semaphore_mem>>
        %dma_start3A = arith.constant 0 : i32
        %dma_start3A_105 = tpu.memref_slice %arg5[%run_scoped3A_94, %run_scoped3A_95, %dma_start3A] : memref<5x1x64xi32, #tpu.memory_space<hbm>> -> memref<1x1x64xi32, #tpu.memory_space<hbm>>
        %dma_start3A_106 = tpu.memref_squeeze %dma_start3A_105 : memref<1x1x64xi32, #tpu.memory_space<hbm>> -> memref<64xi32, #tpu.memory_space<hbm>>
        %dma_start3A_107 = arith.constant 0 : i32
        %dma_start3A_108 = tpu.memref_slice %arg5[%run_scoped3A_94, %run_scoped3A_95, %dma_start3A_107] : memref<5x1x64xi32, #tpu.memory_space<hbm>> -> memref<1x1x64xi32, #tpu.memory_space<hbm>>
        %dma_start3A_109 = tpu.memref_squeeze %dma_start3A_108 : memref<1x1x64xi32, #tpu.memory_space<hbm>> -> memref<64xi32, #tpu.memory_space<hbm>>
        tpu.enqueue_dma source(%dma_start3A_109 : memref<64xi32, #tpu.memory_space<hbm>>) target(%arg11 : memref<64xi32, #tpu.memory_space<vmem>>) target_semaphore(%run_scoped3A_104 : memref<!tpu.dma_semaphore, #tpu.memory_space<semaphore_mem>>)
        %dma_wait3A = arith.constant 0 : i32
        %dma_wait3A_110 = tpu.memref_slice %arg5[%run_scoped3A_94, %run_scoped3A_95, %dma_wait3A] : memref<5x1x64xi32, #tpu.memory_space<hbm>> -> memref<1x1x64xi32, #tpu.memory_space<hbm>>
        %dma_wait3A_111 = tpu.memref_squeeze %dma_wait3A_110 : memref<1x1x64xi32, #tpu.memory_space<hbm>> -> memref<64xi32, #tpu.memory_space<hbm>>
        %dma_wait3A_112 = arith.constant 0 : i32
        %dma_wait3A_113 = tpu.memref_slice %arg5[%run_scoped3A_94, %run_scoped3A_95, %dma_wait3A_112] : memref<5x1x64xi32, #tpu.memory_space<hbm>> -> memref<1x1x64xi32, #tpu.memory_space<hbm>>
        %dma_wait3A_114 = tpu.memref_squeeze %dma_wait3A_113 : memref<1x1x64xi32, #tpu.memory_space<hbm>> -> memref<64xi32, #tpu.memory_space<hbm>>
        tpu.wait_dma2 semaphore(%run_scoped3A_104 : memref<!tpu.dma_semaphore, #tpu.memory_space<semaphore_mem>>) src(%dma_wait3A_114 : memref<64xi32, #tpu.memory_space<hbm>>) dst(%arg11 : memref<64xi32, #tpu.memory_space<vmem>>)
        tpu.yield
      }) : () -> ()
      "tpu.region"() ({
        %run_scoped3A_104 = tpu.sem_alloc : memref<!tpu.dma_semaphore, #tpu.memory_space<semaphore_mem>>
        %dma_start3A = arith.constant 0 : i32
        %dma_start3A_105 = arith.constant 0 : i32
        %dma_start3A_106 = tpu.memref_slice %arg16[%dma_start3A, %dma_start3A_105] : memref<320x128xf32, #tpu.memory_space<vmem_shared>> -> memref<320x128xf32, #tpu.memory_space<vmem_shared>>
        tpu.enqueue_indirect_dma source(%arg13 : memref<64x128xf32, #tpu.memory_space<vmem>>) target(%dma_start3A_106 : memref<320x128xf32, #tpu.memory_space<vmem_shared>>) offsets(%arg11 : memref<64xi32, #tpu.memory_space<vmem>>) semaphore(%run_scoped3A_104 : memref<!tpu.dma_semaphore, #tpu.memory_space<semaphore_mem>>)
        %dma_wait3A = arith.constant 0 : i32
        %dma_wait3A_107 = arith.constant 0 : i32
        %dma_wait3A_108 = tpu.memref_slice %arg16[%dma_wait3A, %dma_wait3A_107] : memref<320x128xf32, #tpu.memory_space<vmem_shared>> -> memref<320x128xf32, #tpu.memory_space<vmem_shared>>
        tpu.wait_indirect_dma semaphore(%run_scoped3A_104 : memref<!tpu.dma_semaphore, #tpu.memory_space<semaphore_mem>>) src(%arg13 : memref<64x128xf32, #tpu.memory_space<vmem>>) dst(%dma_wait3A_108 : memref<320x128xf32, #tpu.memory_space<vmem_shared>>)
        tpu.yield
      }) : () -> ()
      %run_scoped3A_96 = arith.constant 1 : i32
      %run_scoped3A_97 = arith.constant 0 : i32
      "tpu.region"() ({
        %run_scoped3A_104 = tpu.sem_alloc : memref<!tpu.dma_semaphore, #tpu.memory_space<semaphore_mem>>
        %dma_start3A = arith.constant 0 : i32
        %dma_start3A_105 = tpu.memref_slice %arg5[%run_scoped3A_96, %run_scoped3A_97, %dma_start3A] : memref<5x1x64xi32, #tpu.memory_space<hbm>> -> memref<1x1x64xi32, #tpu.memory_space<hbm>>
        %dma_start3A_106 = tpu.memref_squeeze %dma_start3A_105 : memref<1x1x64xi32, #tpu.memory_space<hbm>> -> memref<64xi32, #tpu.memory_space<hbm>>
        %dma_start3A_107 = arith.constant 0 : i32
        %dma_start3A_108 = tpu.memref_slice %arg5[%run_scoped3A_96, %run_scoped3A_97, %dma_start3A_107] : memref<5x1x64xi32, #tpu.memory_space<hbm>> -> memref<1x1x64xi32, #tpu.memory_space<hbm>>
        %dma_start3A_109 = tpu.memref_squeeze %dma_start3A_108 : memref<1x1x64xi32, #tpu.memory_space<hbm>> -> memref<64xi32, #tpu.memory_space<hbm>>
        tpu.enqueue_dma source(%dma_start3A_109 : memref<64xi32, #tpu.memory_space<hbm>>) target(%arg11 : memref<64xi32, #tpu.memory_space<vmem>>) target_semaphore(%run_scoped3A_104 : memref<!tpu.dma_semaphore, #tpu.memory_space<semaphore_mem>>)
        %dma_wait3A = arith.constant 0 : i32
        %dma_wait3A_110 = tpu.memref_slice %arg5[%run_scoped3A_96, %run_scoped3A_97, %dma_wait3A] : memref<5x1x64xi32, #tpu.memory_space<hbm>> -> memref<1x1x64xi32, #tpu.memory_space<hbm>>
        %dma_wait3A_111 = tpu.memref_squeeze %dma_wait3A_110 : memref<1x1x64xi32, #tpu.memory_space<hbm>> -> memref<64xi32, #tpu.memory_space<hbm>>
        %dma_wait3A_112 = arith.constant 0 : i32
        %dma_wait3A_113 = tpu.memref_slice %arg5[%run_scoped3A_96, %run_scoped3A_97, %dma_wait3A_112] : memref<5x1x64xi32, #tpu.memory_space<hbm>> -> memref<1x1x64xi32, #tpu.memory_space<hbm>>
        %dma_wait3A_114 = tpu.memref_squeeze %dma_wait3A_113 : memref<1x1x64xi32, #tpu.memory_space<hbm>> -> memref<64xi32, #tpu.memory_space<hbm>>
        tpu.wait_dma2 semaphore(%run_scoped3A_104 : memref<!tpu.dma_semaphore, #tpu.memory_space<semaphore_mem>>) src(%dma_wait3A_114 : memref<64xi32, #tpu.memory_space<hbm>>) dst(%arg11 : memref<64xi32, #tpu.memory_space<vmem>>)
        tpu.yield
      }) : () -> ()
      "tpu.region"() ({
        %run_scoped3A_104 = tpu.sem_alloc : memref<!tpu.dma_semaphore, #tpu.memory_space<semaphore_mem>>
        %dma_start3A = arith.constant 0 : i32
        %dma_start3A_105 = arith.constant 0 : i32
        %dma_start3A_106 = tpu.memref_slice %arg16[%dma_start3A, %dma_start3A_105] : memref<320x128xf32, #tpu.memory_space<vmem_shared>> -> memref<320x128xf32, #tpu.memory_space<vmem_shared>>
        tpu.enqueue_indirect_dma source(%arg13 : memref<64x128xf32, #tpu.memory_space<vmem>>) target(%dma_start3A_106 : memref<320x128xf32, #tpu.memory_space<vmem_shared>>) offsets(%arg11 : memref<64xi32, #tpu.memory_space<vmem>>) semaphore(%run_scoped3A_104 : memref<!tpu.dma_semaphore, #tpu.memory_space<semaphore_mem>>)
        %dma_wait3A = arith.constant 0 : i32
        %dma_wait3A_107 = arith.constant 0 : i32
        %dma_wait3A_108 = tpu.memref_slice %arg16[%dma_wait3A, %dma_wait3A_107] : memref<320x128xf32, #tpu.memory_space<vmem_shared>> -> memref<320x128xf32, #tpu.memory_space<vmem_shared>>
        tpu.wait_indirect_dma semaphore(%run_scoped3A_104 : memref<!tpu.dma_semaphore, #tpu.memory_space<semaphore_mem>>) src(%arg13 : memref<64x128xf32, #tpu.memory_space<vmem>>) dst(%dma_wait3A_108 : memref<320x128xf32, #tpu.memory_space<vmem_shared>>)
        tpu.yield
      }) : () -> ()
      %run_scoped3A_98 = arith.constant 2 : i32
      %run_scoped3A_99 = arith.constant 0 : i32
      "tpu.region"() ({
        %run_scoped3A_104 = tpu.sem_alloc : memref<!tpu.dma_semaphore, #tpu.memory_space<semaphore_mem>>
        %dma_start3A = arith.constant 0 : i32
        %dma_start3A_105 = tpu.memref_slice %arg5[%run_scoped3A_98, %run_scoped3A_99, %dma_start3A] : memref<5x1x64xi32, #tpu.memory_space<hbm>> -> memref<1x1x64xi32, #tpu.memory_space<hbm>>
        %dma_start3A_106 = tpu.memref_squeeze %dma_start3A_105 : memref<1x1x64xi32, #tpu.memory_space<hbm>> -> memref<64xi32, #tpu.memory_space<hbm>>
        %dma_start3A_107 = arith.constant 0 : i32
        %dma_start3A_108 = tpu.memref_slice %arg5[%run_scoped3A_98, %run_scoped3A_99, %dma_start3A_107] : memref<5x1x64xi32, #tpu.memory_space<hbm>> -> memref<1x1x64xi32, #tpu.memory_space<hbm>>
        %dma_start3A_109 = tpu.memref_squeeze %dma_start3A_108 : memref<1x1x64xi32, #tpu.memory_space<hbm>> -> memref<64xi32, #tpu.memory_space<hbm>>
        tpu.enqueue_dma source(%dma_start3A_109 : memref<64xi32, #tpu.memory_space<hbm>>) target(%arg11 : memref<64xi32, #tpu.memory_space<vmem>>) target_semaphore(%run_scoped3A_104 : memref<!tpu.dma_semaphore, #tpu.memory_space<semaphore_mem>>)
        %dma_wait3A = arith.constant 0 : i32
        %dma_wait3A_110 = tpu.memref_slice %arg5[%run_scoped3A_98, %run_scoped3A_99, %dma_wait3A] : memref<5x1x64xi32, #tpu.memory_space<hbm>> -> memref<1x1x64xi32, #tpu.memory_space<hbm>>
        %dma_wait3A_111 = tpu.memref_squeeze %dma_wait3A_110 : memref<1x1x64xi32, #tpu.memory_space<hbm>> -> memref<64xi32, #tpu.memory_space<hbm>>
        %dma_wait3A_112 = arith.constant 0 : i32
        %dma_wait3A_113 = tpu.memref_slice %arg5[%run_scoped3A_98, %run_scoped3A_99, %dma_wait3A_112] : memref<5x1x64xi32, #tpu.memory_space<hbm>> -> memref<1x1x64xi32, #tpu.memory_space<hbm>>
        %dma_wait3A_114 = tpu.memref_squeeze %dma_wait3A_113 : memref<1x1x64xi32, #tpu.memory_space<hbm>> -> memref<64xi32, #tpu.memory_space<hbm>>
        tpu.wait_dma2 semaphore(%run_scoped3A_104 : memref<!tpu.dma_semaphore, #tpu.memory_space<semaphore_mem>>) src(%dma_wait3A_114 : memref<64xi32, #tpu.memory_space<hbm>>) dst(%arg11 : memref<64xi32, #tpu.memory_space<vmem>>)
        tpu.yield
      }) : () -> ()
      "tpu.region"() ({
        %run_scoped3A_104 = tpu.sem_alloc : memref<!tpu.dma_semaphore, #tpu.memory_space<semaphore_mem>>
        %dma_start3A = arith.constant 0 : i32
        %dma_start3A_105 = arith.constant 0 : i32
        %dma_start3A_106 = tpu.memref_slice %arg16[%dma_start3A, %dma_start3A_105] : memref<320x128xf32, #tpu.memory_space<vmem_shared>> -> memref<320x128xf32, #tpu.memory_space<vmem_shared>>
        tpu.enqueue_indirect_dma source(%arg13 : memref<64x128xf32, #tpu.memory_space<vmem>>) target(%dma_start3A_106 : memref<320x128xf32, #tpu.memory_space<vmem_shared>>) offsets(%arg11 : memref<64xi32, #tpu.memory_space<vmem>>) semaphore(%run_scoped3A_104 : memref<!tpu.dma_semaphore, #tpu.memory_space<semaphore_mem>>)
        %dma_wait3A = arith.constant 0 : i32
        %dma_wait3A_107 = arith.constant 0 : i32
        %dma_wait3A_108 = tpu.memref_slice %arg16[%dma_wait3A, %dma_wait3A_107] : memref<320x128xf32, #tpu.memory_space<vmem_shared>> -> memref<320x128xf32, #tpu.memory_space<vmem_shared>>
        tpu.wait_indirect_dma semaphore(%run_scoped3A_104 : memref<!tpu.dma_semaphore, #tpu.memory_space<semaphore_mem>>) src(%arg13 : memref<64x128xf32, #tpu.memory_space<vmem>>) dst(%dma_wait3A_108 : memref<320x128xf32, #tpu.memory_space<vmem_shared>>)
        tpu.yield
      }) : () -> ()
      %run_scoped3A_100 = arith.constant 3 : i32
      %run_scoped3A_101 = arith.constant 0 : i32
      "tpu.region"() ({
        %run_scoped3A_104 = tpu.sem_alloc : memref<!tpu.dma_semaphore, #tpu.memory_space<semaphore_mem>>
        %dma_start3A = arith.constant 0 : i32
        %dma_start3A_105 = tpu.memref_slice %arg5[%run_scoped3A_100, %run_scoped3A_101, %dma_start3A] : memref<5x1x64xi32, #tpu.memory_space<hbm>> -> memref<1x1x64xi32, #tpu.memory_space<hbm>>
        %dma_start3A_106 = tpu.memref_squeeze %dma_start3A_105 : memref<1x1x64xi32, #tpu.memory_space<hbm>> -> memref<64xi32, #tpu.memory_space<hbm>>
        %dma_start3A_107 = arith.constant 0 : i32
        %dma_start3A_108 = tpu.memref_slice %arg5[%run_scoped3A_100, %run_scoped3A_101, %dma_start3A_107] : memref<5x1x64xi32, #tpu.memory_space<hbm>> -> memref<1x1x64xi32, #tpu.memory_space<hbm>>
        %dma_start3A_109 = tpu.memref_squeeze %dma_start3A_108 : memref<1x1x64xi32, #tpu.memory_space<hbm>> -> memref<64xi32, #tpu.memory_space<hbm>>
        tpu.enqueue_dma source(%dma_start3A_109 : memref<64xi32, #tpu.memory_space<hbm>>) target(%arg11 : memref<64xi32, #tpu.memory_space<vmem>>) target_semaphore(%run_scoped3A_104 : memref<!tpu.dma_semaphore, #tpu.memory_space<semaphore_mem>>)
        %dma_wait3A = arith.constant 0 : i32
        %dma_wait3A_110 = tpu.memref_slice %arg5[%run_scoped3A_100, %run_scoped3A_101, %dma_wait3A] : memref<5x1x64xi32, #tpu.memory_space<hbm>> -> memref<1x1x64xi32, #tpu.memory_space<hbm>>
        %dma_wait3A_111 = tpu.memref_squeeze %dma_wait3A_110 : memref<1x1x64xi32, #tpu.memory_space<hbm>> -> memref<64xi32, #tpu.memory_space<hbm>>
        %dma_wait3A_112 = arith.constant 0 : i32
        %dma_wait3A_113 = tpu.memref_slice %arg5[%run_scoped3A_100, %run_scoped3A_101, %dma_wait3A_112] : memref<5x1x64xi32, #tpu.memory_space<hbm>> -> memref<1x1x64xi32, #tpu.memory_space<hbm>>
        %dma_wait3A_114 = tpu.memref_squeeze %dma_wait3A_113 : memref<1x1x64xi32, #tpu.memory_space<hbm>> -> memref<64xi32, #tpu.memory_space<hbm>>
        tpu.wait_dma2 semaphore(%run_scoped3A_104 : memref<!tpu.dma_semaphore, #tpu.memory_space<semaphore_mem>>) src(%dma_wait3A_114 : memref<64xi32, #tpu.memory_space<hbm>>) dst(%arg11 : memref<64xi32, #tpu.memory_space<vmem>>)
        tpu.yield
      }) : () -> ()
      "tpu.region"() ({
        %run_scoped3A_104 = tpu.sem_alloc : memref<!tpu.dma_semaphore, #tpu.memory_space<semaphore_mem>>
        %dma_start3A = arith.constant 0 : i32
        %dma_start3A_105 = arith.constant 0 : i32
        %dma_start3A_106 = tpu.memref_slice %arg16[%dma_start3A, %dma_start3A_105] : memref<320x128xf32, #tpu.memory_space<vmem_shared>> -> memref<320x128xf32, #tpu.memory_space<vmem_shared>>
        tpu.enqueue_indirect_dma source(%arg13 : memref<64x128xf32, #tpu.memory_space<vmem>>) target(%dma_start3A_106 : memref<320x128xf32, #tpu.memory_space<vmem_shared>>) offsets(%arg11 : memref<64xi32, #tpu.memory_space<vmem>>) semaphore(%run_scoped3A_104 : memref<!tpu.dma_semaphore, #tpu.memory_space<semaphore_mem>>)
        %dma_wait3A = arith.constant 0 : i32
        %dma_wait3A_107 = arith.constant 0 : i32
        %dma_wait3A_108 = tpu.memref_slice %arg16[%dma_wait3A, %dma_wait3A_107] : memref<320x128xf32, #tpu.memory_space<vmem_shared>> -> memref<320x128xf32, #tpu.memory_space<vmem_shared>>
        tpu.wait_indirect_dma semaphore(%run_scoped3A_104 : memref<!tpu.dma_semaphore, #tpu.memory_space<semaphore_mem>>) src(%arg13 : memref<64x128xf32, #tpu.memory_space<vmem>>) dst(%dma_wait3A_108 : memref<320x128xf32, #tpu.memory_space<vmem_shared>>)
        tpu.yield
      }) : () -> ()
      %run_scoped3A_102 = arith.constant 4 : i32
      %run_scoped3A_103 = arith.constant 0 : i32
      "tpu.region"() ({
        %run_scoped3A_104 = tpu.sem_alloc : memref<!tpu.dma_semaphore, #tpu.memory_space<semaphore_mem>>
        %dma_start3A = arith.constant 0 : i32
        %dma_start3A_105 = tpu.memref_slice %arg5[%run_scoped3A_102, %run_scoped3A_103, %dma_start3A] : memref<5x1x64xi32, #tpu.memory_space<hbm>> -> memref<1x1x64xi32, #tpu.memory_space<hbm>>
        %dma_start3A_106 = tpu.memref_squeeze %dma_start3A_105 : memref<1x1x64xi32, #tpu.memory_space<hbm>> -> memref<64xi32, #tpu.memory_space<hbm>>
        %dma_start3A_107 = arith.constant 0 : i32
        %dma_start3A_108 = tpu.memref_slice %arg5[%run_scoped3A_102, %run_scoped3A_103, %dma_start3A_107] : memref<5x1x64xi32, #tpu.memory_space<hbm>> -> memref<1x1x64xi32, #tpu.memory_space<hbm>>
        %dma_start3A_109 = tpu.memref_squeeze %dma_start3A_108 : memref<1x1x64xi32, #tpu.memory_space<hbm>> -> memref<64xi32, #tpu.memory_space<hbm>>
        tpu.enqueue_dma source(%dma_start3A_109 : memref<64xi32, #tpu.memory_space<hbm>>) target(%arg11 : memref<64xi32, #tpu.memory_space<vmem>>) target_semaphore(%run_scoped3A_104 : memref<!tpu.dma_semaphore, #tpu.memory_space<semaphore_mem>>)
        %dma_wait3A = arith.constant 0 : i32
        %dma_wait3A_110 = tpu.memref_slice %arg5[%run_scoped3A_102, %run_scoped3A_103, %dma_wait3A] : memref<5x1x64xi32, #tpu.memory_space<hbm>> -> memref<1x1x64xi32, #tpu.memory_space<hbm>>
        %dma_wait3A_111 = tpu.memref_squeeze %dma_wait3A_110 : memref<1x1x64xi32, #tpu.memory_space<hbm>> -> memref<64xi32, #tpu.memory_space<hbm>>
        %dma_wait3A_112 = arith.constant 0 : i32
        %dma_wait3A_113 = tpu.memref_slice %arg5[%run_scoped3A_102, %run_scoped3A_103, %dma_wait3A_112] : memref<5x1x64xi32, #tpu.memory_space<hbm>> -> memref<1x1x64xi32, #tpu.memory_space<hbm>>
        %dma_wait3A_114 = tpu.memref_squeeze %dma_wait3A_113 : memref<1x1x64xi32, #tpu.memory_space<hbm>> -> memref<64xi32, #tpu.memory_space<hbm>>
        tpu.wait_dma2 semaphore(%run_scoped3A_104 : memref<!tpu.dma_semaphore, #tpu.memory_space<semaphore_mem>>) src(%dma_wait3A_114 : memref<64xi32, #tpu.memory_space<hbm>>) dst(%arg11 : memref<64xi32, #tpu.memory_space<vmem>>)
        tpu.yield
      }) : () -> ()
      "tpu.region"() ({
        %run_scoped3A_104 = tpu.sem_alloc : memref<!tpu.dma_semaphore, #tpu.memory_space<semaphore_mem>>
        %dma_start3A = arith.constant 0 : i32
        %dma_start3A_105 = arith.constant 0 : i32
        %dma_start3A_106 = tpu.memref_slice %arg16[%dma_start3A, %dma_start3A_105] : memref<320x128xf32, #tpu.memory_space<vmem_shared>> -> memref<320x128xf32, #tpu.memory_space<vmem_shared>>
        tpu.enqueue_indirect_dma source(%arg13 : memref<64x128xf32, #tpu.memory_space<vmem>>) target(%dma_start3A_106 : memref<320x128xf32, #tpu.memory_space<vmem_shared>>) offsets(%arg11 : memref<64xi32, #tpu.memory_space<vmem>>) semaphore(%run_scoped3A_104 : memref<!tpu.dma_semaphore, #tpu.memory_space<semaphore_mem>>)
        %dma_wait3A = arith.constant 0 : i32
        %dma_wait3A_107 = arith.constant 0 : i32
        %dma_wait3A_108 = tpu.memref_slice %arg16[%dma_wait3A, %dma_wait3A_107] : memref<320x128xf32, #tpu.memory_space<vmem_shared>> -> memref<320x128xf32, #tpu.memory_space<vmem_shared>>
        tpu.wait_indirect_dma semaphore(%run_scoped3A_104 : memref<!tpu.dma_semaphore, #tpu.memory_space<semaphore_mem>>) src(%arg13 : memref<64x128xf32, #tpu.memory_space<vmem>>) dst(%dma_wait3A_108 : memref<320x128xf32, #tpu.memory_space<vmem_shared>>)
        tpu.yield
      }) : () -> ()
    } else {
    }
    %barrier3A = arith.constant 0 : index
    tpu.barrier barrier_id(%barrier3A)
    %scan3A = arith.constant 0 : i32
    %scan3A_22 = arith.constant 0 : i32
    %scan3A_23 = arith.constant 158 : i32
    %scan3A_24 = arith.addi %scan3A_22, %scan3A_23 : i32
    %scan3A_25 = arith.constant 1 : i32
    %scan3A_26 = scf.for %scan3A_94 = %scan3A_22 to %scan3A_24 step %scan3A_25 iter_args(%scan3A_95 = %scan3A) -> (i32)  : i32 {
      %mul3A_96 = arith.constant 10112 : i32
      %mul3A_97 = arith.muli %add3A, %mul3A_96 : i32
      %mul3A_98 = arith.constant 64 : i32
      %mul3A_99 = arith.muli %scan3A_94, %mul3A_98 : i32
      %add3A_100 = arith.addi %mul3A_97, %mul3A_99 : i32
      %run_scoped3A_101 = arith.constant 0 : i32
      "tpu.region"() ({
        %run_scoped3A_104 = tpu.sem_alloc : memref<!tpu.dma_semaphore, #tpu.memory_space<semaphore_mem>>
        %dma_start3A = arith.constant 0 : i32
        %dma_start3A_105 = tpu.memref_slice %arg2[%add3A, %scan3A_94, %run_scoped3A_101, %dma_start3A] : memref<32x158x1x64xi32, #tpu.memory_space<hbm>> -> memref<1x1x1x64xi32, #tpu.memory_space<hbm>>
        %dma_start3A_106 = tpu.memref_squeeze %dma_start3A_105 : memref<1x1x1x64xi32, #tpu.memory_space<hbm>> -> memref<64xi32, #tpu.memory_space<hbm>>
        %dma_start3A_107 = arith.constant 0 : i32
        %dma_start3A_108 = tpu.memref_slice %arg2[%add3A, %scan3A_94, %run_scoped3A_101, %dma_start3A_107] : memref<32x158x1x64xi32, #tpu.memory_space<hbm>> -> memref<1x1x1x64xi32, #tpu.memory_space<hbm>>
        %dma_start3A_109 = tpu.memref_squeeze %dma_start3A_108 : memref<1x1x1x64xi32, #tpu.memory_space<hbm>> -> memref<64xi32, #tpu.memory_space<hbm>>
        tpu.enqueue_dma source(%dma_start3A_109 : memref<64xi32, #tpu.memory_space<hbm>>) target(%arg11 : memref<64xi32, #tpu.memory_space<vmem>>) target_semaphore(%run_scoped3A_104 : memref<!tpu.dma_semaphore, #tpu.memory_space<semaphore_mem>>)
        %dma_wait3A = arith.constant 0 : i32
        %dma_wait3A_110 = tpu.memref_slice %arg2[%add3A, %scan3A_94, %run_scoped3A_101, %dma_wait3A] : memref<32x158x1x64xi32, #tpu.memory_space<hbm>> -> memref<1x1x1x64xi32, #tpu.memory_space<hbm>>
        %dma_wait3A_111 = tpu.memref_squeeze %dma_wait3A_110 : memref<1x1x1x64xi32, #tpu.memory_space<hbm>> -> memref<64xi32, #tpu.memory_space<hbm>>
        %dma_wait3A_112 = arith.constant 0 : i32
        %dma_wait3A_113 = tpu.memref_slice %arg2[%add3A, %scan3A_94, %run_scoped3A_101, %dma_wait3A_112] : memref<32x158x1x64xi32, #tpu.memory_space<hbm>> -> memref<1x1x1x64xi32, #tpu.memory_space<hbm>>
        %dma_wait3A_114 = tpu.memref_squeeze %dma_wait3A_113 : memref<1x1x1x64xi32, #tpu.memory_space<hbm>> -> memref<64xi32, #tpu.memory_space<hbm>>
        tpu.wait_dma2 semaphore(%run_scoped3A_104 : memref<!tpu.dma_semaphore, #tpu.memory_space<semaphore_mem>>) src(%dma_wait3A_114 : memref<64xi32, #tpu.memory_space<hbm>>) dst(%arg11 : memref<64xi32, #tpu.memory_space<vmem>>)
        tpu.yield
      }) : () -> ()
      %run_scoped3A_102 = arith.constant 0 : i32
      "tpu.region"() ({
        %run_scoped3A_104 = tpu.sem_alloc : memref<!tpu.dma_semaphore, #tpu.memory_space<semaphore_mem>>
        %dma_start3A = arith.constant 0 : i32
        %dma_start3A_105 = tpu.memref_slice %arg3[%add3A, %scan3A_94, %run_scoped3A_102, %dma_start3A] : memref<32x158x1x64xi32, #tpu.memory_space<hbm>> -> memref<1x1x1x64xi32, #tpu.memory_space<hbm>>
        %dma_start3A_106 = tpu.memref_squeeze %dma_start3A_105 : memref<1x1x1x64xi32, #tpu.memory_space<hbm>> -> memref<64xi32, #tpu.memory_space<hbm>>
        %dma_start3A_107 = arith.constant 0 : i32
        %dma_start3A_108 = tpu.memref_slice %arg3[%add3A, %scan3A_94, %run_scoped3A_102, %dma_start3A_107] : memref<32x158x1x64xi32, #tpu.memory_space<hbm>> -> memref<1x1x1x64xi32, #tpu.memory_space<hbm>>
        %dma_start3A_109 = tpu.memref_squeeze %dma_start3A_108 : memref<1x1x1x64xi32, #tpu.memory_space<hbm>> -> memref<64xi32, #tpu.memory_space<hbm>>
        tpu.enqueue_dma source(%dma_start3A_109 : memref<64xi32, #tpu.memory_space<hbm>>) target(%arg12 : memref<64xi32, #tpu.memory_space<vmem>>) target_semaphore(%run_scoped3A_104 : memref<!tpu.dma_semaphore, #tpu.memory_space<semaphore_mem>>)
        %dma_wait3A = arith.constant 0 : i32
        %dma_wait3A_110 = tpu.memref_slice %arg3[%add3A, %scan3A_94, %run_scoped3A_102, %dma_wait3A] : memref<32x158x1x64xi32, #tpu.memory_space<hbm>> -> memref<1x1x1x64xi32, #tpu.memory_space<hbm>>
        %dma_wait3A_111 = tpu.memref_squeeze %dma_wait3A_110 : memref<1x1x1x64xi32, #tpu.memory_space<hbm>> -> memref<64xi32, #tpu.memory_space<hbm>>
        %dma_wait3A_112 = arith.constant 0 : i32
        %dma_wait3A_113 = tpu.memref_slice %arg3[%add3A, %scan3A_94, %run_scoped3A_102, %dma_wait3A_112] : memref<32x158x1x64xi32, #tpu.memory_space<hbm>> -> memref<1x1x1x64xi32, #tpu.memory_space<hbm>>
        %dma_wait3A_114 = tpu.memref_squeeze %dma_wait3A_113 : memref<1x1x1x64xi32, #tpu.memory_space<hbm>> -> memref<64xi32, #tpu.memory_space<hbm>>
        tpu.wait_dma2 semaphore(%run_scoped3A_104 : memref<!tpu.dma_semaphore, #tpu.memory_space<semaphore_mem>>) src(%dma_wait3A_114 : memref<64xi32, #tpu.memory_space<hbm>>) dst(%arg12 : memref<64xi32, #tpu.memory_space<vmem>>)
        tpu.yield
      }) : () -> ()
      "tpu.region"() ({
        %run_scoped3A_104 = tpu.sem_alloc : memref<!tpu.dma_semaphore, #tpu.memory_space<semaphore_mem>>
        %dma_start3A = arith.constant 0 : i32
        %dma_start3A_105 = tpu.memref_slice %arg6[%add3A_100, %dma_start3A] : memref<323584x128xf32, #tpu.memory_space<hbm>> -> memref<64x128xf32, #tpu.memory_space<hbm>>
        %dma_start3A_106 = arith.constant 0 : i32
        %dma_start3A_107 = tpu.memref_slice %arg6[%add3A_100, %dma_start3A_106] : memref<323584x128xf32, #tpu.memory_space<hbm>> -> memref<64x128xf32, #tpu.memory_space<hbm>>
        tpu.enqueue_dma source(%dma_start3A_107 : memref<64x128xf32, #tpu.memory_space<hbm>>) target(%arg13 : memref<64x128xf32, #tpu.memory_space<vmem>>) target_semaphore(%run_scoped3A_104 : memref<!tpu.dma_semaphore, #tpu.memory_space<semaphore_mem>>)
        %dma_wait3A = arith.constant 0 : i32
        %dma_wait3A_108 = tpu.memref_slice %arg6[%add3A_100, %dma_wait3A] : memref<323584x128xf32, #tpu.memory_space<hbm>> -> memref<64x128xf32, #tpu.memory_space<hbm>>
        %dma_wait3A_109 = arith.constant 0 : i32
        %dma_wait3A_110 = tpu.memref_slice %arg6[%add3A_100, %dma_wait3A_109] : memref<323584x128xf32, #tpu.memory_space<hbm>> -> memref<64x128xf32, #tpu.memory_space<hbm>>
        tpu.wait_dma2 semaphore(%run_scoped3A_104 : memref<!tpu.dma_semaphore, #tpu.memory_space<semaphore_mem>>) src(%dma_wait3A_110 : memref<64x128xf32, #tpu.memory_space<hbm>>) dst(%arg13 : memref<64x128xf32, #tpu.memory_space<vmem>>)
        tpu.yield
      }) : () -> ()
      "tpu.region"() ({
        %run_scoped3A_104 = tpu.sem_alloc : memref<!tpu.dma_semaphore, #tpu.memory_space<semaphore_mem>>
        %dma_start3A = arith.constant 0 : i32
        %dma_start3A_105 = tpu.memref_slice %arg7[%add3A_100, %dma_start3A] : memref<323584x128xf32, #tpu.memory_space<hbm>> -> memref<64x128xf32, #tpu.memory_space<hbm>>
        %dma_start3A_106 = arith.constant 0 : i32
        %dma_start3A_107 = tpu.memref_slice %arg7[%add3A_100, %dma_start3A_106] : memref<323584x128xf32, #tpu.memory_space<hbm>> -> memref<64x128xf32, #tpu.memory_space<hbm>>
        tpu.enqueue_dma source(%dma_start3A_107 : memref<64x128xf32, #tpu.memory_space<hbm>>) target(%arg14 : memref<64x128xf32, #tpu.memory_space<vmem>>) target_semaphore(%run_scoped3A_104 : memref<!tpu.dma_semaphore, #tpu.memory_space<semaphore_mem>>)
        %dma_wait3A = arith.constant 0 : i32
        %dma_wait3A_108 = tpu.memref_slice %arg7[%add3A_100, %dma_wait3A] : memref<323584x128xf32, #tpu.memory_space<hbm>> -> memref<64x128xf32, #tpu.memory_space<hbm>>
        %dma_wait3A_109 = arith.constant 0 : i32
        %dma_wait3A_110 = tpu.memref_slice %arg7[%add3A_100, %dma_wait3A_109] : memref<323584x128xf32, #tpu.memory_space<hbm>> -> memref<64x128xf32, #tpu.memory_space<hbm>>
        tpu.wait_dma2 semaphore(%run_scoped3A_104 : memref<!tpu.dma_semaphore, #tpu.memory_space<semaphore_mem>>) src(%dma_wait3A_110 : memref<64x128xf32, #tpu.memory_space<hbm>>) dst(%arg14 : memref<64x128xf32, #tpu.memory_space<vmem>>)
        tpu.yield
      }) : () -> ()
      "tpu.region"() ({
        %run_scoped3A_104 = tpu.sem_alloc : memref<!tpu.dma_semaphore, #tpu.memory_space<semaphore_mem>>
        %dma_start3A = arith.constant 0 : i32
        %dma_start3A_105 = arith.constant 0 : i32
        %dma_start3A_106 = tpu.memref_slice %arg15[%dma_start3A, %dma_start3A_105] : memref<10240x128xf32, #tpu.memory_space<vmem_shared>> -> memref<10240x128xf32, #tpu.memory_space<vmem_shared>>
        tpu.enqueue_indirect_dma source(%arg13 : memref<64x128xf32, #tpu.memory_space<vmem>>) target(%dma_start3A_106 : memref<10240x128xf32, #tpu.memory_space<vmem_shared>>) offsets(%arg11 : memref<64xi32, #tpu.memory_space<vmem>>) semaphore(%run_scoped3A_104 : memref<!tpu.dma_semaphore, #tpu.memory_space<semaphore_mem>>) {add = true}
        %dma_wait3A = arith.constant 0 : i32
        %dma_wait3A_107 = arith.constant 0 : i32
        %dma_wait3A_108 = tpu.memref_slice %arg15[%dma_wait3A, %dma_wait3A_107] : memref<10240x128xf32, #tpu.memory_space<vmem_shared>> -> memref<10240x128xf32, #tpu.memory_space<vmem_shared>>
        tpu.wait_indirect_dma semaphore(%run_scoped3A_104 : memref<!tpu.dma_semaphore, #tpu.memory_space<semaphore_mem>>) src(%arg13 : memref<64x128xf32, #tpu.memory_space<vmem>>) dst(%dma_wait3A_108 : memref<10240x128xf32, #tpu.memory_space<vmem_shared>>)
        tpu.yield
      }) : () -> ()
      "tpu.region"() ({
        %run_scoped3A_104 = tpu.sem_alloc : memref<!tpu.dma_semaphore, #tpu.memory_space<semaphore_mem>>
        %dma_start3A = arith.constant 0 : i32
        %dma_start3A_105 = arith.constant 0 : i32
        %dma_start3A_106 = tpu.memref_slice %arg16[%dma_start3A, %dma_start3A_105] : memref<320x128xf32, #tpu.memory_space<vmem_shared>> -> memref<320x128xf32, #tpu.memory_space<vmem_shared>>
        tpu.enqueue_indirect_dma source(%arg14 : memref<64x128xf32, #tpu.memory_space<vmem>>) target(%dma_start3A_106 : memref<320x128xf32, #tpu.memory_space<vmem_shared>>) offsets(%arg12 : memref<64xi32, #tpu.memory_space<vmem>>) semaphore(%run_scoped3A_104 : memref<!tpu.dma_semaphore, #tpu.memory_space<semaphore_mem>>) {add = true}
        %dma_wait3A = arith.constant 0 : i32
        %dma_wait3A_107 = arith.constant 0 : i32
        %dma_wait3A_108 = tpu.memref_slice %arg16[%dma_wait3A, %dma_wait3A_107] : memref<320x128xf32, #tpu.memory_space<vmem_shared>> -> memref<320x128xf32, #tpu.memory_space<vmem_shared>>
        tpu.wait_indirect_dma semaphore(%run_scoped3A_104 : memref<!tpu.dma_semaphore, #tpu.memory_space<semaphore_mem>>) src(%arg14 : memref<64x128xf32, #tpu.memory_space<vmem>>) dst(%dma_wait3A_108 : memref<320x128xf32, #tpu.memory_space<vmem_shared>>)
        tpu.yield
      }) : () -> ()
      %scan3A_103 = arith.constant 0 : i32
      scf.yield %scan3A_103 : i32
    }
    %scan3A_27 = arith.constant 158 : i32
    %barrier3A_28 = arith.constant 0 : index
    tpu.barrier barrier_id(%barrier3A_28)
    %run_scoped3A_29 = arith.constant 0 : i32
    %run_scoped3A_30 = arith.constant 0 : i32
    "tpu.region"() ({
      %run_scoped3A_94 = tpu.sem_alloc : memref<!tpu.dma_semaphore, #tpu.memory_space<semaphore_mem>>
      %dma_start3A = arith.constant 0 : i32
      %dma_start3A_95 = tpu.memref_slice %arg4[%arg1, %run_scoped3A_29, %run_scoped3A_30, %dma_start3A] : memref<16x10x1x64xi32, #tpu.memory_space<hbm>> -> memref<1x1x1x64xi32, #tpu.memory_space<hbm>>
      %dma_start3A_96 = tpu.memref_squeeze %dma_start3A_95 : memref<1x1x1x64xi32, #tpu.memory_space<hbm>> -> memref<64xi32, #tpu.memory_space<hbm>>
      %dma_start3A_97 = arith.constant 0 : i32
      %dma_start3A_98 = tpu.memref_slice %arg4[%arg1, %run_scoped3A_29, %run_scoped3A_30, %dma_start3A_97] : memref<16x10x1x64xi32, #tpu.memory_space<hbm>> -> memref<1x1x1x64xi32, #tpu.memory_space<hbm>>
      %dma_start3A_99 = tpu.memref_squeeze %dma_start3A_98 : memref<1x1x1x64xi32, #tpu.memory_space<hbm>> -> memref<64xi32, #tpu.memory_space<hbm>>
      tpu.enqueue_dma source(%dma_start3A_99 : memref<64xi32, #tpu.memory_space<hbm>>) target(%arg11 : memref<64xi32, #tpu.memory_space<vmem>>) target_semaphore(%run_scoped3A_94 : memref<!tpu.dma_semaphore, #tpu.memory_space<semaphore_mem>>)
      %dma_wait3A = arith.constant 0 : i32
      %dma_wait3A_100 = tpu.memref_slice %arg4[%arg1, %run_scoped3A_29, %run_scoped3A_30, %dma_wait3A] : memref<16x10x1x64xi32, #tpu.memory_space<hbm>> -> memref<1x1x1x64xi32, #tpu.memory_space<hbm>>
      %dma_wait3A_101 = tpu.memref_squeeze %dma_wait3A_100 : memref<1x1x1x64xi32, #tpu.memory_space<hbm>> -> memref<64xi32, #tpu.memory_space<hbm>>
      %dma_wait3A_102 = arith.constant 0 : i32
      %dma_wait3A_103 = tpu.memref_slice %arg4[%arg1, %run_scoped3A_29, %run_scoped3A_30, %dma_wait3A_102] : memref<16x10x1x64xi32, #tpu.memory_space<hbm>> -> memref<1x1x1x64xi32, #tpu.memory_space<hbm>>
      %dma_wait3A_104 = tpu.memref_squeeze %dma_wait3A_103 : memref<1x1x1x64xi32, #tpu.memory_space<hbm>> -> memref<64xi32, #tpu.memory_space<hbm>>
      tpu.wait_dma2 semaphore(%run_scoped3A_94 : memref<!tpu.dma_semaphore, #tpu.memory_space<semaphore_mem>>) src(%dma_wait3A_104 : memref<64xi32, #tpu.memory_space<hbm>>) dst(%arg11 : memref<64xi32, #tpu.memory_space<vmem>>)
      tpu.yield
    }) : () -> ()
    "tpu.region"() ({
      %run_scoped3A_94 = tpu.sem_alloc : memref<!tpu.dma_semaphore, #tpu.memory_space<semaphore_mem>>
      %dma_start3A = arith.constant 0 : i32
      %dma_start3A_95 = arith.constant 0 : i32
      %dma_start3A_96 = tpu.memref_slice %arg15[%dma_start3A, %dma_start3A_95] : memref<10240x128xf32, #tpu.memory_space<vmem_shared>> -> memref<10240x128xf32, #tpu.memory_space<vmem_shared>>
      tpu.enqueue_indirect_dma source(%dma_start3A_96 : memref<10240x128xf32, #tpu.memory_space<vmem_shared>>) target(%arg13 : memref<64x128xf32, #tpu.memory_space<vmem>>) offsets(%arg11 : memref<64xi32, #tpu.memory_space<vmem>>) semaphore(%run_scoped3A_94 : memref<!tpu.dma_semaphore, #tpu.memory_space<semaphore_mem>>)
      %dma_wait3A = arith.constant 0 : i32
      %dma_wait3A_97 = arith.constant 0 : i32
      %dma_wait3A_98 = tpu.memref_slice %arg15[%dma_wait3A, %dma_wait3A_97] : memref<10240x128xf32, #tpu.memory_space<vmem_shared>> -> memref<10240x128xf32, #tpu.memory_space<vmem_shared>>
      tpu.wait_indirect_dma semaphore(%run_scoped3A_94 : memref<!tpu.dma_semaphore, #tpu.memory_space<semaphore_mem>>) src(%dma_wait3A_98 : memref<10240x128xf32, #tpu.memory_space<vmem_shared>>) dst(%arg13 : memref<64x128xf32, #tpu.memory_space<vmem>>)
      tpu.yield
    }) : () -> ()
    %mul3A_31 = arith.constant 640 : i32
    %mul3A_32 = arith.muli %arg1, %mul3A_31 : i32
    %add3A_33 = arith.constant 0 : i32
    %add3A_34 = arith.addi %mul3A_32, %add3A_33 : i32
    "tpu.region"() ({
      %run_scoped3A_94 = tpu.sem_alloc : memref<!tpu.dma_semaphore, #tpu.memory_space<semaphore_mem>>
      %dma_start3A = arith.constant 0 : i32
      %dma_start3A_95 = tpu.memref_slice %arg9[%arg0, %add3A_34, %dma_start3A] : memref<2x10240x128xf32, #tpu.memory_space<hbm>> -> memref<1x64x128xf32, #tpu.memory_space<hbm>>
      %dma_start3A_96 = tpu.memref_squeeze %dma_start3A_95 : memref<1x64x128xf32, #tpu.memory_space<hbm>> -> memref<64x128xf32, #tpu.memory_space<hbm>>
      %dma_start3A_97 = arith.constant 0 : i32
      %dma_start3A_98 = tpu.memref_slice %arg9[%arg0, %add3A_34, %dma_start3A_97] : memref<2x10240x128xf32, #tpu.memory_space<hbm>> -> memref<1x64x128xf32, #tpu.memory_space<hbm>>
      %dma_start3A_99 = tpu.memref_squeeze %dma_start3A_98 : memref<1x64x128xf32, #tpu.memory_space<hbm>> -> memref<64x128xf32, #tpu.memory_space<hbm>>
      tpu.enqueue_dma source(%arg13 : memref<64x128xf32, #tpu.memory_space<vmem>>) target(%dma_start3A_99 : memref<64x128xf32, #tpu.memory_space<hbm>>) target_semaphore(%run_scoped3A_94 : memref<!tpu.dma_semaphore, #tpu.memory_space<semaphore_mem>>)
      %dma_wait3A = arith.constant 0 : i32
      %dma_wait3A_100 = tpu.memref_slice %arg9[%arg0, %add3A_34, %dma_wait3A] : memref<2x10240x128xf32, #tpu.memory_space<hbm>> -> memref<1x64x128xf32, #tpu.memory_space<hbm>>
      %dma_wait3A_101 = tpu.memref_squeeze %dma_wait3A_100 : memref<1x64x128xf32, #tpu.memory_space<hbm>> -> memref<64x128xf32, #tpu.memory_space<hbm>>
      %dma_wait3A_102 = arith.constant 0 : i32
      %dma_wait3A_103 = tpu.memref_slice %arg9[%arg0, %add3A_34, %dma_wait3A_102] : memref<2x10240x128xf32, #tpu.memory_space<hbm>> -> memref<1x64x128xf32, #tpu.memory_space<hbm>>
      %dma_wait3A_104 = tpu.memref_squeeze %dma_wait3A_103 : memref<1x64x128xf32, #tpu.memory_space<hbm>> -> memref<64x128xf32, #tpu.memory_space<hbm>>
      tpu.wait_dma2 semaphore(%run_scoped3A_94 : memref<!tpu.dma_semaphore, #tpu.memory_space<semaphore_mem>>) src(%arg13 : memref<64x128xf32, #tpu.memory_space<vmem>>) dst(%dma_wait3A_104 : memref<64x128xf32, #tpu.memory_space<hbm>>)
      tpu.yield
    }) : () -> ()
    %run_scoped3A_35 = arith.constant 1 : i32
    %run_scoped3A_36 = arith.constant 0 : i32
    "tpu.region"() ({
      %run_scoped3A_94 = tpu.sem_alloc : memref<!tpu.dma_semaphore, #tpu.memory_space<semaphore_mem>>
      %dma_start3A = arith.constant 0 : i32
      %dma_start3A_95 = tpu.memref_slice %arg4[%arg1, %run_scoped3A_35, %run_scoped3A_36, %dma_start3A] : memref<16x10x1x64xi32, #tpu.memory_space<hbm>> -> memref<1x1x1x64xi32, #tpu.memory_space<hbm>>
      %dma_start3A_96 = tpu.memref_squeeze %dma_start3A_95 : memref<1x1x1x64xi32, #tpu.memory_space<hbm>> -> memref<64xi32, #tpu.memory_space<hbm>>
      %dma_start3A_97 = arith.constant 0 : i32
      %dma_start3A_98 = tpu.memref_slice %arg4[%arg1, %run_scoped3A_35, %run_scoped3A_36, %dma_start3A_97] : memref<16x10x1x64xi32, #tpu.memory_space<hbm>> -> memref<1x1x1x64xi32, #tpu.memory_space<hbm>>
      %dma_start3A_99 = tpu.memref_squeeze %dma_start3A_98 : memref<1x1x1x64xi32, #tpu.memory_space<hbm>> -> memref<64xi32, #tpu.memory_space<hbm>>
      tpu.enqueue_dma source(%dma_start3A_99 : memref<64xi32, #tpu.memory_space<hbm>>) target(%arg11 : memref<64xi32, #tpu.memory_space<vmem>>) target_semaphore(%run_scoped3A_94 : memref<!tpu.dma_semaphore, #tpu.memory_space<semaphore_mem>>)
      %dma_wait3A = arith.constant 0 : i32
      %dma_wait3A_100 = tpu.memref_slice %arg4[%arg1, %run_scoped3A_35, %run_scoped3A_36, %dma_wait3A] : memref<16x10x1x64xi32, #tpu.memory_space<hbm>> -> memref<1x1x1x64xi32, #tpu.memory_space<hbm>>
      %dma_wait3A_101 = tpu.memref_squeeze %dma_wait3A_100 : memref<1x1x1x64xi32, #tpu.memory_space<hbm>> -> memref<64xi32, #tpu.memory_space<hbm>>
      %dma_wait3A_102 = arith.constant 0 : i32
      %dma_wait3A_103 = tpu.memref_slice %arg4[%arg1, %run_scoped3A_35, %run_scoped3A_36, %dma_wait3A_102] : memref<16x10x1x64xi32, #tpu.memory_space<hbm>> -> memref<1x1x1x64xi32, #tpu.memory_space<hbm>>
      %dma_wait3A_104 = tpu.memref_squeeze %dma_wait3A_103 : memref<1x1x1x64xi32, #tpu.memory_space<hbm>> -> memref<64xi32, #tpu.memory_space<hbm>>
      tpu.wait_dma2 semaphore(%run_scoped3A_94 : memref<!tpu.dma_semaphore, #tpu.memory_space<semaphore_mem>>) src(%dma_wait3A_104 : memref<64xi32, #tpu.memory_space<hbm>>) dst(%arg11 : memref<64xi32, #tpu.memory_space<vmem>>)
      tpu.yield
    }) : () -> ()
    "tpu.region"() ({
      %run_scoped3A_94 = tpu.sem_alloc : memref<!tpu.dma_semaphore, #tpu.memory_space<semaphore_mem>>
      %dma_start3A = arith.constant 0 : i32
      %dma_start3A_95 = arith.constant 0 : i32
      %dma_start3A_96 = tpu.memref_slice %arg15[%dma_start3A, %dma_start3A_95] : memref<10240x128xf32, #tpu.memory_space<vmem_shared>> -> memref<10240x128xf32, #tpu.memory_space<vmem_shared>>
      tpu.enqueue_indirect_dma source(%dma_start3A_96 : memref<10240x128xf32, #tpu.memory_space<vmem_shared>>) target(%arg13 : memref<64x128xf32, #tpu.memory_space<vmem>>) offsets(%arg11 : memref<64xi32, #tpu.memory_space<vmem>>) semaphore(%run_scoped3A_94 : memref<!tpu.dma_semaphore, #tpu.memory_space<semaphore_mem>>)
      %dma_wait3A = arith.constant 0 : i32
      %dma_wait3A_97 = arith.constant 0 : i32
      %dma_wait3A_98 = tpu.memref_slice %arg15[%dma_wait3A, %dma_wait3A_97] : memref<10240x128xf32, #tpu.memory_space<vmem_shared>> -> memref<10240x128xf32, #tpu.memory_space<vmem_shared>>
      tpu.wait_indirect_dma semaphore(%run_scoped3A_94 : memref<!tpu.dma_semaphore, #tpu.memory_space<semaphore_mem>>) src(%dma_wait3A_98 : memref<10240x128xf32, #tpu.memory_space<vmem_shared>>) dst(%arg13 : memref<64x128xf32, #tpu.memory_space<vmem>>)
      tpu.yield
    }) : () -> ()
    %mul3A_37 = arith.constant 640 : i32
    %mul3A_38 = arith.muli %arg1, %mul3A_37 : i32
    %add3A_39 = arith.constant 64 : i32
    %add3A_40 = arith.addi %mul3A_38, %add3A_39 : i32
    "tpu.region"() ({
      %run_scoped3A_94 = tpu.sem_alloc : memref<!tpu.dma_semaphore, #tpu.memory_space<semaphore_mem>>
      %dma_start3A = arith.constant 0 : i32
      %dma_start3A_95 = tpu.memref_slice %arg9[%arg0, %add3A_40, %dma_start3A] : memref<2x10240x128xf32, #tpu.memory_space<hbm>> -> memref<1x64x128xf32, #tpu.memory_space<hbm>>
      %dma_start3A_96 = tpu.memref_squeeze %dma_start3A_95 : memref<1x64x128xf32, #tpu.memory_space<hbm>> -> memref<64x128xf32, #tpu.memory_space<hbm>>
      %dma_start3A_97 = arith.constant 0 : i32
      %dma_start3A_98 = tpu.memref_slice %arg9[%arg0, %add3A_40, %dma_start3A_97] : memref<2x10240x128xf32, #tpu.memory_space<hbm>> -> memref<1x64x128xf32, #tpu.memory_space<hbm>>
      %dma_start3A_99 = tpu.memref_squeeze %dma_start3A_98 : memref<1x64x128xf32, #tpu.memory_space<hbm>> -> memref<64x128xf32, #tpu.memory_space<hbm>>
      tpu.enqueue_dma source(%arg13 : memref<64x128xf32, #tpu.memory_space<vmem>>) target(%dma_start3A_99 : memref<64x128xf32, #tpu.memory_space<hbm>>) target_semaphore(%run_scoped3A_94 : memref<!tpu.dma_semaphore, #tpu.memory_space<semaphore_mem>>)
      %dma_wait3A = arith.constant 0 : i32
      %dma_wait3A_100 = tpu.memref_slice %arg9[%arg0, %add3A_40, %dma_wait3A] : memref<2x10240x128xf32, #tpu.memory_space<hbm>> -> memref<1x64x128xf32, #tpu.memory_space<hbm>>
      %dma_wait3A_101 = tpu.memref_squeeze %dma_wait3A_100 : memref<1x64x128xf32, #tpu.memory_space<hbm>> -> memref<64x128xf32, #tpu.memory_space<hbm>>
      %dma_wait3A_102 = arith.constant 0 : i32
      %dma_wait3A_103 = tpu.memref_slice %arg9[%arg0, %add3A_40, %dma_wait3A_102] : memref<2x10240x128xf32, #tpu.memory_space<hbm>> -> memref<1x64x128xf32, #tpu.memory_space<hbm>>
      %dma_wait3A_104 = tpu.memref_squeeze %dma_wait3A_103 : memref<1x64x128xf32, #tpu.memory_space<hbm>> -> memref<64x128xf32, #tpu.memory_space<hbm>>
      tpu.wait_dma2 semaphore(%run_scoped3A_94 : memref<!tpu.dma_semaphore, #tpu.memory_space<semaphore_mem>>) src(%arg13 : memref<64x128xf32, #tpu.memory_space<vmem>>) dst(%dma_wait3A_104 : memref<64x128xf32, #tpu.memory_space<hbm>>)
      tpu.yield
    }) : () -> ()
    %run_scoped3A_41 = arith.constant 2 : i32
    %run_scoped3A_42 = arith.constant 0 : i32
    "tpu.region"() ({
      %run_scoped3A_94 = tpu.sem_alloc : memref<!tpu.dma_semaphore, #tpu.memory_space<semaphore_mem>>
      %dma_start3A = arith.constant 0 : i32
      %dma_start3A_95 = tpu.memref_slice %arg4[%arg1, %run_scoped3A_41, %run_scoped3A_42, %dma_start3A] : memref<16x10x1x64xi32, #tpu.memory_space<hbm>> -> memref<1x1x1x64xi32, #tpu.memory_space<hbm>>
      %dma_start3A_96 = tpu.memref_squeeze %dma_start3A_95 : memref<1x1x1x64xi32, #tpu.memory_space<hbm>> -> memref<64xi32, #tpu.memory_space<hbm>>
      %dma_start3A_97 = arith.constant 0 : i32
      %dma_start3A_98 = tpu.memref_slice %arg4[%arg1, %run_scoped3A_41, %run_scoped3A_42, %dma_start3A_97] : memref<16x10x1x64xi32, #tpu.memory_space<hbm>> -> memref<1x1x1x64xi32, #tpu.memory_space<hbm>>
      %dma_start3A_99 = tpu.memref_squeeze %dma_start3A_98 : memref<1x1x1x64xi32, #tpu.memory_space<hbm>> -> memref<64xi32, #tpu.memory_space<hbm>>
      tpu.enqueue_dma source(%dma_start3A_99 : memref<64xi32, #tpu.memory_space<hbm>>) target(%arg11 : memref<64xi32, #tpu.memory_space<vmem>>) target_semaphore(%run_scoped3A_94 : memref<!tpu.dma_semaphore, #tpu.memory_space<semaphore_mem>>)
      %dma_wait3A = arith.constant 0 : i32
      %dma_wait3A_100 = tpu.memref_slice %arg4[%arg1, %run_scoped3A_41, %run_scoped3A_42, %dma_wait3A] : memref<16x10x1x64xi32, #tpu.memory_space<hbm>> -> memref<1x1x1x64xi32, #tpu.memory_space<hbm>>
      %dma_wait3A_101 = tpu.memref_squeeze %dma_wait3A_100 : memref<1x1x1x64xi32, #tpu.memory_space<hbm>> -> memref<64xi32, #tpu.memory_space<hbm>>
      %dma_wait3A_102 = arith.constant 0 : i32
      %dma_wait3A_103 = tpu.memref_slice %arg4[%arg1, %run_scoped3A_41, %run_scoped3A_42, %dma_wait3A_102] : memref<16x10x1x64xi32, #tpu.memory_space<hbm>> -> memref<1x1x1x64xi32, #tpu.memory_space<hbm>>
      %dma_wait3A_104 = tpu.memref_squeeze %dma_wait3A_103 : memref<1x1x1x64xi32, #tpu.memory_space<hbm>> -> memref<64xi32, #tpu.memory_space<hbm>>
      tpu.wait_dma2 semaphore(%run_scoped3A_94 : memref<!tpu.dma_semaphore, #tpu.memory_space<semaphore_mem>>) src(%dma_wait3A_104 : memref<64xi32, #tpu.memory_space<hbm>>) dst(%arg11 : memref<64xi32, #tpu.memory_space<vmem>>)
      tpu.yield
    }) : () -> ()
    "tpu.region"() ({
      %run_scoped3A_94 = tpu.sem_alloc : memref<!tpu.dma_semaphore, #tpu.memory_space<semaphore_mem>>
      %dma_start3A = arith.constant 0 : i32
      %dma_start3A_95 = arith.constant 0 : i32
      %dma_start3A_96 = tpu.memref_slice %arg15[%dma_start3A, %dma_start3A_95] : memref<10240x128xf32, #tpu.memory_space<vmem_shared>> -> memref<10240x128xf32, #tpu.memory_space<vmem_shared>>
      tpu.enqueue_indirect_dma source(%dma_start3A_96 : memref<10240x128xf32, #tpu.memory_space<vmem_shared>>) target(%arg13 : memref<64x128xf32, #tpu.memory_space<vmem>>) offsets(%arg11 : memref<64xi32, #tpu.memory_space<vmem>>) semaphore(%run_scoped3A_94 : memref<!tpu.dma_semaphore, #tpu.memory_space<semaphore_mem>>)
      %dma_wait3A = arith.constant 0 : i32
      %dma_wait3A_97 = arith.constant 0 : i32
      %dma_wait3A_98 = tpu.memref_slice %arg15[%dma_wait3A, %dma_wait3A_97] : memref<10240x128xf32, #tpu.memory_space<vmem_shared>> -> memref<10240x128xf32, #tpu.memory_space<vmem_shared>>
      tpu.wait_indirect_dma semaphore(%run_scoped3A_94 : memref<!tpu.dma_semaphore, #tpu.memory_space<semaphore_mem>>) src(%dma_wait3A_98 : memref<10240x128xf32, #tpu.memory_space<vmem_shared>>) dst(%arg13 : memref<64x128xf32, #tpu.memory_space<vmem>>)
      tpu.yield
    }) : () -> ()
    %mul3A_43 = arith.constant 640 : i32
    %mul3A_44 = arith.muli %arg1, %mul3A_43 : i32
    %add3A_45 = arith.constant 128 : i32
    %add3A_46 = arith.addi %mul3A_44, %add3A_45 : i32
    "tpu.region"() ({
      %run_scoped3A_94 = tpu.sem_alloc : memref<!tpu.dma_semaphore, #tpu.memory_space<semaphore_mem>>
      %dma_start3A = arith.constant 0 : i32
      %dma_start3A_95 = tpu.memref_slice %arg9[%arg0, %add3A_46, %dma_start3A] : memref<2x10240x128xf32, #tpu.memory_space<hbm>> -> memref<1x64x128xf32, #tpu.memory_space<hbm>>
      %dma_start3A_96 = tpu.memref_squeeze %dma_start3A_95 : memref<1x64x128xf32, #tpu.memory_space<hbm>> -> memref<64x128xf32, #tpu.memory_space<hbm>>
      %dma_start3A_97 = arith.constant 0 : i32
      %dma_start3A_98 = tpu.memref_slice %arg9[%arg0, %add3A_46, %dma_start3A_97] : memref<2x10240x128xf32, #tpu.memory_space<hbm>> -> memref<1x64x128xf32, #tpu.memory_space<hbm>>
      %dma_start3A_99 = tpu.memref_squeeze %dma_start3A_98 : memref<1x64x128xf32, #tpu.memory_space<hbm>> -> memref<64x128xf32, #tpu.memory_space<hbm>>
      tpu.enqueue_dma source(%arg13 : memref<64x128xf32, #tpu.memory_space<vmem>>) target(%dma_start3A_99 : memref<64x128xf32, #tpu.memory_space<hbm>>) target_semaphore(%run_scoped3A_94 : memref<!tpu.dma_semaphore, #tpu.memory_space<semaphore_mem>>)
      %dma_wait3A = arith.constant 0 : i32
      %dma_wait3A_100 = tpu.memref_slice %arg9[%arg0, %add3A_46, %dma_wait3A] : memref<2x10240x128xf32, #tpu.memory_space<hbm>> -> memref<1x64x128xf32, #tpu.memory_space<hbm>>
      %dma_wait3A_101 = tpu.memref_squeeze %dma_wait3A_100 : memref<1x64x128xf32, #tpu.memory_space<hbm>> -> memref<64x128xf32, #tpu.memory_space<hbm>>
      %dma_wait3A_102 = arith.constant 0 : i32
      %dma_wait3A_103 = tpu.memref_slice %arg9[%arg0, %add3A_46, %dma_wait3A_102] : memref<2x10240x128xf32, #tpu.memory_space<hbm>> -> memref<1x64x128xf32, #tpu.memory_space<hbm>>
      %dma_wait3A_104 = tpu.memref_squeeze %dma_wait3A_103 : memref<1x64x128xf32, #tpu.memory_space<hbm>> -> memref<64x128xf32, #tpu.memory_space<hbm>>
      tpu.wait_dma2 semaphore(%run_scoped3A_94 : memref<!tpu.dma_semaphore, #tpu.memory_space<semaphore_mem>>) src(%arg13 : memref<64x128xf32, #tpu.memory_space<vmem>>) dst(%dma_wait3A_104 : memref<64x128xf32, #tpu.memory_space<hbm>>)
      tpu.yield
    }) : () -> ()
    %run_scoped3A_47 = arith.constant 3 : i32
    %run_scoped3A_48 = arith.constant 0 : i32
    "tpu.region"() ({
      %run_scoped3A_94 = tpu.sem_alloc : memref<!tpu.dma_semaphore, #tpu.memory_space<semaphore_mem>>
      %dma_start3A = arith.constant 0 : i32
      %dma_start3A_95 = tpu.memref_slice %arg4[%arg1, %run_scoped3A_47, %run_scoped3A_48, %dma_start3A] : memref<16x10x1x64xi32, #tpu.memory_space<hbm>> -> memref<1x1x1x64xi32, #tpu.memory_space<hbm>>
      %dma_start3A_96 = tpu.memref_squeeze %dma_start3A_95 : memref<1x1x1x64xi32, #tpu.memory_space<hbm>> -> memref<64xi32, #tpu.memory_space<hbm>>
      %dma_start3A_97 = arith.constant 0 : i32
      %dma_start3A_98 = tpu.memref_slice %arg4[%arg1, %run_scoped3A_47, %run_scoped3A_48, %dma_start3A_97] : memref<16x10x1x64xi32, #tpu.memory_space<hbm>> -> memref<1x1x1x64xi32, #tpu.memory_space<hbm>>
      %dma_start3A_99 = tpu.memref_squeeze %dma_start3A_98 : memref<1x1x1x64xi32, #tpu.memory_space<hbm>> -> memref<64xi32, #tpu.memory_space<hbm>>
      tpu.enqueue_dma source(%dma_start3A_99 : memref<64xi32, #tpu.memory_space<hbm>>) target(%arg11 : memref<64xi32, #tpu.memory_space<vmem>>) target_semaphore(%run_scoped3A_94 : memref<!tpu.dma_semaphore, #tpu.memory_space<semaphore_mem>>)
      %dma_wait3A = arith.constant 0 : i32
      %dma_wait3A_100 = tpu.memref_slice %arg4[%arg1, %run_scoped3A_47, %run_scoped3A_48, %dma_wait3A] : memref<16x10x1x64xi32, #tpu.memory_space<hbm>> -> memref<1x1x1x64xi32, #tpu.memory_space<hbm>>
      %dma_wait3A_101 = tpu.memref_squeeze %dma_wait3A_100 : memref<1x1x1x64xi32, #tpu.memory_space<hbm>> -> memref<64xi32, #tpu.memory_space<hbm>>
      %dma_wait3A_102 = arith.constant 0 : i32
      %dma_wait3A_103 = tpu.memref_slice %arg4[%arg1, %run_scoped3A_47, %run_scoped3A_48, %dma_wait3A_102] : memref<16x10x1x64xi32, #tpu.memory_space<hbm>> -> memref<1x1x1x64xi32, #tpu.memory_space<hbm>>
      %dma_wait3A_104 = tpu.memref_squeeze %dma_wait3A_103 : memref<1x1x1x64xi32, #tpu.memory_space<hbm>> -> memref<64xi32, #tpu.memory_space<hbm>>
      tpu.wait_dma2 semaphore(%run_scoped3A_94 : memref<!tpu.dma_semaphore, #tpu.memory_space<semaphore_mem>>) src(%dma_wait3A_104 : memref<64xi32, #tpu.memory_space<hbm>>) dst(%arg11 : memref<64xi32, #tpu.memory_space<vmem>>)
      tpu.yield
    }) : () -> ()
    "tpu.region"() ({
      %run_scoped3A_94 = tpu.sem_alloc : memref<!tpu.dma_semaphore, #tpu.memory_space<semaphore_mem>>
      %dma_start3A = arith.constant 0 : i32
      %dma_start3A_95 = arith.constant 0 : i32
      %dma_start3A_96 = tpu.memref_slice %arg15[%dma_start3A, %dma_start3A_95] : memref<10240x128xf32, #tpu.memory_space<vmem_shared>> -> memref<10240x128xf32, #tpu.memory_space<vmem_shared>>
      tpu.enqueue_indirect_dma source(%dma_start3A_96 : memref<10240x128xf32, #tpu.memory_space<vmem_shared>>) target(%arg13 : memref<64x128xf32, #tpu.memory_space<vmem>>) offsets(%arg11 : memref<64xi32, #tpu.memory_space<vmem>>) semaphore(%run_scoped3A_94 : memref<!tpu.dma_semaphore, #tpu.memory_space<semaphore_mem>>)
      %dma_wait3A = arith.constant 0 : i32
      %dma_wait3A_97 = arith.constant 0 : i32
      %dma_wait3A_98 = tpu.memref_slice %arg15[%dma_wait3A, %dma_wait3A_97] : memref<10240x128xf32, #tpu.memory_space<vmem_shared>> -> memref<10240x128xf32, #tpu.memory_space<vmem_shared>>
      tpu.wait_indirect_dma semaphore(%run_scoped3A_94 : memref<!tpu.dma_semaphore, #tpu.memory_space<semaphore_mem>>) src(%dma_wait3A_98 : memref<10240x128xf32, #tpu.memory_space<vmem_shared>>) dst(%arg13 : memref<64x128xf32, #tpu.memory_space<vmem>>)
      tpu.yield
    }) : () -> ()
    %mul3A_49 = arith.constant 640 : i32
    %mul3A_50 = arith.muli %arg1, %mul3A_49 : i32
    %add3A_51 = arith.constant 192 : i32
    %add3A_52 = arith.addi %mul3A_50, %add3A_51 : i32
    "tpu.region"() ({
      %run_scoped3A_94 = tpu.sem_alloc : memref<!tpu.dma_semaphore, #tpu.memory_space<semaphore_mem>>
      %dma_start3A = arith.constant 0 : i32
      %dma_start3A_95 = tpu.memref_slice %arg9[%arg0, %add3A_52, %dma_start3A] : memref<2x10240x128xf32, #tpu.memory_space<hbm>> -> memref<1x64x128xf32, #tpu.memory_space<hbm>>
      %dma_start3A_96 = tpu.memref_squeeze %dma_start3A_95 : memref<1x64x128xf32, #tpu.memory_space<hbm>> -> memref<64x128xf32, #tpu.memory_space<hbm>>
      %dma_start3A_97 = arith.constant 0 : i32
      %dma_start3A_98 = tpu.memref_slice %arg9[%arg0, %add3A_52, %dma_start3A_97] : memref<2x10240x128xf32, #tpu.memory_space<hbm>> -> memref<1x64x128xf32, #tpu.memory_space<hbm>>
      %dma_start3A_99 = tpu.memref_squeeze %dma_start3A_98 : memref<1x64x128xf32, #tpu.memory_space<hbm>> -> memref<64x128xf32, #tpu.memory_space<hbm>>
      tpu.enqueue_dma source(%arg13 : memref<64x128xf32, #tpu.memory_space<vmem>>) target(%dma_start3A_99 : memref<64x128xf32, #tpu.memory_space<hbm>>) target_semaphore(%run_scoped3A_94 : memref<!tpu.dma_semaphore, #tpu.memory_space<semaphore_mem>>)
      %dma_wait3A = arith.constant 0 : i32
      %dma_wait3A_100 = tpu.memref_slice %arg9[%arg0, %add3A_52, %dma_wait3A] : memref<2x10240x128xf32, #tpu.memory_space<hbm>> -> memref<1x64x128xf32, #tpu.memory_space<hbm>>
      %dma_wait3A_101 = tpu.memref_squeeze %dma_wait3A_100 : memref<1x64x128xf32, #tpu.memory_space<hbm>> -> memref<64x128xf32, #tpu.memory_space<hbm>>
      %dma_wait3A_102 = arith.constant 0 : i32
      %dma_wait3A_103 = tpu.memref_slice %arg9[%arg0, %add3A_52, %dma_wait3A_102] : memref<2x10240x128xf32, #tpu.memory_space<hbm>> -> memref<1x64x128xf32, #tpu.memory_space<hbm>>
      %dma_wait3A_104 = tpu.memref_squeeze %dma_wait3A_103 : memref<1x64x128xf32, #tpu.memory_space<hbm>> -> memref<64x128xf32, #tpu.memory_space<hbm>>
      tpu.wait_dma2 semaphore(%run_scoped3A_94 : memref<!tpu.dma_semaphore, #tpu.memory_space<semaphore_mem>>) src(%arg13 : memref<64x128xf32, #tpu.memory_space<vmem>>) dst(%dma_wait3A_104 : memref<64x128xf32, #tpu.memory_space<hbm>>)
      tpu.yield
    }) : () -> ()
    %run_scoped3A_53 = arith.constant 4 : i32
    %run_scoped3A_54 = arith.constant 0 : i32
    "tpu.region"() ({
      %run_scoped3A_94 = tpu.sem_alloc : memref<!tpu.dma_semaphore, #tpu.memory_space<semaphore_mem>>
      %dma_start3A = arith.constant 0 : i32
      %dma_start3A_95 = tpu.memref_slice %arg4[%arg1, %run_scoped3A_53, %run_scoped3A_54, %dma_start3A] : memref<16x10x1x64xi32, #tpu.memory_space<hbm>> -> memref<1x1x1x64xi32, #tpu.memory_space<hbm>>
      %dma_start3A_96 = tpu.memref_squeeze %dma_start3A_95 : memref<1x1x1x64xi32, #tpu.memory_space<hbm>> -> memref<64xi32, #tpu.memory_space<hbm>>
      %dma_start3A_97 = arith.constant 0 : i32
      %dma_start3A_98 = tpu.memref_slice %arg4[%arg1, %run_scoped3A_53, %run_scoped3A_54, %dma_start3A_97] : memref<16x10x1x64xi32, #tpu.memory_space<hbm>> -> memref<1x1x1x64xi32, #tpu.memory_space<hbm>>
      %dma_start3A_99 = tpu.memref_squeeze %dma_start3A_98 : memref<1x1x1x64xi32, #tpu.memory_space<hbm>> -> memref<64xi32, #tpu.memory_space<hbm>>
      tpu.enqueue_dma source(%dma_start3A_99 : memref<64xi32, #tpu.memory_space<hbm>>) target(%arg11 : memref<64xi32, #tpu.memory_space<vmem>>) target_semaphore(%run_scoped3A_94 : memref<!tpu.dma_semaphore, #tpu.memory_space<semaphore_mem>>)
      %dma_wait3A = arith.constant 0 : i32
      %dma_wait3A_100 = tpu.memref_slice %arg4[%arg1, %run_scoped3A_53, %run_scoped3A_54, %dma_wait3A] : memref<16x10x1x64xi32, #tpu.memory_space<hbm>> -> memref<1x1x1x64xi32, #tpu.memory_space<hbm>>
      %dma_wait3A_101 = tpu.memref_squeeze %dma_wait3A_100 : memref<1x1x1x64xi32, #tpu.memory_space<hbm>> -> memref<64xi32, #tpu.memory_space<hbm>>
      %dma_wait3A_102 = arith.constant 0 : i32
      %dma_wait3A_103 = tpu.memref_slice %arg4[%arg1, %run_scoped3A_53, %run_scoped3A_54, %dma_wait3A_102] : memref<16x10x1x64xi32, #tpu.memory_space<hbm>> -> memref<1x1x1x64xi32, #tpu.memory_space<hbm>>
      %dma_wait3A_104 = tpu.memref_squeeze %dma_wait3A_103 : memref<1x1x1x64xi32, #tpu.memory_space<hbm>> -> memref<64xi32, #tpu.memory_space<hbm>>
      tpu.wait_dma2 semaphore(%run_scoped3A_94 : memref<!tpu.dma_semaphore, #tpu.memory_space<semaphore_mem>>) src(%dma_wait3A_104 : memref<64xi32, #tpu.memory_space<hbm>>) dst(%arg11 : memref<64xi32, #tpu.memory_space<vmem>>)
      tpu.yield
    }) : () -> ()
    "tpu.region"() ({
      %run_scoped3A_94 = tpu.sem_alloc : memref<!tpu.dma_semaphore, #tpu.memory_space<semaphore_mem>>
      %dma_start3A = arith.constant 0 : i32
      %dma_start3A_95 = arith.constant 0 : i32
      %dma_start3A_96 = tpu.memref_slice %arg15[%dma_start3A, %dma_start3A_95] : memref<10240x128xf32, #tpu.memory_space<vmem_shared>> -> memref<10240x128xf32, #tpu.memory_space<vmem_shared>>
      tpu.enqueue_indirect_dma source(%dma_start3A_96 : memref<10240x128xf32, #tpu.memory_space<vmem_shared>>) target(%arg13 : memref<64x128xf32, #tpu.memory_space<vmem>>) offsets(%arg11 : memref<64xi32, #tpu.memory_space<vmem>>) semaphore(%run_scoped3A_94 : memref<!tpu.dma_semaphore, #tpu.memory_space<semaphore_mem>>)
      %dma_wait3A = arith.constant 0 : i32
      %dma_wait3A_97 = arith.constant 0 : i32
      %dma_wait3A_98 = tpu.memref_slice %arg15[%dma_wait3A, %dma_wait3A_97] : memref<10240x128xf32, #tpu.memory_space<vmem_shared>> -> memref<10240x128xf32, #tpu.memory_space<vmem_shared>>
      tpu.wait_indirect_dma semaphore(%run_scoped3A_94 : memref<!tpu.dma_semaphore, #tpu.memory_space<semaphore_mem>>) src(%dma_wait3A_98 : memref<10240x128xf32, #tpu.memory_space<vmem_shared>>) dst(%arg13 : memref<64x128xf32, #tpu.memory_space<vmem>>)
      tpu.yield
    }) : () -> ()
    %mul3A_55 = arith.constant 640 : i32
    %mul3A_56 = arith.muli %arg1, %mul3A_55 : i32
    %add3A_57 = arith.constant 256 : i32
    %add3A_58 = arith.addi %mul3A_56, %add3A_57 : i32
    "tpu.region"() ({
      %run_scoped3A_94 = tpu.sem_alloc : memref<!tpu.dma_semaphore, #tpu.memory_space<semaphore_mem>>
      %dma_start3A = arith.constant 0 : i32
      %dma_start3A_95 = tpu.memref_slice %arg9[%arg0, %add3A_58, %dma_start3A] : memref<2x10240x128xf32, #tpu.memory_space<hbm>> -> memref<1x64x128xf32, #tpu.memory_space<hbm>>
      %dma_start3A_96 = tpu.memref_squeeze %dma_start3A_95 : memref<1x64x128xf32, #tpu.memory_space<hbm>> -> memref<64x128xf32, #tpu.memory_space<hbm>>
      %dma_start3A_97 = arith.constant 0 : i32
      %dma_start3A_98 = tpu.memref_slice %arg9[%arg0, %add3A_58, %dma_start3A_97] : memref<2x10240x128xf32, #tpu.memory_space<hbm>> -> memref<1x64x128xf32, #tpu.memory_space<hbm>>
      %dma_start3A_99 = tpu.memref_squeeze %dma_start3A_98 : memref<1x64x128xf32, #tpu.memory_space<hbm>> -> memref<64x128xf32, #tpu.memory_space<hbm>>
      tpu.enqueue_dma source(%arg13 : memref<64x128xf32, #tpu.memory_space<vmem>>) target(%dma_start3A_99 : memref<64x128xf32, #tpu.memory_space<hbm>>) target_semaphore(%run_scoped3A_94 : memref<!tpu.dma_semaphore, #tpu.memory_space<semaphore_mem>>)
      %dma_wait3A = arith.constant 0 : i32
      %dma_wait3A_100 = tpu.memref_slice %arg9[%arg0, %add3A_58, %dma_wait3A] : memref<2x10240x128xf32, #tpu.memory_space<hbm>> -> memref<1x64x128xf32, #tpu.memory_space<hbm>>
      %dma_wait3A_101 = tpu.memref_squeeze %dma_wait3A_100 : memref<1x64x128xf32, #tpu.memory_space<hbm>> -> memref<64x128xf32, #tpu.memory_space<hbm>>
      %dma_wait3A_102 = arith.constant 0 : i32
      %dma_wait3A_103 = tpu.memref_slice %arg9[%arg0, %add3A_58, %dma_wait3A_102] : memref<2x10240x128xf32, #tpu.memory_space<hbm>> -> memref<1x64x128xf32, #tpu.memory_space<hbm>>
      %dma_wait3A_104 = tpu.memref_squeeze %dma_wait3A_103 : memref<1x64x128xf32, #tpu.memory_space<hbm>> -> memref<64x128xf32, #tpu.memory_space<hbm>>
      tpu.wait_dma2 semaphore(%run_scoped3A_94 : memref<!tpu.dma_semaphore, #tpu.memory_space<semaphore_mem>>) src(%arg13 : memref<64x128xf32, #tpu.memory_space<vmem>>) dst(%dma_wait3A_104 : memref<64x128xf32, #tpu.memory_space<hbm>>)
      tpu.yield
    }) : () -> ()
    %run_scoped3A_59 = arith.constant 5 : i32
    %run_scoped3A_60 = arith.constant 0 : i32
    "tpu.region"() ({
      %run_scoped3A_94 = tpu.sem_alloc : memref<!tpu.dma_semaphore, #tpu.memory_space<semaphore_mem>>
      %dma_start3A = arith.constant 0 : i32
      %dma_start3A_95 = tpu.memref_slice %arg4[%arg1, %run_scoped3A_59, %run_scoped3A_60, %dma_start3A] : memref<16x10x1x64xi32, #tpu.memory_space<hbm>> -> memref<1x1x1x64xi32, #tpu.memory_space<hbm>>
      %dma_start3A_96 = tpu.memref_squeeze %dma_start3A_95 : memref<1x1x1x64xi32, #tpu.memory_space<hbm>> -> memref<64xi32, #tpu.memory_space<hbm>>
      %dma_start3A_97 = arith.constant 0 : i32
      %dma_start3A_98 = tpu.memref_slice %arg4[%arg1, %run_scoped3A_59, %run_scoped3A_60, %dma_start3A_97] : memref<16x10x1x64xi32, #tpu.memory_space<hbm>> -> memref<1x1x1x64xi32, #tpu.memory_space<hbm>>
      %dma_start3A_99 = tpu.memref_squeeze %dma_start3A_98 : memref<1x1x1x64xi32, #tpu.memory_space<hbm>> -> memref<64xi32, #tpu.memory_space<hbm>>
      tpu.enqueue_dma source(%dma_start3A_99 : memref<64xi32, #tpu.memory_space<hbm>>) target(%arg11 : memref<64xi32, #tpu.memory_space<vmem>>) target_semaphore(%run_scoped3A_94 : memref<!tpu.dma_semaphore, #tpu.memory_space<semaphore_mem>>)
      %dma_wait3A = arith.constant 0 : i32
      %dma_wait3A_100 = tpu.memref_slice %arg4[%arg1, %run_scoped3A_59, %run_scoped3A_60, %dma_wait3A] : memref<16x10x1x64xi32, #tpu.memory_space<hbm>> -> memref<1x1x1x64xi32, #tpu.memory_space<hbm>>
      %dma_wait3A_101 = tpu.memref_squeeze %dma_wait3A_100 : memref<1x1x1x64xi32, #tpu.memory_space<hbm>> -> memref<64xi32, #tpu.memory_space<hbm>>
      %dma_wait3A_102 = arith.constant 0 : i32
      %dma_wait3A_103 = tpu.memref_slice %arg4[%arg1, %run_scoped3A_59, %run_scoped3A_60, %dma_wait3A_102] : memref<16x10x1x64xi32, #tpu.memory_space<hbm>> -> memref<1x1x1x64xi32, #tpu.memory_space<hbm>>
      %dma_wait3A_104 = tpu.memref_squeeze %dma_wait3A_103 : memref<1x1x1x64xi32, #tpu.memory_space<hbm>> -> memref<64xi32, #tpu.memory_space<hbm>>
      tpu.wait_dma2 semaphore(%run_scoped3A_94 : memref<!tpu.dma_semaphore, #tpu.memory_space<semaphore_mem>>) src(%dma_wait3A_104 : memref<64xi32, #tpu.memory_space<hbm>>) dst(%arg11 : memref<64xi32, #tpu.memory_space<vmem>>)
      tpu.yield
    }) : () -> ()
    "tpu.region"() ({
      %run_scoped3A_94 = tpu.sem_alloc : memref<!tpu.dma_semaphore, #tpu.memory_space<semaphore_mem>>
      %dma_start3A = arith.constant 0 : i32
      %dma_start3A_95 = arith.constant 0 : i32
      %dma_start3A_96 = tpu.memref_slice %arg15[%dma_start3A, %dma_start3A_95] : memref<10240x128xf32, #tpu.memory_space<vmem_shared>> -> memref<10240x128xf32, #tpu.memory_space<vmem_shared>>
      tpu.enqueue_indirect_dma source(%dma_start3A_96 : memref<10240x128xf32, #tpu.memory_space<vmem_shared>>) target(%arg13 : memref<64x128xf32, #tpu.memory_space<vmem>>) offsets(%arg11 : memref<64xi32, #tpu.memory_space<vmem>>) semaphore(%run_scoped3A_94 : memref<!tpu.dma_semaphore, #tpu.memory_space<semaphore_mem>>)
      %dma_wait3A = arith.constant 0 : i32
      %dma_wait3A_97 = arith.constant 0 : i32
      %dma_wait3A_98 = tpu.memref_slice %arg15[%dma_wait3A, %dma_wait3A_97] : memref<10240x128xf32, #tpu.memory_space<vmem_shared>> -> memref<10240x128xf32, #tpu.memory_space<vmem_shared>>
      tpu.wait_indirect_dma semaphore(%run_scoped3A_94 : memref<!tpu.dma_semaphore, #tpu.memory_space<semaphore_mem>>) src(%dma_wait3A_98 : memref<10240x128xf32, #tpu.memory_space<vmem_shared>>) dst(%arg13 : memref<64x128xf32, #tpu.memory_space<vmem>>)
      tpu.yield
    }) : () -> ()
    %mul3A_61 = arith.constant 640 : i32
    %mul3A_62 = arith.muli %arg1, %mul3A_61 : i32
    %add3A_63 = arith.constant 320 : i32
    %add3A_64 = arith.addi %mul3A_62, %add3A_63 : i32
    "tpu.region"() ({
      %run_scoped3A_94 = tpu.sem_alloc : memref<!tpu.dma_semaphore, #tpu.memory_space<semaphore_mem>>
      %dma_start3A = arith.constant 0 : i32
      %dma_start3A_95 = tpu.memref_slice %arg9[%arg0, %add3A_64, %dma_start3A] : memref<2x10240x128xf32, #tpu.memory_space<hbm>> -> memref<1x64x128xf32, #tpu.memory_space<hbm>>
      %dma_start3A_96 = tpu.memref_squeeze %dma_start3A_95 : memref<1x64x128xf32, #tpu.memory_space<hbm>> -> memref<64x128xf32, #tpu.memory_space<hbm>>
      %dma_start3A_97 = arith.constant 0 : i32
      %dma_start3A_98 = tpu.memref_slice %arg9[%arg0, %add3A_64, %dma_start3A_97] : memref<2x10240x128xf32, #tpu.memory_space<hbm>> -> memref<1x64x128xf32, #tpu.memory_space<hbm>>
      %dma_start3A_99 = tpu.memref_squeeze %dma_start3A_98 : memref<1x64x128xf32, #tpu.memory_space<hbm>> -> memref<64x128xf32, #tpu.memory_space<hbm>>
      tpu.enqueue_dma source(%arg13 : memref<64x128xf32, #tpu.memory_space<vmem>>) target(%dma_start3A_99 : memref<64x128xf32, #tpu.memory_space<hbm>>) target_semaphore(%run_scoped3A_94 : memref<!tpu.dma_semaphore, #tpu.memory_space<semaphore_mem>>)
      %dma_wait3A = arith.constant 0 : i32
      %dma_wait3A_100 = tpu.memref_slice %arg9[%arg0, %add3A_64, %dma_wait3A] : memref<2x10240x128xf32, #tpu.memory_space<hbm>> -> memref<1x64x128xf32, #tpu.memory_space<hbm>>
      %dma_wait3A_101 = tpu.memref_squeeze %dma_wait3A_100 : memref<1x64x128xf32, #tpu.memory_space<hbm>> -> memref<64x128xf32, #tpu.memory_space<hbm>>
      %dma_wait3A_102 = arith.constant 0 : i32
      %dma_wait3A_103 = tpu.memref_slice %arg9[%arg0, %add3A_64, %dma_wait3A_102] : memref<2x10240x128xf32, #tpu.memory_space<hbm>> -> memref<1x64x128xf32, #tpu.memory_space<hbm>>
      %dma_wait3A_104 = tpu.memref_squeeze %dma_wait3A_103 : memref<1x64x128xf32, #tpu.memory_space<hbm>> -> memref<64x128xf32, #tpu.memory_space<hbm>>
      tpu.wait_dma2 semaphore(%run_scoped3A_94 : memref<!tpu.dma_semaphore, #tpu.memory_space<semaphore_mem>>) src(%arg13 : memref<64x128xf32, #tpu.memory_space<vmem>>) dst(%dma_wait3A_104 : memref<64x128xf32, #tpu.memory_space<hbm>>)
      tpu.yield
    }) : () -> ()
    %run_scoped3A_65 = arith.constant 6 : i32
    %run_scoped3A_66 = arith.constant 0 : i32
    "tpu.region"() ({
      %run_scoped3A_94 = tpu.sem_alloc : memref<!tpu.dma_semaphore, #tpu.memory_space<semaphore_mem>>
      %dma_start3A = arith.constant 0 : i32
      %dma_start3A_95 = tpu.memref_slice %arg4[%arg1, %run_scoped3A_65, %run_scoped3A_66, %dma_start3A] : memref<16x10x1x64xi32, #tpu.memory_space<hbm>> -> memref<1x1x1x64xi32, #tpu.memory_space<hbm>>
      %dma_start3A_96 = tpu.memref_squeeze %dma_start3A_95 : memref<1x1x1x64xi32, #tpu.memory_space<hbm>> -> memref<64xi32, #tpu.memory_space<hbm>>
      %dma_start3A_97 = arith.constant 0 : i32
      %dma_start3A_98 = tpu.memref_slice %arg4[%arg1, %run_scoped3A_65, %run_scoped3A_66, %dma_start3A_97] : memref<16x10x1x64xi32, #tpu.memory_space<hbm>> -> memref<1x1x1x64xi32, #tpu.memory_space<hbm>>
      %dma_start3A_99 = tpu.memref_squeeze %dma_start3A_98 : memref<1x1x1x64xi32, #tpu.memory_space<hbm>> -> memref<64xi32, #tpu.memory_space<hbm>>
      tpu.enqueue_dma source(%dma_start3A_99 : memref<64xi32, #tpu.memory_space<hbm>>) target(%arg11 : memref<64xi32, #tpu.memory_space<vmem>>) target_semaphore(%run_scoped3A_94 : memref<!tpu.dma_semaphore, #tpu.memory_space<semaphore_mem>>)
      %dma_wait3A = arith.constant 0 : i32
      %dma_wait3A_100 = tpu.memref_slice %arg4[%arg1, %run_scoped3A_65, %run_scoped3A_66, %dma_wait3A] : memref<16x10x1x64xi32, #tpu.memory_space<hbm>> -> memref<1x1x1x64xi32, #tpu.memory_space<hbm>>
      %dma_wait3A_101 = tpu.memref_squeeze %dma_wait3A_100 : memref<1x1x1x64xi32, #tpu.memory_space<hbm>> -> memref<64xi32, #tpu.memory_space<hbm>>
      %dma_wait3A_102 = arith.constant 0 : i32
      %dma_wait3A_103 = tpu.memref_slice %arg4[%arg1, %run_scoped3A_65, %run_scoped3A_66, %dma_wait3A_102] : memref<16x10x1x64xi32, #tpu.memory_space<hbm>> -> memref<1x1x1x64xi32, #tpu.memory_space<hbm>>
      %dma_wait3A_104 = tpu.memref_squeeze %dma_wait3A_103 : memref<1x1x1x64xi32, #tpu.memory_space<hbm>> -> memref<64xi32, #tpu.memory_space<hbm>>
      tpu.wait_dma2 semaphore(%run_scoped3A_94 : memref<!tpu.dma_semaphore, #tpu.memory_space<semaphore_mem>>) src(%dma_wait3A_104 : memref<64xi32, #tpu.memory_space<hbm>>) dst(%arg11 : memref<64xi32, #tpu.memory_space<vmem>>)
      tpu.yield
    }) : () -> ()
    "tpu.region"() ({
      %run_scoped3A_94 = tpu.sem_alloc : memref<!tpu.dma_semaphore, #tpu.memory_space<semaphore_mem>>
      %dma_start3A = arith.constant 0 : i32
      %dma_start3A_95 = arith.constant 0 : i32
      %dma_start3A_96 = tpu.memref_slice %arg15[%dma_start3A, %dma_start3A_95] : memref<10240x128xf32, #tpu.memory_space<vmem_shared>> -> memref<10240x128xf32, #tpu.memory_space<vmem_shared>>
      tpu.enqueue_indirect_dma source(%dma_start3A_96 : memref<10240x128xf32, #tpu.memory_space<vmem_shared>>) target(%arg13 : memref<64x128xf32, #tpu.memory_space<vmem>>) offsets(%arg11 : memref<64xi32, #tpu.memory_space<vmem>>) semaphore(%run_scoped3A_94 : memref<!tpu.dma_semaphore, #tpu.memory_space<semaphore_mem>>)
      %dma_wait3A = arith.constant 0 : i32
      %dma_wait3A_97 = arith.constant 0 : i32
      %dma_wait3A_98 = tpu.memref_slice %arg15[%dma_wait3A, %dma_wait3A_97] : memref<10240x128xf32, #tpu.memory_space<vmem_shared>> -> memref<10240x128xf32, #tpu.memory_space<vmem_shared>>
      tpu.wait_indirect_dma semaphore(%run_scoped3A_94 : memref<!tpu.dma_semaphore, #tpu.memory_space<semaphore_mem>>) src(%dma_wait3A_98 : memref<10240x128xf32, #tpu.memory_space<vmem_shared>>) dst(%arg13 : memref<64x128xf32, #tpu.memory_space<vmem>>)
      tpu.yield
    }) : () -> ()
    %mul3A_67 = arith.constant 640 : i32
    %mul3A_68 = arith.muli %arg1, %mul3A_67 : i32
    %add3A_69 = arith.constant 384 : i32
    %add3A_70 = arith.addi %mul3A_68, %add3A_69 : i32
    "tpu.region"() ({
      %run_scoped3A_94 = tpu.sem_alloc : memref<!tpu.dma_semaphore, #tpu.memory_space<semaphore_mem>>
      %dma_start3A = arith.constant 0 : i32
      %dma_start3A_95 = tpu.memref_slice %arg9[%arg0, %add3A_70, %dma_start3A] : memref<2x10240x128xf32, #tpu.memory_space<hbm>> -> memref<1x64x128xf32, #tpu.memory_space<hbm>>
      %dma_start3A_96 = tpu.memref_squeeze %dma_start3A_95 : memref<1x64x128xf32, #tpu.memory_space<hbm>> -> memref<64x128xf32, #tpu.memory_space<hbm>>
      %dma_start3A_97 = arith.constant 0 : i32
      %dma_start3A_98 = tpu.memref_slice %arg9[%arg0, %add3A_70, %dma_start3A_97] : memref<2x10240x128xf32, #tpu.memory_space<hbm>> -> memref<1x64x128xf32, #tpu.memory_space<hbm>>
      %dma_start3A_99 = tpu.memref_squeeze %dma_start3A_98 : memref<1x64x128xf32, #tpu.memory_space<hbm>> -> memref<64x128xf32, #tpu.memory_space<hbm>>
      tpu.enqueue_dma source(%arg13 : memref<64x128xf32, #tpu.memory_space<vmem>>) target(%dma_start3A_99 : memref<64x128xf32, #tpu.memory_space<hbm>>) target_semaphore(%run_scoped3A_94 : memref<!tpu.dma_semaphore, #tpu.memory_space<semaphore_mem>>)
      %dma_wait3A = arith.constant 0 : i32
      %dma_wait3A_100 = tpu.memref_slice %arg9[%arg0, %add3A_70, %dma_wait3A] : memref<2x10240x128xf32, #tpu.memory_space<hbm>> -> memref<1x64x128xf32, #tpu.memory_space<hbm>>
      %dma_wait3A_101 = tpu.memref_squeeze %dma_wait3A_100 : memref<1x64x128xf32, #tpu.memory_space<hbm>> -> memref<64x128xf32, #tpu.memory_space<hbm>>
      %dma_wait3A_102 = arith.constant 0 : i32
      %dma_wait3A_103 = tpu.memref_slice %arg9[%arg0, %add3A_70, %dma_wait3A_102] : memref<2x10240x128xf32, #tpu.memory_space<hbm>> -> memref<1x64x128xf32, #tpu.memory_space<hbm>>
      %dma_wait3A_104 = tpu.memref_squeeze %dma_wait3A_103 : memref<1x64x128xf32, #tpu.memory_space<hbm>> -> memref<64x128xf32, #tpu.memory_space<hbm>>
      tpu.wait_dma2 semaphore(%run_scoped3A_94 : memref<!tpu.dma_semaphore, #tpu.memory_space<semaphore_mem>>) src(%arg13 : memref<64x128xf32, #tpu.memory_space<vmem>>) dst(%dma_wait3A_104 : memref<64x128xf32, #tpu.memory_space<hbm>>)
      tpu.yield
    }) : () -> ()
    %run_scoped3A_71 = arith.constant 7 : i32
    %run_scoped3A_72 = arith.constant 0 : i32
    "tpu.region"() ({
      %run_scoped3A_94 = tpu.sem_alloc : memref<!tpu.dma_semaphore, #tpu.memory_space<semaphore_mem>>
      %dma_start3A = arith.constant 0 : i32
      %dma_start3A_95 = tpu.memref_slice %arg4[%arg1, %run_scoped3A_71, %run_scoped3A_72, %dma_start3A] : memref<16x10x1x64xi32, #tpu.memory_space<hbm>> -> memref<1x1x1x64xi32, #tpu.memory_space<hbm>>
      %dma_start3A_96 = tpu.memref_squeeze %dma_start3A_95 : memref<1x1x1x64xi32, #tpu.memory_space<hbm>> -> memref<64xi32, #tpu.memory_space<hbm>>
      %dma_start3A_97 = arith.constant 0 : i32
      %dma_start3A_98 = tpu.memref_slice %arg4[%arg1, %run_scoped3A_71, %run_scoped3A_72, %dma_start3A_97] : memref<16x10x1x64xi32, #tpu.memory_space<hbm>> -> memref<1x1x1x64xi32, #tpu.memory_space<hbm>>
      %dma_start3A_99 = tpu.memref_squeeze %dma_start3A_98 : memref<1x1x1x64xi32, #tpu.memory_space<hbm>> -> memref<64xi32, #tpu.memory_space<hbm>>
      tpu.enqueue_dma source(%dma_start3A_99 : memref<64xi32, #tpu.memory_space<hbm>>) target(%arg11 : memref<64xi32, #tpu.memory_space<vmem>>) target_semaphore(%run_scoped3A_94 : memref<!tpu.dma_semaphore, #tpu.memory_space<semaphore_mem>>)
      %dma_wait3A = arith.constant 0 : i32
      %dma_wait3A_100 = tpu.memref_slice %arg4[%arg1, %run_scoped3A_71, %run_scoped3A_72, %dma_wait3A] : memref<16x10x1x64xi32, #tpu.memory_space<hbm>> -> memref<1x1x1x64xi32, #tpu.memory_space<hbm>>
      %dma_wait3A_101 = tpu.memref_squeeze %dma_wait3A_100 : memref<1x1x1x64xi32, #tpu.memory_space<hbm>> -> memref<64xi32, #tpu.memory_space<hbm>>
      %dma_wait3A_102 = arith.constant 0 : i32
      %dma_wait3A_103 = tpu.memref_slice %arg4[%arg1, %run_scoped3A_71, %run_scoped3A_72, %dma_wait3A_102] : memref<16x10x1x64xi32, #tpu.memory_space<hbm>> -> memref<1x1x1x64xi32, #tpu.memory_space<hbm>>
      %dma_wait3A_104 = tpu.memref_squeeze %dma_wait3A_103 : memref<1x1x1x64xi32, #tpu.memory_space<hbm>> -> memref<64xi32, #tpu.memory_space<hbm>>
      tpu.wait_dma2 semaphore(%run_scoped3A_94 : memref<!tpu.dma_semaphore, #tpu.memory_space<semaphore_mem>>) src(%dma_wait3A_104 : memref<64xi32, #tpu.memory_space<hbm>>) dst(%arg11 : memref<64xi32, #tpu.memory_space<vmem>>)
      tpu.yield
    }) : () -> ()
    "tpu.region"() ({
      %run_scoped3A_94 = tpu.sem_alloc : memref<!tpu.dma_semaphore, #tpu.memory_space<semaphore_mem>>
      %dma_start3A = arith.constant 0 : i32
      %dma_start3A_95 = arith.constant 0 : i32
      %dma_start3A_96 = tpu.memref_slice %arg15[%dma_start3A, %dma_start3A_95] : memref<10240x128xf32, #tpu.memory_space<vmem_shared>> -> memref<10240x128xf32, #tpu.memory_space<vmem_shared>>
      tpu.enqueue_indirect_dma source(%dma_start3A_96 : memref<10240x128xf32, #tpu.memory_space<vmem_shared>>) target(%arg13 : memref<64x128xf32, #tpu.memory_space<vmem>>) offsets(%arg11 : memref<64xi32, #tpu.memory_space<vmem>>) semaphore(%run_scoped3A_94 : memref<!tpu.dma_semaphore, #tpu.memory_space<semaphore_mem>>)
      %dma_wait3A = arith.constant 0 : i32
      %dma_wait3A_97 = arith.constant 0 : i32
      %dma_wait3A_98 = tpu.memref_slice %arg15[%dma_wait3A, %dma_wait3A_97] : memref<10240x128xf32, #tpu.memory_space<vmem_shared>> -> memref<10240x128xf32, #tpu.memory_space<vmem_shared>>
      tpu.wait_indirect_dma semaphore(%run_scoped3A_94 : memref<!tpu.dma_semaphore, #tpu.memory_space<semaphore_mem>>) src(%dma_wait3A_98 : memref<10240x128xf32, #tpu.memory_space<vmem_shared>>) dst(%arg13 : memref<64x128xf32, #tpu.memory_space<vmem>>)
      tpu.yield
    }) : () -> ()
    %mul3A_73 = arith.constant 640 : i32
    %mul3A_74 = arith.muli %arg1, %mul3A_73 : i32
    %add3A_75 = arith.constant 448 : i32
    %add3A_76 = arith.addi %mul3A_74, %add3A_75 : i32
    "tpu.region"() ({
      %run_scoped3A_94 = tpu.sem_alloc : memref<!tpu.dma_semaphore, #tpu.memory_space<semaphore_mem>>
      %dma_start3A = arith.constant 0 : i32
      %dma_start3A_95 = tpu.memref_slice %arg9[%arg0, %add3A_76, %dma_start3A] : memref<2x10240x128xf32, #tpu.memory_space<hbm>> -> memref<1x64x128xf32, #tpu.memory_space<hbm>>
      %dma_start3A_96 = tpu.memref_squeeze %dma_start3A_95 : memref<1x64x128xf32, #tpu.memory_space<hbm>> -> memref<64x128xf32, #tpu.memory_space<hbm>>
      %dma_start3A_97 = arith.constant 0 : i32
      %dma_start3A_98 = tpu.memref_slice %arg9[%arg0, %add3A_76, %dma_start3A_97] : memref<2x10240x128xf32, #tpu.memory_space<hbm>> -> memref<1x64x128xf32, #tpu.memory_space<hbm>>
      %dma_start3A_99 = tpu.memref_squeeze %dma_start3A_98 : memref<1x64x128xf32, #tpu.memory_space<hbm>> -> memref<64x128xf32, #tpu.memory_space<hbm>>
      tpu.enqueue_dma source(%arg13 : memref<64x128xf32, #tpu.memory_space<vmem>>) target(%dma_start3A_99 : memref<64x128xf32, #tpu.memory_space<hbm>>) target_semaphore(%run_scoped3A_94 : memref<!tpu.dma_semaphore, #tpu.memory_space<semaphore_mem>>)
      %dma_wait3A = arith.constant 0 : i32
      %dma_wait3A_100 = tpu.memref_slice %arg9[%arg0, %add3A_76, %dma_wait3A] : memref<2x10240x128xf32, #tpu.memory_space<hbm>> -> memref<1x64x128xf32, #tpu.memory_space<hbm>>
      %dma_wait3A_101 = tpu.memref_squeeze %dma_wait3A_100 : memref<1x64x128xf32, #tpu.memory_space<hbm>> -> memref<64x128xf32, #tpu.memory_space<hbm>>
      %dma_wait3A_102 = arith.constant 0 : i32
      %dma_wait3A_103 = tpu.memref_slice %arg9[%arg0, %add3A_76, %dma_wait3A_102] : memref<2x10240x128xf32, #tpu.memory_space<hbm>> -> memref<1x64x128xf32, #tpu.memory_space<hbm>>
      %dma_wait3A_104 = tpu.memref_squeeze %dma_wait3A_103 : memref<1x64x128xf32, #tpu.memory_space<hbm>> -> memref<64x128xf32, #tpu.memory_space<hbm>>
      tpu.wait_dma2 semaphore(%run_scoped3A_94 : memref<!tpu.dma_semaphore, #tpu.memory_space<semaphore_mem>>) src(%arg13 : memref<64x128xf32, #tpu.memory_space<vmem>>) dst(%dma_wait3A_104 : memref<64x128xf32, #tpu.memory_space<hbm>>)
      tpu.yield
    }) : () -> ()
    %run_scoped3A_77 = arith.constant 8 : i32
    %run_scoped3A_78 = arith.constant 0 : i32
    "tpu.region"() ({
      %run_scoped3A_94 = tpu.sem_alloc : memref<!tpu.dma_semaphore, #tpu.memory_space<semaphore_mem>>
      %dma_start3A = arith.constant 0 : i32
      %dma_start3A_95 = tpu.memref_slice %arg4[%arg1, %run_scoped3A_77, %run_scoped3A_78, %dma_start3A] : memref<16x10x1x64xi32, #tpu.memory_space<hbm>> -> memref<1x1x1x64xi32, #tpu.memory_space<hbm>>
      %dma_start3A_96 = tpu.memref_squeeze %dma_start3A_95 : memref<1x1x1x64xi32, #tpu.memory_space<hbm>> -> memref<64xi32, #tpu.memory_space<hbm>>
      %dma_start3A_97 = arith.constant 0 : i32
      %dma_start3A_98 = tpu.memref_slice %arg4[%arg1, %run_scoped3A_77, %run_scoped3A_78, %dma_start3A_97] : memref<16x10x1x64xi32, #tpu.memory_space<hbm>> -> memref<1x1x1x64xi32, #tpu.memory_space<hbm>>
      %dma_start3A_99 = tpu.memref_squeeze %dma_start3A_98 : memref<1x1x1x64xi32, #tpu.memory_space<hbm>> -> memref<64xi32, #tpu.memory_space<hbm>>
      tpu.enqueue_dma source(%dma_start3A_99 : memref<64xi32, #tpu.memory_space<hbm>>) target(%arg11 : memref<64xi32, #tpu.memory_space<vmem>>) target_semaphore(%run_scoped3A_94 : memref<!tpu.dma_semaphore, #tpu.memory_space<semaphore_mem>>)
      %dma_wait3A = arith.constant 0 : i32
      %dma_wait3A_100 = tpu.memref_slice %arg4[%arg1, %run_scoped3A_77, %run_scoped3A_78, %dma_wait3A] : memref<16x10x1x64xi32, #tpu.memory_space<hbm>> -> memref<1x1x1x64xi32, #tpu.memory_space<hbm>>
      %dma_wait3A_101 = tpu.memref_squeeze %dma_wait3A_100 : memref<1x1x1x64xi32, #tpu.memory_space<hbm>> -> memref<64xi32, #tpu.memory_space<hbm>>
      %dma_wait3A_102 = arith.constant 0 : i32
      %dma_wait3A_103 = tpu.memref_slice %arg4[%arg1, %run_scoped3A_77, %run_scoped3A_78, %dma_wait3A_102] : memref<16x10x1x64xi32, #tpu.memory_space<hbm>> -> memref<1x1x1x64xi32, #tpu.memory_space<hbm>>
      %dma_wait3A_104 = tpu.memref_squeeze %dma_wait3A_103 : memref<1x1x1x64xi32, #tpu.memory_space<hbm>> -> memref<64xi32, #tpu.memory_space<hbm>>
      tpu.wait_dma2 semaphore(%run_scoped3A_94 : memref<!tpu.dma_semaphore, #tpu.memory_space<semaphore_mem>>) src(%dma_wait3A_104 : memref<64xi32, #tpu.memory_space<hbm>>) dst(%arg11 : memref<64xi32, #tpu.memory_space<vmem>>)
      tpu.yield
    }) : () -> ()
    "tpu.region"() ({
      %run_scoped3A_94 = tpu.sem_alloc : memref<!tpu.dma_semaphore, #tpu.memory_space<semaphore_mem>>
      %dma_start3A = arith.constant 0 : i32
      %dma_start3A_95 = arith.constant 0 : i32
      %dma_start3A_96 = tpu.memref_slice %arg15[%dma_start3A, %dma_start3A_95] : memref<10240x128xf32, #tpu.memory_space<vmem_shared>> -> memref<10240x128xf32, #tpu.memory_space<vmem_shared>>
      tpu.enqueue_indirect_dma source(%dma_start3A_96 : memref<10240x128xf32, #tpu.memory_space<vmem_shared>>) target(%arg13 : memref<64x128xf32, #tpu.memory_space<vmem>>) offsets(%arg11 : memref<64xi32, #tpu.memory_space<vmem>>) semaphore(%run_scoped3A_94 : memref<!tpu.dma_semaphore, #tpu.memory_space<semaphore_mem>>)
      %dma_wait3A = arith.constant 0 : i32
      %dma_wait3A_97 = arith.constant 0 : i32
      %dma_wait3A_98 = tpu.memref_slice %arg15[%dma_wait3A, %dma_wait3A_97] : memref<10240x128xf32, #tpu.memory_space<vmem_shared>> -> memref<10240x128xf32, #tpu.memory_space<vmem_shared>>
      tpu.wait_indirect_dma semaphore(%run_scoped3A_94 : memref<!tpu.dma_semaphore, #tpu.memory_space<semaphore_mem>>) src(%dma_wait3A_98 : memref<10240x128xf32, #tpu.memory_space<vmem_shared>>) dst(%arg13 : memref<64x128xf32, #tpu.memory_space<vmem>>)
      tpu.yield
    }) : () -> ()
    %mul3A_79 = arith.constant 640 : i32
    %mul3A_80 = arith.muli %arg1, %mul3A_79 : i32
    %add3A_81 = arith.constant 512 : i32
    %add3A_82 = arith.addi %mul3A_80, %add3A_81 : i32
    "tpu.region"() ({
      %run_scoped3A_94 = tpu.sem_alloc : memref<!tpu.dma_semaphore, #tpu.memory_space<semaphore_mem>>
      %dma_start3A = arith.constant 0 : i32
      %dma_start3A_95 = tpu.memref_slice %arg9[%arg0, %add3A_82, %dma_start3A] : memref<2x10240x128xf32, #tpu.memory_space<hbm>> -> memref<1x64x128xf32, #tpu.memory_space<hbm>>
      %dma_start3A_96 = tpu.memref_squeeze %dma_start3A_95 : memref<1x64x128xf32, #tpu.memory_space<hbm>> -> memref<64x128xf32, #tpu.memory_space<hbm>>
      %dma_start3A_97 = arith.constant 0 : i32
      %dma_start3A_98 = tpu.memref_slice %arg9[%arg0, %add3A_82, %dma_start3A_97] : memref<2x10240x128xf32, #tpu.memory_space<hbm>> -> memref<1x64x128xf32, #tpu.memory_space<hbm>>
      %dma_start3A_99 = tpu.memref_squeeze %dma_start3A_98 : memref<1x64x128xf32, #tpu.memory_space<hbm>> -> memref<64x128xf32, #tpu.memory_space<hbm>>
      tpu.enqueue_dma source(%arg13 : memref<64x128xf32, #tpu.memory_space<vmem>>) target(%dma_start3A_99 : memref<64x128xf32, #tpu.memory_space<hbm>>) target_semaphore(%run_scoped3A_94 : memref<!tpu.dma_semaphore, #tpu.memory_space<semaphore_mem>>)
      %dma_wait3A = arith.constant 0 : i32
      %dma_wait3A_100 = tpu.memref_slice %arg9[%arg0, %add3A_82, %dma_wait3A] : memref<2x10240x128xf32, #tpu.memory_space<hbm>> -> memref<1x64x128xf32, #tpu.memory_space<hbm>>
      %dma_wait3A_101 = tpu.memref_squeeze %dma_wait3A_100 : memref<1x64x128xf32, #tpu.memory_space<hbm>> -> memref<64x128xf32, #tpu.memory_space<hbm>>
      %dma_wait3A_102 = arith.constant 0 : i32
      %dma_wait3A_103 = tpu.memref_slice %arg9[%arg0, %add3A_82, %dma_wait3A_102] : memref<2x10240x128xf32, #tpu.memory_space<hbm>> -> memref<1x64x128xf32, #tpu.memory_space<hbm>>
      %dma_wait3A_104 = tpu.memref_squeeze %dma_wait3A_103 : memref<1x64x128xf32, #tpu.memory_space<hbm>> -> memref<64x128xf32, #tpu.memory_space<hbm>>
      tpu.wait_dma2 semaphore(%run_scoped3A_94 : memref<!tpu.dma_semaphore, #tpu.memory_space<semaphore_mem>>) src(%arg13 : memref<64x128xf32, #tpu.memory_space<vmem>>) dst(%dma_wait3A_104 : memref<64x128xf32, #tpu.memory_space<hbm>>)
      tpu.yield
    }) : () -> ()
    %run_scoped3A_83 = arith.constant 9 : i32
    %run_scoped3A_84 = arith.constant 0 : i32
    "tpu.region"() ({
      %run_scoped3A_94 = tpu.sem_alloc : memref<!tpu.dma_semaphore, #tpu.memory_space<semaphore_mem>>
      %dma_start3A = arith.constant 0 : i32
      %dma_start3A_95 = tpu.memref_slice %arg4[%arg1, %run_scoped3A_83, %run_scoped3A_84, %dma_start3A] : memref<16x10x1x64xi32, #tpu.memory_space<hbm>> -> memref<1x1x1x64xi32, #tpu.memory_space<hbm>>
      %dma_start3A_96 = tpu.memref_squeeze %dma_start3A_95 : memref<1x1x1x64xi32, #tpu.memory_space<hbm>> -> memref<64xi32, #tpu.memory_space<hbm>>
      %dma_start3A_97 = arith.constant 0 : i32
      %dma_start3A_98 = tpu.memref_slice %arg4[%arg1, %run_scoped3A_83, %run_scoped3A_84, %dma_start3A_97] : memref<16x10x1x64xi32, #tpu.memory_space<hbm>> -> memref<1x1x1x64xi32, #tpu.memory_space<hbm>>
      %dma_start3A_99 = tpu.memref_squeeze %dma_start3A_98 : memref<1x1x1x64xi32, #tpu.memory_space<hbm>> -> memref<64xi32, #tpu.memory_space<hbm>>
      tpu.enqueue_dma source(%dma_start3A_99 : memref<64xi32, #tpu.memory_space<hbm>>) target(%arg11 : memref<64xi32, #tpu.memory_space<vmem>>) target_semaphore(%run_scoped3A_94 : memref<!tpu.dma_semaphore, #tpu.memory_space<semaphore_mem>>)
      %dma_wait3A = arith.constant 0 : i32
      %dma_wait3A_100 = tpu.memref_slice %arg4[%arg1, %run_scoped3A_83, %run_scoped3A_84, %dma_wait3A] : memref<16x10x1x64xi32, #tpu.memory_space<hbm>> -> memref<1x1x1x64xi32, #tpu.memory_space<hbm>>
      %dma_wait3A_101 = tpu.memref_squeeze %dma_wait3A_100 : memref<1x1x1x64xi32, #tpu.memory_space<hbm>> -> memref<64xi32, #tpu.memory_space<hbm>>
      %dma_wait3A_102 = arith.constant 0 : i32
      %dma_wait3A_103 = tpu.memref_slice %arg4[%arg1, %run_scoped3A_83, %run_scoped3A_84, %dma_wait3A_102] : memref<16x10x1x64xi32, #tpu.memory_space<hbm>> -> memref<1x1x1x64xi32, #tpu.memory_space<hbm>>
      %dma_wait3A_104 = tpu.memref_squeeze %dma_wait3A_103 : memref<1x1x1x64xi32, #tpu.memory_space<hbm>> -> memref<64xi32, #tpu.memory_space<hbm>>
      tpu.wait_dma2 semaphore(%run_scoped3A_94 : memref<!tpu.dma_semaphore, #tpu.memory_space<semaphore_mem>>) src(%dma_wait3A_104 : memref<64xi32, #tpu.memory_space<hbm>>) dst(%arg11 : memref<64xi32, #tpu.memory_space<vmem>>)
      tpu.yield
    }) : () -> ()
    "tpu.region"() ({
      %run_scoped3A_94 = tpu.sem_alloc : memref<!tpu.dma_semaphore, #tpu.memory_space<semaphore_mem>>
      %dma_start3A = arith.constant 0 : i32
      %dma_start3A_95 = arith.constant 0 : i32
      %dma_start3A_96 = tpu.memref_slice %arg15[%dma_start3A, %dma_start3A_95] : memref<10240x128xf32, #tpu.memory_space<vmem_shared>> -> memref<10240x128xf32, #tpu.memory_space<vmem_shared>>
      tpu.enqueue_indirect_dma source(%dma_start3A_96 : memref<10240x128xf32, #tpu.memory_space<vmem_shared>>) target(%arg13 : memref<64x128xf32, #tpu.memory_space<vmem>>) offsets(%arg11 : memref<64xi32, #tpu.memory_space<vmem>>) semaphore(%run_scoped3A_94 : memref<!tpu.dma_semaphore, #tpu.memory_space<semaphore_mem>>)
      %dma_wait3A = arith.constant 0 : i32
      %dma_wait3A_97 = arith.constant 0 : i32
      %dma_wait3A_98 = tpu.memref_slice %arg15[%dma_wait3A, %dma_wait3A_97] : memref<10240x128xf32, #tpu.memory_space<vmem_shared>> -> memref<10240x128xf32, #tpu.memory_space<vmem_shared>>
      tpu.wait_indirect_dma semaphore(%run_scoped3A_94 : memref<!tpu.dma_semaphore, #tpu.memory_space<semaphore_mem>>) src(%dma_wait3A_98 : memref<10240x128xf32, #tpu.memory_space<vmem_shared>>) dst(%arg13 : memref<64x128xf32, #tpu.memory_space<vmem>>)
      tpu.yield
    }) : () -> ()
    %mul3A_85 = arith.constant 640 : i32
    %mul3A_86 = arith.muli %arg1, %mul3A_85 : i32
    %add3A_87 = arith.constant 576 : i32
    %add3A_88 = arith.addi %mul3A_86, %add3A_87 : i32
    "tpu.region"() ({
      %run_scoped3A_94 = tpu.sem_alloc : memref<!tpu.dma_semaphore, #tpu.memory_space<semaphore_mem>>
      %dma_start3A = arith.constant 0 : i32
      %dma_start3A_95 = tpu.memref_slice %arg9[%arg0, %add3A_88, %dma_start3A] : memref<2x10240x128xf32, #tpu.memory_space<hbm>> -> memref<1x64x128xf32, #tpu.memory_space<hbm>>
      %dma_start3A_96 = tpu.memref_squeeze %dma_start3A_95 : memref<1x64x128xf32, #tpu.memory_space<hbm>> -> memref<64x128xf32, #tpu.memory_space<hbm>>
      %dma_start3A_97 = arith.constant 0 : i32
      %dma_start3A_98 = tpu.memref_slice %arg9[%arg0, %add3A_88, %dma_start3A_97] : memref<2x10240x128xf32, #tpu.memory_space<hbm>> -> memref<1x64x128xf32, #tpu.memory_space<hbm>>
      %dma_start3A_99 = tpu.memref_squeeze %dma_start3A_98 : memref<1x64x128xf32, #tpu.memory_space<hbm>> -> memref<64x128xf32, #tpu.memory_space<hbm>>
      tpu.enqueue_dma source(%arg13 : memref<64x128xf32, #tpu.memory_space<vmem>>) target(%dma_start3A_99 : memref<64x128xf32, #tpu.memory_space<hbm>>) target_semaphore(%run_scoped3A_94 : memref<!tpu.dma_semaphore, #tpu.memory_space<semaphore_mem>>)
      %dma_wait3A = arith.constant 0 : i32
      %dma_wait3A_100 = tpu.memref_slice %arg9[%arg0, %add3A_88, %dma_wait3A] : memref<2x10240x128xf32, #tpu.memory_space<hbm>> -> memref<1x64x128xf32, #tpu.memory_space<hbm>>
      %dma_wait3A_101 = tpu.memref_squeeze %dma_wait3A_100 : memref<1x64x128xf32, #tpu.memory_space<hbm>> -> memref<64x128xf32, #tpu.memory_space<hbm>>
      %dma_wait3A_102 = arith.constant 0 : i32
      %dma_wait3A_103 = tpu.memref_slice %arg9[%arg0, %add3A_88, %dma_wait3A_102] : memref<2x10240x128xf32, #tpu.memory_space<hbm>> -> memref<1x64x128xf32, #tpu.memory_space<hbm>>
      %dma_wait3A_104 = tpu.memref_squeeze %dma_wait3A_103 : memref<1x64x128xf32, #tpu.memory_space<hbm>> -> memref<64x128xf32, #tpu.memory_space<hbm>>
      tpu.wait_dma2 semaphore(%run_scoped3A_94 : memref<!tpu.dma_semaphore, #tpu.memory_space<semaphore_mem>>) src(%arg13 : memref<64x128xf32, #tpu.memory_space<vmem>>) dst(%dma_wait3A_104 : memref<64x128xf32, #tpu.memory_space<hbm>>)
      tpu.yield
    }) : () -> ()
    %eq3A_89 = arith.constant 0 : i32
    %eq3A_90 = arith.cmpi eq, %arg1, %eq3A_89 : i32
    %convert_element_type3A_91 = arith.extui %eq3A_90 : i1 to i32
    %cond3A_92 = arith.constant 0 : i32
    %cond3A_93 = arith.cmpi ne, %convert_element_type3A_91, %cond3A_92 : i32
    scf.if %cond3A_93 {
      %run_scoped3A_94 = arith.constant 0 : i32
      %run_scoped3A_95 = arith.constant 0 : i32
      "tpu.region"() ({
        %run_scoped3A_104 = tpu.sem_alloc : memref<!tpu.dma_semaphore, #tpu.memory_space<semaphore_mem>>
        %dma_start3A = arith.constant 0 : i32
        %dma_start3A_105 = tpu.memref_slice %arg5[%run_scoped3A_94, %run_scoped3A_95, %dma_start3A] : memref<5x1x64xi32, #tpu.memory_space<hbm>> -> memref<1x1x64xi32, #tpu.memory_space<hbm>>
        %dma_start3A_106 = tpu.memref_squeeze %dma_start3A_105 : memref<1x1x64xi32, #tpu.memory_space<hbm>> -> memref<64xi32, #tpu.memory_space<hbm>>
        %dma_start3A_107 = arith.constant 0 : i32
        %dma_start3A_108 = tpu.memref_slice %arg5[%run_scoped3A_94, %run_scoped3A_95, %dma_start3A_107] : memref<5x1x64xi32, #tpu.memory_space<hbm>> -> memref<1x1x64xi32, #tpu.memory_space<hbm>>
        %dma_start3A_109 = tpu.memref_squeeze %dma_start3A_108 : memref<1x1x64xi32, #tpu.memory_space<hbm>> -> memref<64xi32, #tpu.memory_space<hbm>>
        tpu.enqueue_dma source(%dma_start3A_109 : memref<64xi32, #tpu.memory_space<hbm>>) target(%arg11 : memref<64xi32, #tpu.memory_space<vmem>>) target_semaphore(%run_scoped3A_104 : memref<!tpu.dma_semaphore, #tpu.memory_space<semaphore_mem>>)
        %dma_wait3A = arith.constant 0 : i32
        %dma_wait3A_110 = tpu.memref_slice %arg5[%run_scoped3A_94, %run_scoped3A_95, %dma_wait3A] : memref<5x1x64xi32, #tpu.memory_space<hbm>> -> memref<1x1x64xi32, #tpu.memory_space<hbm>>
        %dma_wait3A_111 = tpu.memref_squeeze %dma_wait3A_110 : memref<1x1x64xi32, #tpu.memory_space<hbm>> -> memref<64xi32, #tpu.memory_space<hbm>>
        %dma_wait3A_112 = arith.constant 0 : i32
        %dma_wait3A_113 = tpu.memref_slice %arg5[%run_scoped3A_94, %run_scoped3A_95, %dma_wait3A_112] : memref<5x1x64xi32, #tpu.memory_space<hbm>> -> memref<1x1x64xi32, #tpu.memory_space<hbm>>
        %dma_wait3A_114 = tpu.memref_squeeze %dma_wait3A_113 : memref<1x1x64xi32, #tpu.memory_space<hbm>> -> memref<64xi32, #tpu.memory_space<hbm>>
        tpu.wait_dma2 semaphore(%run_scoped3A_104 : memref<!tpu.dma_semaphore, #tpu.memory_space<semaphore_mem>>) src(%dma_wait3A_114 : memref<64xi32, #tpu.memory_space<hbm>>) dst(%arg11 : memref<64xi32, #tpu.memory_space<vmem>>)
        tpu.yield
      }) : () -> ()
      "tpu.region"() ({
        %run_scoped3A_104 = tpu.sem_alloc : memref<!tpu.dma_semaphore, #tpu.memory_space<semaphore_mem>>
        %dma_start3A = arith.constant 0 : i32
        %dma_start3A_105 = arith.constant 0 : i32
        %dma_start3A_106 = tpu.memref_slice %arg16[%dma_start3A, %dma_start3A_105] : memref<320x128xf32, #tpu.memory_space<vmem_shared>> -> memref<320x128xf32, #tpu.memory_space<vmem_shared>>
        tpu.enqueue_indirect_dma source(%dma_start3A_106 : memref<320x128xf32, #tpu.memory_space<vmem_shared>>) target(%arg14 : memref<64x128xf32, #tpu.memory_space<vmem>>) offsets(%arg11 : memref<64xi32, #tpu.memory_space<vmem>>) semaphore(%run_scoped3A_104 : memref<!tpu.dma_semaphore, #tpu.memory_space<semaphore_mem>>)
        %dma_wait3A = arith.constant 0 : i32
        %dma_wait3A_107 = arith.constant 0 : i32
        %dma_wait3A_108 = tpu.memref_slice %arg16[%dma_wait3A, %dma_wait3A_107] : memref<320x128xf32, #tpu.memory_space<vmem_shared>> -> memref<320x128xf32, #tpu.memory_space<vmem_shared>>
        tpu.wait_indirect_dma semaphore(%run_scoped3A_104 : memref<!tpu.dma_semaphore, #tpu.memory_space<semaphore_mem>>) src(%dma_wait3A_108 : memref<320x128xf32, #tpu.memory_space<vmem_shared>>) dst(%arg14 : memref<64x128xf32, #tpu.memory_space<vmem>>)
        tpu.yield
      }) : () -> ()
      "tpu.region"() ({
        %run_scoped3A_104 = tpu.sem_alloc : memref<!tpu.dma_semaphore, #tpu.memory_space<semaphore_mem>>
        %dma_start3A = arith.constant 0 : i32
        %dma_start3A_105 = arith.constant 0 : i32
        %dma_start3A_106 = tpu.memref_slice %arg10[%arg0, %dma_start3A, %dma_start3A_105] : memref<2x320x128xf32, #tpu.memory_space<hbm>> -> memref<1x64x128xf32, #tpu.memory_space<hbm>>
        %dma_start3A_107 = tpu.memref_squeeze %dma_start3A_106 : memref<1x64x128xf32, #tpu.memory_space<hbm>> -> memref<64x128xf32, #tpu.memory_space<hbm>>
        %dma_start3A_108 = arith.constant 0 : i32
        %dma_start3A_109 = arith.constant 0 : i32
        %dma_start3A_110 = tpu.memref_slice %arg10[%arg0, %dma_start3A_108, %dma_start3A_109] : memref<2x320x128xf32, #tpu.memory_space<hbm>> -> memref<1x64x128xf32, #tpu.memory_space<hbm>>
        %dma_start3A_111 = tpu.memref_squeeze %dma_start3A_110 : memref<1x64x128xf32, #tpu.memory_space<hbm>> -> memref<64x128xf32, #tpu.memory_space<hbm>>
        tpu.enqueue_dma source(%arg14 : memref<64x128xf32, #tpu.memory_space<vmem>>) target(%dma_start3A_111 : memref<64x128xf32, #tpu.memory_space<hbm>>) target_semaphore(%run_scoped3A_104 : memref<!tpu.dma_semaphore, #tpu.memory_space<semaphore_mem>>)
        %dma_wait3A = arith.constant 0 : i32
        %dma_wait3A_112 = arith.constant 0 : i32
        %dma_wait3A_113 = tpu.memref_slice %arg10[%arg0, %dma_wait3A, %dma_wait3A_112] : memref<2x320x128xf32, #tpu.memory_space<hbm>> -> memref<1x64x128xf32, #tpu.memory_space<hbm>>
        %dma_wait3A_114 = tpu.memref_squeeze %dma_wait3A_113 : memref<1x64x128xf32, #tpu.memory_space<hbm>> -> memref<64x128xf32, #tpu.memory_space<hbm>>
        %dma_wait3A_115 = arith.constant 0 : i32
        %dma_wait3A_116 = arith.constant 0 : i32
        %dma_wait3A_117 = tpu.memref_slice %arg10[%arg0, %dma_wait3A_115, %dma_wait3A_116] : memref<2x320x128xf32, #tpu.memory_space<hbm>> -> memref<1x64x128xf32, #tpu.memory_space<hbm>>
        %dma_wait3A_118 = tpu.memref_squeeze %dma_wait3A_117 : memref<1x64x128xf32, #tpu.memory_space<hbm>> -> memref<64x128xf32, #tpu.memory_space<hbm>>
        tpu.wait_dma2 semaphore(%run_scoped3A_104 : memref<!tpu.dma_semaphore, #tpu.memory_space<semaphore_mem>>) src(%arg14 : memref<64x128xf32, #tpu.memory_space<vmem>>) dst(%dma_wait3A_118 : memref<64x128xf32, #tpu.memory_space<hbm>>)
        tpu.yield
      }) : () -> ()
      %run_scoped3A_96 = arith.constant 1 : i32
      %run_scoped3A_97 = arith.constant 0 : i32
      "tpu.region"() ({
        %run_scoped3A_104 = tpu.sem_alloc : memref<!tpu.dma_semaphore, #tpu.memory_space<semaphore_mem>>
        %dma_start3A = arith.constant 0 : i32
        %dma_start3A_105 = tpu.memref_slice %arg5[%run_scoped3A_96, %run_scoped3A_97, %dma_start3A] : memref<5x1x64xi32, #tpu.memory_space<hbm>> -> memref<1x1x64xi32, #tpu.memory_space<hbm>>
        %dma_start3A_106 = tpu.memref_squeeze %dma_start3A_105 : memref<1x1x64xi32, #tpu.memory_space<hbm>> -> memref<64xi32, #tpu.memory_space<hbm>>
        %dma_start3A_107 = arith.constant 0 : i32
        %dma_start3A_108 = tpu.memref_slice %arg5[%run_scoped3A_96, %run_scoped3A_97, %dma_start3A_107] : memref<5x1x64xi32, #tpu.memory_space<hbm>> -> memref<1x1x64xi32, #tpu.memory_space<hbm>>
        %dma_start3A_109 = tpu.memref_squeeze %dma_start3A_108 : memref<1x1x64xi32, #tpu.memory_space<hbm>> -> memref<64xi32, #tpu.memory_space<hbm>>
        tpu.enqueue_dma source(%dma_start3A_109 : memref<64xi32, #tpu.memory_space<hbm>>) target(%arg11 : memref<64xi32, #tpu.memory_space<vmem>>) target_semaphore(%run_scoped3A_104 : memref<!tpu.dma_semaphore, #tpu.memory_space<semaphore_mem>>)
        %dma_wait3A = arith.constant 0 : i32
        %dma_wait3A_110 = tpu.memref_slice %arg5[%run_scoped3A_96, %run_scoped3A_97, %dma_wait3A] : memref<5x1x64xi32, #tpu.memory_space<hbm>> -> memref<1x1x64xi32, #tpu.memory_space<hbm>>
        %dma_wait3A_111 = tpu.memref_squeeze %dma_wait3A_110 : memref<1x1x64xi32, #tpu.memory_space<hbm>> -> memref<64xi32, #tpu.memory_space<hbm>>
        %dma_wait3A_112 = arith.constant 0 : i32
        %dma_wait3A_113 = tpu.memref_slice %arg5[%run_scoped3A_96, %run_scoped3A_97, %dma_wait3A_112] : memref<5x1x64xi32, #tpu.memory_space<hbm>> -> memref<1x1x64xi32, #tpu.memory_space<hbm>>
        %dma_wait3A_114 = tpu.memref_squeeze %dma_wait3A_113 : memref<1x1x64xi32, #tpu.memory_space<hbm>> -> memref<64xi32, #tpu.memory_space<hbm>>
        tpu.wait_dma2 semaphore(%run_scoped3A_104 : memref<!tpu.dma_semaphore, #tpu.memory_space<semaphore_mem>>) src(%dma_wait3A_114 : memref<64xi32, #tpu.memory_space<hbm>>) dst(%arg11 : memref<64xi32, #tpu.memory_space<vmem>>)
        tpu.yield
      }) : () -> ()
      "tpu.region"() ({
        %run_scoped3A_104 = tpu.sem_alloc : memref<!tpu.dma_semaphore, #tpu.memory_space<semaphore_mem>>
        %dma_start3A = arith.constant 0 : i32
        %dma_start3A_105 = arith.constant 0 : i32
        %dma_start3A_106 = tpu.memref_slice %arg16[%dma_start3A, %dma_start3A_105] : memref<320x128xf32, #tpu.memory_space<vmem_shared>> -> memref<320x128xf32, #tpu.memory_space<vmem_shared>>
        tpu.enqueue_indirect_dma source(%dma_start3A_106 : memref<320x128xf32, #tpu.memory_space<vmem_shared>>) target(%arg14 : memref<64x128xf32, #tpu.memory_space<vmem>>) offsets(%arg11 : memref<64xi32, #tpu.memory_space<vmem>>) semaphore(%run_scoped3A_104 : memref<!tpu.dma_semaphore, #tpu.memory_space<semaphore_mem>>)
        %dma_wait3A = arith.constant 0 : i32
        %dma_wait3A_107 = arith.constant 0 : i32
        %dma_wait3A_108 = tpu.memref_slice %arg16[%dma_wait3A, %dma_wait3A_107] : memref<320x128xf32, #tpu.memory_space<vmem_shared>> -> memref<320x128xf32, #tpu.memory_space<vmem_shared>>
        tpu.wait_indirect_dma semaphore(%run_scoped3A_104 : memref<!tpu.dma_semaphore, #tpu.memory_space<semaphore_mem>>) src(%dma_wait3A_108 : memref<320x128xf32, #tpu.memory_space<vmem_shared>>) dst(%arg14 : memref<64x128xf32, #tpu.memory_space<vmem>>)
        tpu.yield
      }) : () -> ()
      "tpu.region"() ({
        %run_scoped3A_104 = tpu.sem_alloc : memref<!tpu.dma_semaphore, #tpu.memory_space<semaphore_mem>>
        %dma_start3A = arith.constant 64 : i32
        %dma_start3A_105 = arith.constant 0 : i32
        %dma_start3A_106 = tpu.memref_slice %arg10[%arg0, %dma_start3A, %dma_start3A_105] : memref<2x320x128xf32, #tpu.memory_space<hbm>> -> memref<1x64x128xf32, #tpu.memory_space<hbm>>
        %dma_start3A_107 = tpu.memref_squeeze %dma_start3A_106 : memref<1x64x128xf32, #tpu.memory_space<hbm>> -> memref<64x128xf32, #tpu.memory_space<hbm>>
        %dma_start3A_108 = arith.constant 64 : i32
        %dma_start3A_109 = arith.constant 0 : i32
        %dma_start3A_110 = tpu.memref_slice %arg10[%arg0, %dma_start3A_108, %dma_start3A_109] : memref<2x320x128xf32, #tpu.memory_space<hbm>> -> memref<1x64x128xf32, #tpu.memory_space<hbm>>
        %dma_start3A_111 = tpu.memref_squeeze %dma_start3A_110 : memref<1x64x128xf32, #tpu.memory_space<hbm>> -> memref<64x128xf32, #tpu.memory_space<hbm>>
        tpu.enqueue_dma source(%arg14 : memref<64x128xf32, #tpu.memory_space<vmem>>) target(%dma_start3A_111 : memref<64x128xf32, #tpu.memory_space<hbm>>) target_semaphore(%run_scoped3A_104 : memref<!tpu.dma_semaphore, #tpu.memory_space<semaphore_mem>>)
        %dma_wait3A = arith.constant 64 : i32
        %dma_wait3A_112 = arith.constant 0 : i32
        %dma_wait3A_113 = tpu.memref_slice %arg10[%arg0, %dma_wait3A, %dma_wait3A_112] : memref<2x320x128xf32, #tpu.memory_space<hbm>> -> memref<1x64x128xf32, #tpu.memory_space<hbm>>
        %dma_wait3A_114 = tpu.memref_squeeze %dma_wait3A_113 : memref<1x64x128xf32, #tpu.memory_space<hbm>> -> memref<64x128xf32, #tpu.memory_space<hbm>>
        %dma_wait3A_115 = arith.constant 64 : i32
        %dma_wait3A_116 = arith.constant 0 : i32
        %dma_wait3A_117 = tpu.memref_slice %arg10[%arg0, %dma_wait3A_115, %dma_wait3A_116] : memref<2x320x128xf32, #tpu.memory_space<hbm>> -> memref<1x64x128xf32, #tpu.memory_space<hbm>>
        %dma_wait3A_118 = tpu.memref_squeeze %dma_wait3A_117 : memref<1x64x128xf32, #tpu.memory_space<hbm>> -> memref<64x128xf32, #tpu.memory_space<hbm>>
        tpu.wait_dma2 semaphore(%run_scoped3A_104 : memref<!tpu.dma_semaphore, #tpu.memory_space<semaphore_mem>>) src(%arg14 : memref<64x128xf32, #tpu.memory_space<vmem>>) dst(%dma_wait3A_118 : memref<64x128xf32, #tpu.memory_space<hbm>>)
        tpu.yield
      }) : () -> ()
      %run_scoped3A_98 = arith.constant 2 : i32
      %run_scoped3A_99 = arith.constant 0 : i32
      "tpu.region"() ({
        %run_scoped3A_104 = tpu.sem_alloc : memref<!tpu.dma_semaphore, #tpu.memory_space<semaphore_mem>>
        %dma_start3A = arith.constant 0 : i32
        %dma_start3A_105 = tpu.memref_slice %arg5[%run_scoped3A_98, %run_scoped3A_99, %dma_start3A] : memref<5x1x64xi32, #tpu.memory_space<hbm>> -> memref<1x1x64xi32, #tpu.memory_space<hbm>>
        %dma_start3A_106 = tpu.memref_squeeze %dma_start3A_105 : memref<1x1x64xi32, #tpu.memory_space<hbm>> -> memref<64xi32, #tpu.memory_space<hbm>>
        %dma_start3A_107 = arith.constant 0 : i32
        %dma_start3A_108 = tpu.memref_slice %arg5[%run_scoped3A_98, %run_scoped3A_99, %dma_start3A_107] : memref<5x1x64xi32, #tpu.memory_space<hbm>> -> memref<1x1x64xi32, #tpu.memory_space<hbm>>
        %dma_start3A_109 = tpu.memref_squeeze %dma_start3A_108 : memref<1x1x64xi32, #tpu.memory_space<hbm>> -> memref<64xi32, #tpu.memory_space<hbm>>
        tpu.enqueue_dma source(%dma_start3A_109 : memref<64xi32, #tpu.memory_space<hbm>>) target(%arg11 : memref<64xi32, #tpu.memory_space<vmem>>) target_semaphore(%run_scoped3A_104 : memref<!tpu.dma_semaphore, #tpu.memory_space<semaphore_mem>>)
        %dma_wait3A = arith.constant 0 : i32
        %dma_wait3A_110 = tpu.memref_slice %arg5[%run_scoped3A_98, %run_scoped3A_99, %dma_wait3A] : memref<5x1x64xi32, #tpu.memory_space<hbm>> -> memref<1x1x64xi32, #tpu.memory_space<hbm>>
        %dma_wait3A_111 = tpu.memref_squeeze %dma_wait3A_110 : memref<1x1x64xi32, #tpu.memory_space<hbm>> -> memref<64xi32, #tpu.memory_space<hbm>>
        %dma_wait3A_112 = arith.constant 0 : i32
        %dma_wait3A_113 = tpu.memref_slice %arg5[%run_scoped3A_98, %run_scoped3A_99, %dma_wait3A_112] : memref<5x1x64xi32, #tpu.memory_space<hbm>> -> memref<1x1x64xi32, #tpu.memory_space<hbm>>
        %dma_wait3A_114 = tpu.memref_squeeze %dma_wait3A_113 : memref<1x1x64xi32, #tpu.memory_space<hbm>> -> memref<64xi32, #tpu.memory_space<hbm>>
        tpu.wait_dma2 semaphore(%run_scoped3A_104 : memref<!tpu.dma_semaphore, #tpu.memory_space<semaphore_mem>>) src(%dma_wait3A_114 : memref<64xi32, #tpu.memory_space<hbm>>) dst(%arg11 : memref<64xi32, #tpu.memory_space<vmem>>)
        tpu.yield
      }) : () -> ()
      "tpu.region"() ({
        %run_scoped3A_104 = tpu.sem_alloc : memref<!tpu.dma_semaphore, #tpu.memory_space<semaphore_mem>>
        %dma_start3A = arith.constant 0 : i32
        %dma_start3A_105 = arith.constant 0 : i32
        %dma_start3A_106 = tpu.memref_slice %arg16[%dma_start3A, %dma_start3A_105] : memref<320x128xf32, #tpu.memory_space<vmem_shared>> -> memref<320x128xf32, #tpu.memory_space<vmem_shared>>
        tpu.enqueue_indirect_dma source(%dma_start3A_106 : memref<320x128xf32, #tpu.memory_space<vmem_shared>>) target(%arg14 : memref<64x128xf32, #tpu.memory_space<vmem>>) offsets(%arg11 : memref<64xi32, #tpu.memory_space<vmem>>) semaphore(%run_scoped3A_104 : memref<!tpu.dma_semaphore, #tpu.memory_space<semaphore_mem>>)
        %dma_wait3A = arith.constant 0 : i32
        %dma_wait3A_107 = arith.constant 0 : i32
        %dma_wait3A_108 = tpu.memref_slice %arg16[%dma_wait3A, %dma_wait3A_107] : memref<320x128xf32, #tpu.memory_space<vmem_shared>> -> memref<320x128xf32, #tpu.memory_space<vmem_shared>>
        tpu.wait_indirect_dma semaphore(%run_scoped3A_104 : memref<!tpu.dma_semaphore, #tpu.memory_space<semaphore_mem>>) src(%dma_wait3A_108 : memref<320x128xf32, #tpu.memory_space<vmem_shared>>) dst(%arg14 : memref<64x128xf32, #tpu.memory_space<vmem>>)
        tpu.yield
      }) : () -> ()
      "tpu.region"() ({
        %run_scoped3A_104 = tpu.sem_alloc : memref<!tpu.dma_semaphore, #tpu.memory_space<semaphore_mem>>
        %dma_start3A = arith.constant 128 : i32
        %dma_start3A_105 = arith.constant 0 : i32
        %dma_start3A_106 = tpu.memref_slice %arg10[%arg0, %dma_start3A, %dma_start3A_105] : memref<2x320x128xf32, #tpu.memory_space<hbm>> -> memref<1x64x128xf32, #tpu.memory_space<hbm>>
        %dma_start3A_107 = tpu.memref_squeeze %dma_start3A_106 : memref<1x64x128xf32, #tpu.memory_space<hbm>> -> memref<64x128xf32, #tpu.memory_space<hbm>>
        %dma_start3A_108 = arith.constant 128 : i32
        %dma_start3A_109 = arith.constant 0 : i32
        %dma_start3A_110 = tpu.memref_slice %arg10[%arg0, %dma_start3A_108, %dma_start3A_109] : memref<2x320x128xf32, #tpu.memory_space<hbm>> -> memref<1x64x128xf32, #tpu.memory_space<hbm>>
        %dma_start3A_111 = tpu.memref_squeeze %dma_start3A_110 : memref<1x64x128xf32, #tpu.memory_space<hbm>> -> memref<64x128xf32, #tpu.memory_space<hbm>>
        tpu.enqueue_dma source(%arg14 : memref<64x128xf32, #tpu.memory_space<vmem>>) target(%dma_start3A_111 : memref<64x128xf32, #tpu.memory_space<hbm>>) target_semaphore(%run_scoped3A_104 : memref<!tpu.dma_semaphore, #tpu.memory_space<semaphore_mem>>)
        %dma_wait3A = arith.constant 128 : i32
        %dma_wait3A_112 = arith.constant 0 : i32
        %dma_wait3A_113 = tpu.memref_slice %arg10[%arg0, %dma_wait3A, %dma_wait3A_112] : memref<2x320x128xf32, #tpu.memory_space<hbm>> -> memref<1x64x128xf32, #tpu.memory_space<hbm>>
        %dma_wait3A_114 = tpu.memref_squeeze %dma_wait3A_113 : memref<1x64x128xf32, #tpu.memory_space<hbm>> -> memref<64x128xf32, #tpu.memory_space<hbm>>
        %dma_wait3A_115 = arith.constant 128 : i32
        %dma_wait3A_116 = arith.constant 0 : i32
        %dma_wait3A_117 = tpu.memref_slice %arg10[%arg0, %dma_wait3A_115, %dma_wait3A_116] : memref<2x320x128xf32, #tpu.memory_space<hbm>> -> memref<1x64x128xf32, #tpu.memory_space<hbm>>
        %dma_wait3A_118 = tpu.memref_squeeze %dma_wait3A_117 : memref<1x64x128xf32, #tpu.memory_space<hbm>> -> memref<64x128xf32, #tpu.memory_space<hbm>>
        tpu.wait_dma2 semaphore(%run_scoped3A_104 : memref<!tpu.dma_semaphore, #tpu.memory_space<semaphore_mem>>) src(%arg14 : memref<64x128xf32, #tpu.memory_space<vmem>>) dst(%dma_wait3A_118 : memref<64x128xf32, #tpu.memory_space<hbm>>)
        tpu.yield
      }) : () -> ()
      %run_scoped3A_100 = arith.constant 3 : i32
      %run_scoped3A_101 = arith.constant 0 : i32
      "tpu.region"() ({
        %run_scoped3A_104 = tpu.sem_alloc : memref<!tpu.dma_semaphore, #tpu.memory_space<semaphore_mem>>
        %dma_start3A = arith.constant 0 : i32
        %dma_start3A_105 = tpu.memref_slice %arg5[%run_scoped3A_100, %run_scoped3A_101, %dma_start3A] : memref<5x1x64xi32, #tpu.memory_space<hbm>> -> memref<1x1x64xi32, #tpu.memory_space<hbm>>
        %dma_start3A_106 = tpu.memref_squeeze %dma_start3A_105 : memref<1x1x64xi32, #tpu.memory_space<hbm>> -> memref<64xi32, #tpu.memory_space<hbm>>
        %dma_start3A_107 = arith.constant 0 : i32
        %dma_start3A_108 = tpu.memref_slice %arg5[%run_scoped3A_100, %run_scoped3A_101, %dma_start3A_107] : memref<5x1x64xi32, #tpu.memory_space<hbm>> -> memref<1x1x64xi32, #tpu.memory_space<hbm>>
        %dma_start3A_109 = tpu.memref_squeeze %dma_start3A_108 : memref<1x1x64xi32, #tpu.memory_space<hbm>> -> memref<64xi32, #tpu.memory_space<hbm>>
        tpu.enqueue_dma source(%dma_start3A_109 : memref<64xi32, #tpu.memory_space<hbm>>) target(%arg11 : memref<64xi32, #tpu.memory_space<vmem>>) target_semaphore(%run_scoped3A_104 : memref<!tpu.dma_semaphore, #tpu.memory_space<semaphore_mem>>)
        %dma_wait3A = arith.constant 0 : i32
        %dma_wait3A_110 = tpu.memref_slice %arg5[%run_scoped3A_100, %run_scoped3A_101, %dma_wait3A] : memref<5x1x64xi32, #tpu.memory_space<hbm>> -> memref<1x1x64xi32, #tpu.memory_space<hbm>>
        %dma_wait3A_111 = tpu.memref_squeeze %dma_wait3A_110 : memref<1x1x64xi32, #tpu.memory_space<hbm>> -> memref<64xi32, #tpu.memory_space<hbm>>
        %dma_wait3A_112 = arith.constant 0 : i32
        %dma_wait3A_113 = tpu.memref_slice %arg5[%run_scoped3A_100, %run_scoped3A_101, %dma_wait3A_112] : memref<5x1x64xi32, #tpu.memory_space<hbm>> -> memref<1x1x64xi32, #tpu.memory_space<hbm>>
        %dma_wait3A_114 = tpu.memref_squeeze %dma_wait3A_113 : memref<1x1x64xi32, #tpu.memory_space<hbm>> -> memref<64xi32, #tpu.memory_space<hbm>>
        tpu.wait_dma2 semaphore(%run_scoped3A_104 : memref<!tpu.dma_semaphore, #tpu.memory_space<semaphore_mem>>) src(%dma_wait3A_114 : memref<64xi32, #tpu.memory_space<hbm>>) dst(%arg11 : memref<64xi32, #tpu.memory_space<vmem>>)
        tpu.yield
      }) : () -> ()
      "tpu.region"() ({
        %run_scoped3A_104 = tpu.sem_alloc : memref<!tpu.dma_semaphore, #tpu.memory_space<semaphore_mem>>
        %dma_start3A = arith.constant 0 : i32
        %dma_start3A_105 = arith.constant 0 : i32
        %dma_start3A_106 = tpu.memref_slice %arg16[%dma_start3A, %dma_start3A_105] : memref<320x128xf32, #tpu.memory_space<vmem_shared>> -> memref<320x128xf32, #tpu.memory_space<vmem_shared>>
        tpu.enqueue_indirect_dma source(%dma_start3A_106 : memref<320x128xf32, #tpu.memory_space<vmem_shared>>) target(%arg14 : memref<64x128xf32, #tpu.memory_space<vmem>>) offsets(%arg11 : memref<64xi32, #tpu.memory_space<vmem>>) semaphore(%run_scoped3A_104 : memref<!tpu.dma_semaphore, #tpu.memory_space<semaphore_mem>>)
        %dma_wait3A = arith.constant 0 : i32
        %dma_wait3A_107 = arith.constant 0 : i32
        %dma_wait3A_108 = tpu.memref_slice %arg16[%dma_wait3A, %dma_wait3A_107] : memref<320x128xf32, #tpu.memory_space<vmem_shared>> -> memref<320x128xf32, #tpu.memory_space<vmem_shared>>
        tpu.wait_indirect_dma semaphore(%run_scoped3A_104 : memref<!tpu.dma_semaphore, #tpu.memory_space<semaphore_mem>>) src(%dma_wait3A_108 : memref<320x128xf32, #tpu.memory_space<vmem_shared>>) dst(%arg14 : memref<64x128xf32, #tpu.memory_space<vmem>>)
        tpu.yield
      }) : () -> ()
      "tpu.region"() ({
        %run_scoped3A_104 = tpu.sem_alloc : memref<!tpu.dma_semaphore, #tpu.memory_space<semaphore_mem>>
        %dma_start3A = arith.constant 192 : i32
        %dma_start3A_105 = arith.constant 0 : i32
        %dma_start3A_106 = tpu.memref_slice %arg10[%arg0, %dma_start3A, %dma_start3A_105] : memref<2x320x128xf32, #tpu.memory_space<hbm>> -> memref<1x64x128xf32, #tpu.memory_space<hbm>>
        %dma_start3A_107 = tpu.memref_squeeze %dma_start3A_106 : memref<1x64x128xf32, #tpu.memory_space<hbm>> -> memref<64x128xf32, #tpu.memory_space<hbm>>
        %dma_start3A_108 = arith.constant 192 : i32
        %dma_start3A_109 = arith.constant 0 : i32
        %dma_start3A_110 = tpu.memref_slice %arg10[%arg0, %dma_start3A_108, %dma_start3A_109] : memref<2x320x128xf32, #tpu.memory_space<hbm>> -> memref<1x64x128xf32, #tpu.memory_space<hbm>>
        %dma_start3A_111 = tpu.memref_squeeze %dma_start3A_110 : memref<1x64x128xf32, #tpu.memory_space<hbm>> -> memref<64x128xf32, #tpu.memory_space<hbm>>
        tpu.enqueue_dma source(%arg14 : memref<64x128xf32, #tpu.memory_space<vmem>>) target(%dma_start3A_111 : memref<64x128xf32, #tpu.memory_space<hbm>>) target_semaphore(%run_scoped3A_104 : memref<!tpu.dma_semaphore, #tpu.memory_space<semaphore_mem>>)
        %dma_wait3A = arith.constant 192 : i32
        %dma_wait3A_112 = arith.constant 0 : i32
        %dma_wait3A_113 = tpu.memref_slice %arg10[%arg0, %dma_wait3A, %dma_wait3A_112] : memref<2x320x128xf32, #tpu.memory_space<hbm>> -> memref<1x64x128xf32, #tpu.memory_space<hbm>>
        %dma_wait3A_114 = tpu.memref_squeeze %dma_wait3A_113 : memref<1x64x128xf32, #tpu.memory_space<hbm>> -> memref<64x128xf32, #tpu.memory_space<hbm>>
        %dma_wait3A_115 = arith.constant 192 : i32
        %dma_wait3A_116 = arith.constant 0 : i32
        %dma_wait3A_117 = tpu.memref_slice %arg10[%arg0, %dma_wait3A_115, %dma_wait3A_116] : memref<2x320x128xf32, #tpu.memory_space<hbm>> -> memref<1x64x128xf32, #tpu.memory_space<hbm>>
        %dma_wait3A_118 = tpu.memref_squeeze %dma_wait3A_117 : memref<1x64x128xf32, #tpu.memory_space<hbm>> -> memref<64x128xf32, #tpu.memory_space<hbm>>
        tpu.wait_dma2 semaphore(%run_scoped3A_104 : memref<!tpu.dma_semaphore, #tpu.memory_space<semaphore_mem>>) src(%arg14 : memref<64x128xf32, #tpu.memory_space<vmem>>) dst(%dma_wait3A_118 : memref<64x128xf32, #tpu.memory_space<hbm>>)
        tpu.yield
      }) : () -> ()
      %run_scoped3A_102 = arith.constant 4 : i32
      %run_scoped3A_103 = arith.constant 0 : i32
      "tpu.region"() ({
        %run_scoped3A_104 = tpu.sem_alloc : memref<!tpu.dma_semaphore, #tpu.memory_space<semaphore_mem>>
        %dma_start3A = arith.constant 0 : i32
        %dma_start3A_105 = tpu.memref_slice %arg5[%run_scoped3A_102, %run_scoped3A_103, %dma_start3A] : memref<5x1x64xi32, #tpu.memory_space<hbm>> -> memref<1x1x64xi32, #tpu.memory_space<hbm>>
        %dma_start3A_106 = tpu.memref_squeeze %dma_start3A_105 : memref<1x1x64xi32, #tpu.memory_space<hbm>> -> memref<64xi32, #tpu.memory_space<hbm>>
        %dma_start3A_107 = arith.constant 0 : i32
        %dma_start3A_108 = tpu.memref_slice %arg5[%run_scoped3A_102, %run_scoped3A_103, %dma_start3A_107] : memref<5x1x64xi32, #tpu.memory_space<hbm>> -> memref<1x1x64xi32, #tpu.memory_space<hbm>>
        %dma_start3A_109 = tpu.memref_squeeze %dma_start3A_108 : memref<1x1x64xi32, #tpu.memory_space<hbm>> -> memref<64xi32, #tpu.memory_space<hbm>>
        tpu.enqueue_dma source(%dma_start3A_109 : memref<64xi32, #tpu.memory_space<hbm>>) target(%arg11 : memref<64xi32, #tpu.memory_space<vmem>>) target_semaphore(%run_scoped3A_104 : memref<!tpu.dma_semaphore, #tpu.memory_space<semaphore_mem>>)
        %dma_wait3A = arith.constant 0 : i32
        %dma_wait3A_110 = tpu.memref_slice %arg5[%run_scoped3A_102, %run_scoped3A_103, %dma_wait3A] : memref<5x1x64xi32, #tpu.memory_space<hbm>> -> memref<1x1x64xi32, #tpu.memory_space<hbm>>
        %dma_wait3A_111 = tpu.memref_squeeze %dma_wait3A_110 : memref<1x1x64xi32, #tpu.memory_space<hbm>> -> memref<64xi32, #tpu.memory_space<hbm>>
        %dma_wait3A_112 = arith.constant 0 : i32
        %dma_wait3A_113 = tpu.memref_slice %arg5[%run_scoped3A_102, %run_scoped3A_103, %dma_wait3A_112] : memref<5x1x64xi32, #tpu.memory_space<hbm>> -> memref<1x1x64xi32, #tpu.memory_space<hbm>>
        %dma_wait3A_114 = tpu.memref_squeeze %dma_wait3A_113 : memref<1x1x64xi32, #tpu.memory_space<hbm>> -> memref<64xi32, #tpu.memory_space<hbm>>
        tpu.wait_dma2 semaphore(%run_scoped3A_104 : memref<!tpu.dma_semaphore, #tpu.memory_space<semaphore_mem>>) src(%dma_wait3A_114 : memref<64xi32, #tpu.memory_space<hbm>>) dst(%arg11 : memref<64xi32, #tpu.memory_space<vmem>>)
        tpu.yield
      }) : () -> ()
      "tpu.region"() ({
        %run_scoped3A_104 = tpu.sem_alloc : memref<!tpu.dma_semaphore, #tpu.memory_space<semaphore_mem>>
        %dma_start3A = arith.constant 0 : i32
        %dma_start3A_105 = arith.constant 0 : i32
        %dma_start3A_106 = tpu.memref_slice %arg16[%dma_start3A, %dma_start3A_105] : memref<320x128xf32, #tpu.memory_space<vmem_shared>> -> memref<320x128xf32, #tpu.memory_space<vmem_shared>>
        tpu.enqueue_indirect_dma source(%dma_start3A_106 : memref<320x128xf32, #tpu.memory_space<vmem_shared>>) target(%arg14 : memref<64x128xf32, #tpu.memory_space<vmem>>) offsets(%arg11 : memref<64xi32, #tpu.memory_space<vmem>>) semaphore(%run_scoped3A_104 : memref<!tpu.dma_semaphore, #tpu.memory_space<semaphore_mem>>)
        %dma_wait3A = arith.constant 0 : i32
        %dma_wait3A_107 = arith.constant 0 : i32
        %dma_wait3A_108 = tpu.memref_slice %arg16[%dma_wait3A, %dma_wait3A_107] : memref<320x128xf32, #tpu.memory_space<vmem_shared>> -> memref<320x128xf32, #tpu.memory_space<vmem_shared>>
        tpu.wait_indirect_dma semaphore(%run_scoped3A_104 : memref<!tpu.dma_semaphore, #tpu.memory_space<semaphore_mem>>) src(%dma_wait3A_108 : memref<320x128xf32, #tpu.memory_space<vmem_shared>>) dst(%arg14 : memref<64x128xf32, #tpu.memory_space<vmem>>)
        tpu.yield
      }) : () -> ()
      "tpu.region"() ({
        %run_scoped3A_104 = tpu.sem_alloc : memref<!tpu.dma_semaphore, #tpu.memory_space<semaphore_mem>>
        %dma_start3A = arith.constant 256 : i32
        %dma_start3A_105 = arith.constant 0 : i32
        %dma_start3A_106 = tpu.memref_slice %arg10[%arg0, %dma_start3A, %dma_start3A_105] : memref<2x320x128xf32, #tpu.memory_space<hbm>> -> memref<1x64x128xf32, #tpu.memory_space<hbm>>
        %dma_start3A_107 = tpu.memref_squeeze %dma_start3A_106 : memref<1x64x128xf32, #tpu.memory_space<hbm>> -> memref<64x128xf32, #tpu.memory_space<hbm>>
        %dma_start3A_108 = arith.constant 256 : i32
        %dma_start3A_109 = arith.constant 0 : i32
        %dma_start3A_110 = tpu.memref_slice %arg10[%arg0, %dma_start3A_108, %dma_start3A_109] : memref<2x320x128xf32, #tpu.memory_space<hbm>> -> memref<1x64x128xf32, #tpu.memory_space<hbm>>
        %dma_start3A_111 = tpu.memref_squeeze %dma_start3A_110 : memref<1x64x128xf32, #tpu.memory_space<hbm>> -> memref<64x128xf32, #tpu.memory_space<hbm>>
        tpu.enqueue_dma source(%arg14 : memref<64x128xf32, #tpu.memory_space<vmem>>) target(%dma_start3A_111 : memref<64x128xf32, #tpu.memory_space<hbm>>) target_semaphore(%run_scoped3A_104 : memref<!tpu.dma_semaphore, #tpu.memory_space<semaphore_mem>>)
        %dma_wait3A = arith.constant 256 : i32
        %dma_wait3A_112 = arith.constant 0 : i32
        %dma_wait3A_113 = tpu.memref_slice %arg10[%arg0, %dma_wait3A, %dma_wait3A_112] : memref<2x320x128xf32, #tpu.memory_space<hbm>> -> memref<1x64x128xf32, #tpu.memory_space<hbm>>
        %dma_wait3A_114 = tpu.memref_squeeze %dma_wait3A_113 : memref<1x64x128xf32, #tpu.memory_space<hbm>> -> memref<64x128xf32, #tpu.memory_space<hbm>>
        %dma_wait3A_115 = arith.constant 256 : i32
        %dma_wait3A_116 = arith.constant 0 : i32
        %dma_wait3A_117 = tpu.memref_slice %arg10[%arg0, %dma_wait3A_115, %dma_wait3A_116] : memref<2x320x128xf32, #tpu.memory_space<hbm>> -> memref<1x64x128xf32, #tpu.memory_space<hbm>>
        %dma_wait3A_118 = tpu.memref_squeeze %dma_wait3A_117 : memref<1x64x128xf32, #tpu.memory_space<hbm>> -> memref<64x128xf32, #tpu.memory_space<hbm>>
        tpu.wait_dma2 semaphore(%run_scoped3A_104 : memref<!tpu.dma_semaphore, #tpu.memory_space<semaphore_mem>>) src(%arg14 : memref<64x128xf32, #tpu.memory_space<vmem>>) dst(%dma_wait3A_118 : memref<64x128xf32, #tpu.memory_space<hbm>>)
        tpu.yield
      }) : () -> ()
    } else {
    }
    return
  }
}

module attributes {stable_mosaic.version = 14 : i64} {
  func.func @_edge_body(%arg0: i32, %arg1: memref<2x2048x128xf32, #tpu.memory_space<vmem>>, %arg2: memref<2048x16xf32, #tpu.memory_space<vmem>>, %arg3: memref<2048x1xf32, #tpu.memory_space<vmem>>, %arg4: memref<2048x1xi32, #tpu.memory_space<vmem>>, %arg5: memref<128x128xf32, #tpu.memory_space<vmem>>, %arg6: memref<1x128xf32, #tpu.memory_space<vmem>>, %arg7: memref<128x384xf32, #tpu.memory_space<vmem>>, %arg8: memref<16x384xf32, #tpu.memory_space<vmem>>, %arg9: memref<1x384xf32, #tpu.memory_space<vmem>>, %arg10: memref<128x128xf32, #tpu.memory_space<vmem>>, %arg11: memref<1x128xf32, #tpu.memory_space<vmem>>, %arg12: memref<128x384xf32, #tpu.memory_space<vmem>>, %arg13: memref<16x384xf32, #tpu.memory_space<vmem>>, %arg14: memref<1x384xf32, #tpu.memory_space<vmem>>, %arg15: memref<128x128xf32, #tpu.memory_space<vmem>>, %arg16: memref<1x128xf32, #tpu.memory_space<vmem>>, %arg17: memref<128x4xf32, #tpu.memory_space<vmem>>, %arg18: memref<4x128xf32, #tpu.memory_space<vmem>>, %arg19: memref<32x128xf32, #tpu.memory_space<vmem>>, %arg20: memref<4x128xf32, #tpu.memory_space<vmem>>, %arg21: memref<2048x128xf32, #tpu.memory_space<vmem>>, %arg22: memref<2048x128xf32, #tpu.memory_space<vmem>>) attributes {dimension_semantics = [#tpu.dimension_semantics<arbitrary>], iteration_bounds = array<i64: 158>, scalar_prefetch = 0 : i64, scratch_operands = 0 : i64, tpu.core_type = #tpu.core_type<tc>, window_params = [{transform_indices = @transform_0, window_bounds = array<i64: 2, 2048, 128>}, {transform_indices = @transform_1, window_bounds = array<i64: 2048, 16>}, {transform_indices = @transform_2, window_bounds = array<i64: 2048, 1>}, {transform_indices = @transform_3, window_bounds = array<i64: 2048, 1>}, {pipeline_mode = #tpu.pipeline_mode<synchronous>, transform_indices = @transform_4, window_bounds = array<i64: 128, 128>}, {pipeline_mode = #tpu.pipeline_mode<synchronous>, transform_indices = @transform_5, window_bounds = array<i64: 1, 128>}, {pipeline_mode = #tpu.pipeline_mode<synchronous>, transform_indices = @transform_6, window_bounds = array<i64: 128, 384>}, {pipeline_mode = #tpu.pipeline_mode<synchronous>, transform_indices = @transform_7, window_bounds = array<i64: 16, 384>}, {pipeline_mode = #tpu.pipeline_mode<synchronous>, transform_indices = @transform_8, window_bounds = array<i64: 1, 384>}, {pipeline_mode = #tpu.pipeline_mode<synchronous>, transform_indices = @transform_9, window_bounds = array<i64: 128, 128>}, {pipeline_mode = #tpu.pipeline_mode<synchronous>, transform_indices = @transform_10, window_bounds = array<i64: 1, 128>}, {pipeline_mode = #tpu.pipeline_mode<synchronous>, transform_indices = @transform_11, window_bounds = array<i64: 128, 384>}, {pipeline_mode = #tpu.pipeline_mode<synchronous>, transform_indices = @transform_12, window_bounds = array<i64: 16, 384>}, {pipeline_mode = #tpu.pipeline_mode<synchronous>, transform_indices = @transform_13, window_bounds = array<i64: 1, 384>}, {pipeline_mode = #tpu.pipeline_mode<synchronous>, transform_indices = @transform_14, window_bounds = array<i64: 128, 128>}, {pipeline_mode = #tpu.pipeline_mode<synchronous>, transform_indices = @transform_15, window_bounds = array<i64: 1, 128>}, {pipeline_mode = #tpu.pipeline_mode<synchronous>, transform_indices = @transform_16, window_bounds = array<i64: 128, 4>}, {pipeline_mode = #tpu.pipeline_mode<synchronous>, transform_indices = @transform_17, window_bounds = array<i64: 4, 128>}, {pipeline_mode = #tpu.pipeline_mode<synchronous>, transform_indices = @transform_18, window_bounds = array<i64: 32, 128>}, {pipeline_mode = #tpu.pipeline_mode<synchronous>, transform_indices = @transform_19, window_bounds = array<i64: 4, 128>}, {transform_indices = @transform_20, window_bounds = array<i64: 2048, 128>}, {transform_indices = @transform_21, window_bounds = array<i64: 2048, 128>}]} {
    %get3A = arith.constant 0 : index
    %get3A_0 = arith.constant 0 : index
    %get3A_1 = arith.constant 0 : index
    %get3A_2 = vector.load %arg1[%get3A, %get3A_0, %get3A_1] : memref<2x2048x128xf32, #tpu.memory_space<vmem>>, vector<1x2048x128xf32>
    %get3A_3 = vector.shape_cast %get3A_2 : vector<1x2048x128xf32> to vector<2048x128xf32>
    %get3A_4 = arith.constant 1 : index
    %get3A_5 = arith.constant 0 : index
    %get3A_6 = arith.constant 0 : index
    %get3A_7 = vector.load %arg1[%get3A_4, %get3A_5, %get3A_6] : memref<2x2048x128xf32, #tpu.memory_space<vmem>>, vector<1x2048x128xf32>
    %get3A_8 = vector.shape_cast %get3A_7 : vector<1x2048x128xf32> to vector<2048x128xf32>
    %get3A_9 = arith.constant 0 : index
    %get3A_10 = arith.constant 0 : index
    %get3A_11 = vector.load %arg2[%get3A_9, %get3A_10] : memref<2048x16xf32, #tpu.memory_space<vmem>>, vector<2048x16xf32>
    %get3A_12 = arith.constant 0 : index
    %get3A_13 = arith.constant 0 : index
    %get3A_14 = vector.load %arg3[%get3A_12, %get3A_13] : memref<2048x1xf32, #tpu.memory_space<vmem>>, vector<2048x1xf32>
    %div3A = arith.constant 8.640000e+04 : f32
    %div3A_15 = vector.broadcast %div3A : f32 to vector<2048x1xf32>
    %div3A_16 = arith.divf %get3A_14, %div3A_15 : vector<2048x1xf32>
    %get3A_17 = arith.constant 0 : index
    %get3A_18 = arith.constant 0 : index
    %get3A_19 = vector.load %arg5[%get3A_17, %get3A_18] : memref<128x128xf32, #tpu.memory_space<vmem>>, vector<128x128xf32>
    %dot_general3A = arith.constant dense<0.000000e+00> : vector<2048x128xf32>
    %dot_general3A_20 = tpu.matmul %get3A_3, %get3A_19, %dot_general3A {dimension_numbers = #tpu.dot_dimension_numbers<[1], [0], [0], [1], [0, 0, 1, 1], [], []>, transpose_lhs_hint = false} : vector<2048x128xf32>, vector<128x128xf32>, vector<2048x128xf32> -> vector<2048x128xf32>
    %get3A_21 = arith.constant 0 : index
    %get3A_22 = arith.constant 0 : index
    %get3A_23 = vector.load %arg6[%get3A_21, %get3A_22] : memref<1x128xf32, #tpu.memory_space<vmem>>, vector<1x128xf32>
    %add3A = vector.broadcast %get3A_23 : vector<1x128xf32> to vector<2048x128xf32>
    %add3A_24 = arith.addf %dot_general3A_20, %add3A : vector<2048x128xf32>
    %max3A = arith.constant 0.000000e+00 : f32
    %max3A_25 = vector.broadcast %max3A : f32 to vector<2048x128xf32>
    %max3A_26 = arith.maximumf %add3A_24, %max3A_25 : vector<2048x128xf32>
    %get3A_27 = arith.constant 0 : index
    %get3A_28 = arith.constant 0 : index
    %get3A_29 = vector.load %arg7[%get3A_27, %get3A_28] : memref<128x384xf32, #tpu.memory_space<vmem>>, vector<128x384xf32>
    %dot_general3A_30 = arith.constant dense<0.000000e+00> : vector<2048x384xf32>
    %dot_general3A_31 = tpu.matmul %get3A_8, %get3A_29, %dot_general3A_30 {dimension_numbers = #tpu.dot_dimension_numbers<[1], [0], [0], [1], [0, 0, 1, 1], [], []>, transpose_lhs_hint = false} : vector<2048x128xf32>, vector<128x384xf32>, vector<2048x384xf32> -> vector<2048x384xf32>
    %get3A_32 = arith.constant 0 : index
    %get3A_33 = arith.constant 0 : index
    %get3A_34 = vector.load %arg8[%get3A_32, %get3A_33] : memref<16x384xf32, #tpu.memory_space<vmem>>, vector<16x384xf32>
    %dot_general3A_35 = arith.constant dense<0.000000e+00> : vector<2048x384xf32>
    %dot_general3A_36 = tpu.matmul %get3A_11, %get3A_34, %dot_general3A_35 {dimension_numbers = #tpu.dot_dimension_numbers<[1], [0], [0], [1], [0, 0, 1, 1], [], []>, transpose_lhs_hint = false} : vector<2048x16xf32>, vector<16x384xf32>, vector<2048x384xf32> -> vector<2048x384xf32>
    %add3A_37 = arith.addf %dot_general3A_31, %dot_general3A_36 : vector<2048x384xf32>
    %get3A_38 = arith.constant 0 : index
    %get3A_39 = arith.constant 0 : index
    %get3A_40 = vector.load %arg9[%get3A_38, %get3A_39] : memref<1x384xf32, #tpu.memory_space<vmem>>, vector<1x384xf32>
    %add3A_41 = vector.broadcast %get3A_40 : vector<1x384xf32> to vector<2048x384xf32>
    %add3A_42 = arith.addf %add3A_37, %add3A_41 : vector<2048x384xf32>
    %slice3A = vector.extract_strided_slice %add3A_42 {offsets = [0, 0], sizes = [2048, 128], strides = [1, 1]} : vector<2048x384xf32> to vector<2048x128xf32>
    %slice3A_43 = vector.extract_strided_slice %add3A_42 {offsets = [0, 128], sizes = [2048, 128], strides = [1, 1]} : vector<2048x384xf32> to vector<2048x128xf32>
    %slice3A_44 = vector.extract_strided_slice %add3A_42 {offsets = [0, 256], sizes = [2048, 128], strides = [1, 1]} : vector<2048x384xf32> to vector<2048x128xf32>
    %get3A_45 = arith.constant 0 : index
    %get3A_46 = arith.constant 0 : index
    %get3A_47 = vector.load %arg11[%get3A_45, %get3A_46] : memref<1x128xf32, #tpu.memory_space<vmem>>, vector<1x128xf32>
    %exp3A = math.exp %get3A_47 : vector<1x128xf32>
    %neg3A = arith.constant 0.000000e+00 : f32
    %neg3A_48 = vector.broadcast %neg3A : f32 to vector<1x128xf32>
    %neg3A_49 = arith.subf %neg3A_48, %exp3A : vector<1x128xf32>
    %mul3A = vector.broadcast %div3A_16 : vector<2048x1xf32> to vector<2048x128xf32>
    %mul3A_50 = vector.broadcast %neg3A_49 : vector<1x128xf32> to vector<2048x128xf32>
    %mul3A_51 = arith.mulf %mul3A, %mul3A_50 : vector<2048x128xf32>
    %exp3A_52 = math.exp %mul3A_51 : vector<2048x128xf32>
    %mul3A_53 = arith.mulf %exp3A_52, %slice3A : vector<2048x128xf32>
    %mul3A_54 = vector.broadcast %div3A_16 : vector<2048x1xf32> to vector<2048x128xf32>
    %mul3A_55 = arith.mulf %mul3A_54, %slice3A_43 : vector<2048x128xf32>
    %add3A_56 = arith.addf %mul3A_53, %mul3A_55 : vector<2048x128xf32>
    %get3A_57 = arith.constant 0 : index
    %get3A_58 = arith.constant 0 : index
    %get3A_59 = vector.load %arg10[%get3A_57, %get3A_58] : memref<128x128xf32, #tpu.memory_space<vmem>>, vector<128x128xf32>
    %dot_general3A_60 = arith.constant dense<0.000000e+00> : vector<2048x128xf32>
    %dot_general3A_61 = tpu.matmul %add3A_56, %get3A_59, %dot_general3A_60 {dimension_numbers = #tpu.dot_dimension_numbers<[1], [0], [0], [1], [0, 0, 1, 1], [], []>, transpose_lhs_hint = false} : vector<2048x128xf32>, vector<128x128xf32>, vector<2048x128xf32> -> vector<2048x128xf32>
    %gt3A = arith.constant 0.000000e+00 : f32
    %gt3A_62 = vector.broadcast %gt3A : f32 to vector<2048x128xf32>
    %gt3A_63 = arith.cmpf ogt, %dot_general3A_61, %gt3A_62 : vector<2048x128xf32>
    %min3A = arith.constant 0.000000e+00 : f32
    %min3A_64 = vector.broadcast %min3A : f32 to vector<2048x128xf32>
    %min3A_65 = arith.minimumf %dot_general3A_61, %min3A_64 : vector<2048x128xf32>
    %exp3A_66 = math.exp %min3A_65 : vector<2048x128xf32>
    %sub3A = arith.constant 1.000000e+00 : f32
    %sub3A_67 = vector.broadcast %sub3A : f32 to vector<2048x128xf32>
    %sub3A_68 = arith.subf %exp3A_66, %sub3A_67 : vector<2048x128xf32>
    %mul3A_69 = arith.constant 1.67326319 : f32
    %mul3A_70 = vector.broadcast %mul3A_69 : f32 to vector<2048x128xf32>
    %mul3A_71 = arith.mulf %mul3A_70, %sub3A_68 : vector<2048x128xf32>
    %select_n3A = arith.select %gt3A_63, %dot_general3A_61, %mul3A_71 : vector<2048x128xi1>, vector<2048x128xf32>
    %mul3A_72 = arith.constant 1.05070102 : f32
    %mul3A_73 = vector.broadcast %mul3A_72 : f32 to vector<2048x128xf32>
    %mul3A_74 = arith.mulf %mul3A_73, %select_n3A : vector<2048x128xf32>
    %mul3A_75 = arith.mulf %mul3A_74, %slice3A_44 : vector<2048x128xf32>
    %max3A_76 = arith.constant 0.000000e+00 : f32
    %max3A_77 = vector.broadcast %max3A_76 : f32 to vector<2048x128xf32>
    %max3A_78 = arith.maximumf %mul3A_75, %max3A_77 : vector<2048x128xf32>
    %get3A_79 = arith.constant 0 : index
    %get3A_80 = arith.constant 0 : index
    %get3A_81 = vector.load %arg12[%get3A_79, %get3A_80] : memref<128x384xf32, #tpu.memory_space<vmem>>, vector<128x384xf32>
    %dot_general3A_82 = arith.constant dense<0.000000e+00> : vector<2048x384xf32>
    %dot_general3A_83 = tpu.matmul %get3A_8, %get3A_81, %dot_general3A_82 {dimension_numbers = #tpu.dot_dimension_numbers<[1], [0], [0], [1], [0, 0, 1, 1], [], []>, transpose_lhs_hint = false} : vector<2048x128xf32>, vector<128x384xf32>, vector<2048x384xf32> -> vector<2048x384xf32>
    %get3A_84 = arith.constant 0 : index
    %get3A_85 = arith.constant 0 : index
    %get3A_86 = vector.load %arg13[%get3A_84, %get3A_85] : memref<16x384xf32, #tpu.memory_space<vmem>>, vector<16x384xf32>
    %dot_general3A_87 = arith.constant dense<0.000000e+00> : vector<2048x384xf32>
    %dot_general3A_88 = tpu.matmul %get3A_11, %get3A_86, %dot_general3A_87 {dimension_numbers = #tpu.dot_dimension_numbers<[1], [0], [0], [1], [0, 0, 1, 1], [], []>, transpose_lhs_hint = false} : vector<2048x16xf32>, vector<16x384xf32>, vector<2048x384xf32> -> vector<2048x384xf32>
    %add3A_89 = arith.addf %dot_general3A_83, %dot_general3A_88 : vector<2048x384xf32>
    %get3A_90 = arith.constant 0 : index
    %get3A_91 = arith.constant 0 : index
    %get3A_92 = vector.load %arg14[%get3A_90, %get3A_91] : memref<1x384xf32, #tpu.memory_space<vmem>>, vector<1x384xf32>
    %add3A_93 = vector.broadcast %get3A_92 : vector<1x384xf32> to vector<2048x384xf32>
    %add3A_94 = arith.addf %add3A_89, %add3A_93 : vector<2048x384xf32>
    %slice3A_95 = vector.extract_strided_slice %add3A_94 {offsets = [0, 0], sizes = [2048, 128], strides = [1, 1]} : vector<2048x384xf32> to vector<2048x128xf32>
    %slice3A_96 = vector.extract_strided_slice %add3A_94 {offsets = [0, 128], sizes = [2048, 128], strides = [1, 1]} : vector<2048x384xf32> to vector<2048x128xf32>
    %slice3A_97 = vector.extract_strided_slice %add3A_94 {offsets = [0, 256], sizes = [2048, 128], strides = [1, 1]} : vector<2048x384xf32> to vector<2048x128xf32>
    %get3A_98 = arith.constant 0 : index
    %get3A_99 = arith.constant 0 : index
    %get3A_100 = vector.load %arg16[%get3A_98, %get3A_99] : memref<1x128xf32, #tpu.memory_space<vmem>>, vector<1x128xf32>
    %exp3A_101 = math.exp %get3A_100 : vector<1x128xf32>
    %neg3A_102 = arith.constant 0.000000e+00 : f32
    %neg3A_103 = vector.broadcast %neg3A_102 : f32 to vector<1x128xf32>
    %neg3A_104 = arith.subf %neg3A_103, %exp3A_101 : vector<1x128xf32>
    %mul3A_105 = vector.broadcast %div3A_16 : vector<2048x1xf32> to vector<2048x128xf32>
    %mul3A_106 = vector.broadcast %neg3A_104 : vector<1x128xf32> to vector<2048x128xf32>
    %mul3A_107 = arith.mulf %mul3A_105, %mul3A_106 : vector<2048x128xf32>
    %exp3A_108 = math.exp %mul3A_107 : vector<2048x128xf32>
    %mul3A_109 = arith.mulf %exp3A_108, %slice3A_95 : vector<2048x128xf32>
    %mul3A_110 = vector.broadcast %div3A_16 : vector<2048x1xf32> to vector<2048x128xf32>
    %mul3A_111 = arith.mulf %mul3A_110, %slice3A_96 : vector<2048x128xf32>
    %add3A_112 = arith.addf %mul3A_109, %mul3A_111 : vector<2048x128xf32>
    %get3A_113 = arith.constant 0 : index
    %get3A_114 = arith.constant 0 : index
    %get3A_115 = vector.load %arg15[%get3A_113, %get3A_114] : memref<128x128xf32, #tpu.memory_space<vmem>>, vector<128x128xf32>
    %dot_general3A_116 = arith.constant dense<0.000000e+00> : vector<2048x128xf32>
    %dot_general3A_117 = tpu.matmul %add3A_112, %get3A_115, %dot_general3A_116 {dimension_numbers = #tpu.dot_dimension_numbers<[1], [0], [0], [1], [0, 0, 1, 1], [], []>, transpose_lhs_hint = false} : vector<2048x128xf32>, vector<128x128xf32>, vector<2048x128xf32> -> vector<2048x128xf32>
    %gt3A_118 = arith.constant 0.000000e+00 : f32
    %gt3A_119 = vector.broadcast %gt3A_118 : f32 to vector<2048x128xf32>
    %gt3A_120 = arith.cmpf ogt, %dot_general3A_117, %gt3A_119 : vector<2048x128xf32>
    %min3A_121 = arith.constant 0.000000e+00 : f32
    %min3A_122 = vector.broadcast %min3A_121 : f32 to vector<2048x128xf32>
    %min3A_123 = arith.minimumf %dot_general3A_117, %min3A_122 : vector<2048x128xf32>
    %exp3A_124 = math.exp %min3A_123 : vector<2048x128xf32>
    %sub3A_125 = arith.constant 1.000000e+00 : f32
    %sub3A_126 = vector.broadcast %sub3A_125 : f32 to vector<2048x128xf32>
    %sub3A_127 = arith.subf %exp3A_124, %sub3A_126 : vector<2048x128xf32>
    %mul3A_128 = arith.constant 1.67326319 : f32
    %mul3A_129 = vector.broadcast %mul3A_128 : f32 to vector<2048x128xf32>
    %mul3A_130 = arith.mulf %mul3A_129, %sub3A_127 : vector<2048x128xf32>
    %select_n3A_131 = arith.select %gt3A_120, %dot_general3A_117, %mul3A_130 : vector<2048x128xi1>, vector<2048x128xf32>
    %mul3A_132 = arith.constant 1.05070102 : f32
    %mul3A_133 = vector.broadcast %mul3A_132 : f32 to vector<2048x128xf32>
    %mul3A_134 = arith.mulf %mul3A_133, %select_n3A_131 : vector<2048x128xf32>
    %mul3A_135 = arith.mulf %mul3A_134, %slice3A_97 : vector<2048x128xf32>
    %mul3A_136 = arith.mulf %max3A_26, %max3A_78 : vector<2048x128xf32>
    %get3A_137 = arith.constant 0 : index
    %get3A_138 = arith.constant 0 : index
    %get3A_139 = vector.load %arg17[%get3A_137, %get3A_138] : memref<128x4xf32, #tpu.memory_space<vmem>>, vector<128x4xf32>
    %dot_general3A_140 = arith.constant dense<0.000000e+00> : vector<2048x4xf32>
    %dot_general3A_141 = tpu.matmul %mul3A_136, %get3A_139, %dot_general3A_140 {dimension_numbers = #tpu.dot_dimension_numbers<[1], [0], [0], [1], [0, 0, 1, 1], [], []>, transpose_lhs_hint = false} : vector<2048x128xf32>, vector<128x4xf32>, vector<2048x4xf32> -> vector<2048x4xf32>
    %mul3A_142 = arith.constant 0.176776692 : f32
    %mul3A_143 = vector.broadcast %mul3A_142 : f32 to vector<2048x4xf32>
    %mul3A_144 = arith.mulf %dot_general3A_141, %mul3A_143 : vector<2048x4xf32>
    %exp3A_145 = math.exp %mul3A_144 : vector<2048x4xf32>
    %get3A_146 = arith.constant 0 : index
    %get3A_147 = arith.constant 0 : index
    %get3A_148 = vector.load %arg18[%get3A_146, %get3A_147] : memref<4x128xf32, #tpu.memory_space<vmem>>, vector<4x128xf32>
    %dot_general3A_149 = arith.constant dense<0.000000e+00> : vector<2048x128xf32>
    %dot_general3A_150 = tpu.matmul %exp3A_145, %get3A_148, %dot_general3A_149 {dimension_numbers = #tpu.dot_dimension_numbers<[1], [0], [0], [1], [0, 0, 1, 1], [], []>, transpose_lhs_hint = false} : vector<2048x4xf32>, vector<4x128xf32>, vector<2048x128xf32> -> vector<2048x128xf32>
    %mul3A_151 = arith.mulf %dot_general3A_150, %mul3A_135 : vector<2048x128xf32>
    %mul3A_152 = arith.constant 2048 : i32
    %mul3A_153 = arith.muli %arg0, %mul3A_152 : i32
    %iota3A = tpu.iota {dimensions = array<i32: 0>} : vector<2048x1xi32>
    %add3A_154 = vector.broadcast %mul3A_153 : i32 to vector<2048x1xi32>
    %add3A_155 = arith.addi %add3A_154, %iota3A : vector<2048x1xi32>
    %lt3A = arith.constant 320000 : i32
    %lt3A_156 = vector.broadcast %lt3A : i32 to vector<2048x1xi32>
    %lt3A_157 = arith.cmpi slt, %add3A_155, %lt3A_156 : vector<2048x1xi32>
    %jit3A = arith.constant 1.000000e+00 : f32
    %jit3A_158 = arith.constant 0.000000e+00 : f32
    %broadcast_in_dim3A = vector.broadcast %jit3A : f32 to vector<2048x1xf32>
    %broadcast_in_dim3A_159 = vector.broadcast %jit3A_158 : f32 to vector<2048x1xf32>
    %select_n3A_160 = arith.select %lt3A_157, %broadcast_in_dim3A, %broadcast_in_dim3A_159 : vector<2048x1xi1>, vector<2048x1xf32>
    %get3A_161 = arith.constant 0 : index
    %get3A_162 = arith.constant 0 : index
    %get3A_163 = vector.load %arg4[%get3A_161, %get3A_162] : memref<2048x1xi32, #tpu.memory_space<vmem>>, vector<2048x1xi32>
    %jit3A_164 = arith.constant 32 : i32
    %eq3A = arith.constant 0 : i32
    %eq3A_165 = arith.cmpi eq, %jit3A_164, %eq3A : i32
    %jit3A_166 = arith.constant 1 : i32
    %select_n3A_167 = arith.select %eq3A_165, %jit3A_166, %jit3A_164 : i32
    %rem3A = vector.broadcast %select_n3A_167 : i32 to vector<2048x1xi32>
    %rem3A_168 = arith.remsi %get3A_163, %rem3A : vector<2048x1xi32>
    %ne3A = arith.constant 0 : i32
    %ne3A_169 = vector.broadcast %ne3A : i32 to vector<2048x1xi32>
    %ne3A_170 = arith.cmpi ne, %rem3A_168, %ne3A_169 : vector<2048x1xi32>
    %lt3A_171 = arith.constant 0 : i32
    %lt3A_172 = vector.broadcast %lt3A_171 : i32 to vector<2048x1xi32>
    %lt3A_173 = arith.cmpi slt, %rem3A_168, %lt3A_172 : vector<2048x1xi32>
    %lt3A_174 = arith.constant 0 : i32
    %lt3A_175 = arith.cmpi slt, %select_n3A_167, %lt3A_174 : i32
    %ne3A_176 = vector.broadcast %lt3A_175 : i1 to vector<2048x1xi1>
    %ne3A_177 = vector.broadcast %ne3A_176 : vector<2048x1xi1> to vector<2048x1xi1>
    %ne3A_178 = arith.xori %lt3A_173, %ne3A_177 : vector<2048x1xi1>
    %and3A = arith.andi %ne3A_178, %ne3A_170 : vector<2048x1xi1>
    %add3A_179 = vector.broadcast %select_n3A_167 : i32 to vector<2048x1xi32>
    %add3A_180 = arith.addi %rem3A_168, %add3A_179 : vector<2048x1xi32>
    %select_n3A_181 = arith.select %and3A, %add3A_180, %rem3A_168 : vector<2048x1xi1>, vector<2048x1xi32>
    %iota3A_182 = tpu.iota {dimensions = array<i32: 1>} : vector<2048x32xi32>
    %eq3A_183 = vector.broadcast %select_n3A_181 : vector<2048x1xi32> to vector<2048x32xi32>
    %eq3A_184 = arith.cmpi eq, %eq3A_183, %iota3A_182 : vector<2048x32xi32>
    %jit3A_185 = arith.constant 1.000000e+00 : f32
    %jit3A_186 = arith.constant 0.000000e+00 : f32
    %broadcast_in_dim3A_187 = vector.broadcast %jit3A_185 : f32 to vector<2048x32xf32>
    %broadcast_in_dim3A_188 = vector.broadcast %jit3A_186 : f32 to vector<2048x32xf32>
    %select_n3A_189 = arith.select %eq3A_184, %broadcast_in_dim3A_187, %broadcast_in_dim3A_188 : vector<2048x32xi1>, vector<2048x32xf32>
    %get3A_190 = arith.constant 0 : index
    %get3A_191 = arith.constant 0 : index
    %get3A_192 = vector.load %arg19[%get3A_190, %get3A_191] : memref<32x128xf32, #tpu.memory_space<vmem>>, vector<32x128xf32>
    %dot_general3A_193 = arith.constant dense<0.000000e+00> : vector<2048x128xf32>
    %dot_general3A_194 = tpu.matmul %select_n3A_189, %get3A_192, %dot_general3A_193 {dimension_numbers = #tpu.dot_dimension_numbers<[1], [0], [0], [1], [0, 0, 1, 1], [], []>, transpose_lhs_hint = false} : vector<2048x32xf32>, vector<32x128xf32>, vector<2048x128xf32> -> vector<2048x128xf32>
    %get3A_195 = arith.constant 0 : index
    %get3A_196 = arith.constant 0 : index
    %get3A_197 = vector.load %arg20[%get3A_195, %get3A_196] : memref<4x128xf32, #tpu.memory_space<vmem>>, vector<4x128xf32>
    %dot_general3A_198 = arith.constant dense<0.000000e+00> : vector<2048x128xf32>
    %dot_general3A_199 = tpu.matmul %exp3A_145, %get3A_197, %dot_general3A_198 {dimension_numbers = #tpu.dot_dimension_numbers<[1], [0], [0], [1], [0, 0, 1, 1], [], []>, transpose_lhs_hint = false} : vector<2048x4xf32>, vector<4x128xf32>, vector<2048x128xf32> -> vector<2048x128xf32>
    %mul3A_200 = arith.mulf %dot_general3A_194, %dot_general3A_199 : vector<2048x128xf32>
    %mul3A_201 = vector.broadcast %select_n3A_160 : vector<2048x1xf32> to vector<2048x128xf32>
    %mul3A_202 = arith.mulf %mul3A_151, %mul3A_201 : vector<2048x128xf32>
    %swap3A = arith.constant 0 : index
    %swap3A_203 = arith.constant 0 : index
    %swap3A_204 = vector.load %arg21[%swap3A, %swap3A_203] : memref<2048x128xf32, #tpu.memory_space<vmem>>, vector<2048x128xf32>
    tpu.vector_store %arg21[%swap3A, %swap3A_203], %mul3A_202 {strides = array<i32>} : memref<2048x128xf32, #tpu.memory_space<vmem>>, vector<2048x128xf32>,
    %mul3A_205 = vector.broadcast %select_n3A_160 : vector<2048x1xf32> to vector<2048x128xf32>
    %mul3A_206 = arith.mulf %mul3A_200, %mul3A_205 : vector<2048x128xf32>
    %swap3A_207 = arith.constant 0 : index
    %swap3A_208 = arith.constant 0 : index
    %swap3A_209 = vector.load %arg22[%swap3A_207, %swap3A_208] : memref<2048x128xf32, #tpu.memory_space<vmem>>, vector<2048x128xf32>
    tpu.vector_store %arg22[%swap3A_207, %swap3A_208], %mul3A_206 {strides = array<i32>} : memref<2048x128xf32, #tpu.memory_space<vmem>>, vector<2048x128xf32>,
    return
  }
  func.func @transform_0(%arg0: i32) -> (i32, i32, i32) {
    %c0_i32 = arith.constant 0 : i32
    %c0_i32_0 = arith.constant 0 : i32
    %c0_i32_1 = arith.constant 0 : i32
    return %c0_i32, %arg0, %c0_i32_0 : i32, i32, i32
  }
  func.func @transform_1(%arg0: i32) -> (i32, i32) {
    %c0_i32 = arith.constant 0 : i32
    %c0_i32_0 = arith.constant 0 : i32
    return %arg0, %c0_i32 : i32, i32
  }
  func.func @transform_2(%arg0: i32) -> (i32, i32) {
    %c0_i32 = arith.constant 0 : i32
    %c0_i32_0 = arith.constant 0 : i32
    return %arg0, %c0_i32 : i32, i32
  }
  func.func @transform_3(%arg0: i32) -> (i32, i32) {
    %c0_i32 = arith.constant 0 : i32
    %c0_i32_0 = arith.constant 0 : i32
    return %arg0, %c0_i32 : i32, i32
  }
  func.func @transform_4(%arg0: i32) -> (i32, i32) {
    %c0_i32 = arith.constant 0 : i32
    %c0_i32_0 = arith.constant 0 : i32
    %c0_i32_1 = arith.constant 0 : i32
    return %c0_i32, %c0_i32_0 : i32, i32
  }
  func.func @transform_5(%arg0: i32) -> (i32, i32) {
    %c0_i32 = arith.constant 0 : i32
    %c0_i32_0 = arith.constant 0 : i32
    %c0_i32_1 = arith.constant 0 : i32
    return %c0_i32, %c0_i32_0 : i32, i32
  }
  func.func @transform_6(%arg0: i32) -> (i32, i32) {
    %c0_i32 = arith.constant 0 : i32
    %c0_i32_0 = arith.constant 0 : i32
    %c0_i32_1 = arith.constant 0 : i32
    return %c0_i32, %c0_i32_0 : i32, i32
  }
  func.func @transform_7(%arg0: i32) -> (i32, i32) {
    %c0_i32 = arith.constant 0 : i32
    %c0_i32_0 = arith.constant 0 : i32
    %c0_i32_1 = arith.constant 0 : i32
    return %c0_i32, %c0_i32_0 : i32, i32
  }
  func.func @transform_8(%arg0: i32) -> (i32, i32) {
    %c0_i32 = arith.constant 0 : i32
    %c0_i32_0 = arith.constant 0 : i32
    %c0_i32_1 = arith.constant 0 : i32
    return %c0_i32, %c0_i32_0 : i32, i32
  }
  func.func @transform_9(%arg0: i32) -> (i32, i32) {
    %c0_i32 = arith.constant 0 : i32
    %c0_i32_0 = arith.constant 0 : i32
    %c0_i32_1 = arith.constant 0 : i32
    return %c0_i32, %c0_i32_0 : i32, i32
  }
  func.func @transform_10(%arg0: i32) -> (i32, i32) {
    %c0_i32 = arith.constant 0 : i32
    %c0_i32_0 = arith.constant 0 : i32
    %c0_i32_1 = arith.constant 0 : i32
    return %c0_i32, %c0_i32_0 : i32, i32
  }
  func.func @transform_11(%arg0: i32) -> (i32, i32) {
    %c0_i32 = arith.constant 0 : i32
    %c0_i32_0 = arith.constant 0 : i32
    %c0_i32_1 = arith.constant 0 : i32
    return %c0_i32, %c0_i32_0 : i32, i32
  }
  func.func @transform_12(%arg0: i32) -> (i32, i32) {
    %c0_i32 = arith.constant 0 : i32
    %c0_i32_0 = arith.constant 0 : i32
    %c0_i32_1 = arith.constant 0 : i32
    return %c0_i32, %c0_i32_0 : i32, i32
  }
  func.func @transform_13(%arg0: i32) -> (i32, i32) {
    %c0_i32 = arith.constant 0 : i32
    %c0_i32_0 = arith.constant 0 : i32
    %c0_i32_1 = arith.constant 0 : i32
    return %c0_i32, %c0_i32_0 : i32, i32
  }
  func.func @transform_14(%arg0: i32) -> (i32, i32) {
    %c0_i32 = arith.constant 0 : i32
    %c0_i32_0 = arith.constant 0 : i32
    %c0_i32_1 = arith.constant 0 : i32
    return %c0_i32, %c0_i32_0 : i32, i32
  }
  func.func @transform_15(%arg0: i32) -> (i32, i32) {
    %c0_i32 = arith.constant 0 : i32
    %c0_i32_0 = arith.constant 0 : i32
    %c0_i32_1 = arith.constant 0 : i32
    return %c0_i32, %c0_i32_0 : i32, i32
  }
  func.func @transform_16(%arg0: i32) -> (i32, i32) {
    %c0_i32 = arith.constant 0 : i32
    %c0_i32_0 = arith.constant 0 : i32
    %c0_i32_1 = arith.constant 0 : i32
    return %c0_i32, %c0_i32_0 : i32, i32
  }
  func.func @transform_17(%arg0: i32) -> (i32, i32) {
    %c0_i32 = arith.constant 0 : i32
    %c0_i32_0 = arith.constant 0 : i32
    %c0_i32_1 = arith.constant 0 : i32
    return %c0_i32, %c0_i32_0 : i32, i32
  }
  func.func @transform_18(%arg0: i32) -> (i32, i32) {
    %c0_i32 = arith.constant 0 : i32
    %c0_i32_0 = arith.constant 0 : i32
    %c0_i32_1 = arith.constant 0 : i32
    return %c0_i32, %c0_i32_0 : i32, i32
  }
  func.func @transform_19(%arg0: i32) -> (i32, i32) {
    %c0_i32 = arith.constant 0 : i32
    %c0_i32_0 = arith.constant 0 : i32
    %c0_i32_1 = arith.constant 0 : i32
    return %c0_i32, %c0_i32_0 : i32, i32
  }
  func.func @transform_20(%arg0: i32) -> (i32, i32) {
    %c0_i32 = arith.constant 0 : i32
    %c0_i32_0 = arith.constant 0 : i32
    return %arg0, %c0_i32 : i32, i32
  }
  func.func @transform_21(%arg0: i32) -> (i32, i32) {
    %c0_i32 = arith.constant 0 : i32
    %c0_i32_0 = arith.constant 0 : i32
    return %arg0, %c0_i32 : i32, i32
  }
}

module attributes {stable_mosaic.version = 14 : i64} {
  func.func @_final_body(%arg0: i32, %arg1: memref<2000x128xf32, #tpu.memory_space<vmem>>, %arg2: memref<2x2000x128xf32, #tpu.memory_space<vmem>>, %arg3: memref<2x2000x4xf32, #tpu.memory_space<vmem>>, %arg4: memref<128x128xf32, #tpu.memory_space<vmem>>, %arg5: memref<128x128xf32, #tpu.memory_space<vmem>>, %arg6: memref<1x128xf32, #tpu.memory_space<vmem>>, %arg7: memref<128x128xf32, #tpu.memory_space<vmem>>, %arg8: memref<1x128xf32, #tpu.memory_space<vmem>>, %arg9: memref<4x128xf32, #tpu.memory_space<vmem>>, %arg10: memref<2000x128xf32, #tpu.memory_space<vmem>>) attributes {dimension_semantics = [#tpu.dimension_semantics<arbitrary>], iteration_bounds = array<i64: 5>, scalar_prefetch = 0 : i64, scratch_operands = 0 : i64, tpu.core_type = #tpu.core_type<tc>, window_params = [{transform_indices = @transform_0, window_bounds = array<i64: 2000, 128>}, {transform_indices = @transform_1, window_bounds = array<i64: 2, 2000, 128>}, {transform_indices = @transform_2, window_bounds = array<i64: 2, 2000, 4>}, {pipeline_mode = #tpu.pipeline_mode<synchronous>, transform_indices = @transform_3, window_bounds = array<i64: 128, 128>}, {pipeline_mode = #tpu.pipeline_mode<synchronous>, transform_indices = @transform_4, window_bounds = array<i64: 128, 128>}, {pipeline_mode = #tpu.pipeline_mode<synchronous>, transform_indices = @transform_5, window_bounds = array<i64: 1, 128>}, {pipeline_mode = #tpu.pipeline_mode<synchronous>, transform_indices = @transform_6, window_bounds = array<i64: 128, 128>}, {pipeline_mode = #tpu.pipeline_mode<synchronous>, transform_indices = @transform_7, window_bounds = array<i64: 1, 128>}, {pipeline_mode = #tpu.pipeline_mode<synchronous>, transform_indices = @transform_8, window_bounds = array<i64: 4, 128>}, {transform_indices = @transform_9, window_bounds = array<i64: 2000, 128>}]} {
    %get3A = arith.constant 0 : index
    %get3A_0 = arith.constant 0 : index
    %get3A_1 = vector.load %arg1[%get3A, %get3A_0] : memref<2000x128xf32, #tpu.memory_space<vmem>>, vector<2000x128xf32>
    %get3A_2 = arith.constant 0 : index
    %get3A_3 = arith.constant 0 : index
    %get3A_4 = arith.constant 0 : index
    %get3A_5 = vector.load %arg2[%get3A_2, %get3A_3, %get3A_4] : memref<2x2000x128xf32, #tpu.memory_space<vmem>>, vector<1x2000x128xf32>
    %get3A_6 = vector.shape_cast %get3A_5 : vector<1x2000x128xf32> to vector<2000x128xf32>
    %get3A_7 = arith.constant 1 : index
    %get3A_8 = arith.constant 0 : index
    %get3A_9 = arith.constant 0 : index
    %get3A_10 = vector.load %arg2[%get3A_7, %get3A_8, %get3A_9] : memref<2x2000x128xf32, #tpu.memory_space<vmem>>, vector<1x2000x128xf32>
    %get3A_11 = vector.shape_cast %get3A_10 : vector<1x2000x128xf32> to vector<2000x128xf32>
    %add3A = arith.addf %get3A_6, %get3A_11 : vector<2000x128xf32>
    %get3A_12 = arith.constant 0 : index
    %get3A_13 = arith.constant 0 : index
    %get3A_14 = arith.constant 0 : index
    %get3A_15 = vector.load %arg3[%get3A_12, %get3A_13, %get3A_14] : memref<2x2000x4xf32, #tpu.memory_space<vmem>>, vector<1x2000x4xf32>
    %get3A_16 = vector.shape_cast %get3A_15 : vector<1x2000x4xf32> to vector<2000x4xf32>
    %get3A_17 = arith.constant 1 : index
    %get3A_18 = arith.constant 0 : index
    %get3A_19 = arith.constant 0 : index
    %get3A_20 = vector.load %arg3[%get3A_17, %get3A_18, %get3A_19] : memref<2x2000x4xf32, #tpu.memory_space<vmem>>, vector<1x2000x4xf32>
    %get3A_21 = vector.shape_cast %get3A_20 : vector<1x2000x4xf32> to vector<2000x4xf32>
    %add3A_22 = arith.addf %get3A_16, %get3A_21 : vector<2000x4xf32>
    %add3A_23 = arith.constant 1.000000e-16 : f32
    %add3A_24 = vector.broadcast %add3A_23 : f32 to vector<2000x4xf32>
    %add3A_25 = arith.addf %add3A_22, %add3A_24 : vector<2000x4xf32>
    %div3A = arith.constant 1.000000e+00 : f32
    %div3A_26 = vector.broadcast %div3A : f32 to vector<2000x4xf32>
    %div3A_27 = arith.divf %div3A_26, %add3A_25 : vector<2000x4xf32>
    %get3A_28 = arith.constant 0 : index
    %get3A_29 = arith.constant 0 : index
    %get3A_30 = vector.load %arg9[%get3A_28, %get3A_29] : memref<4x128xf32, #tpu.memory_space<vmem>>, vector<4x128xf32>
    %dot_general3A = arith.constant dense<0.000000e+00> : vector<2000x128xf32>
    %dot_general3A_31 = tpu.matmul %div3A_27, %get3A_30, %dot_general3A {dimension_numbers = #tpu.dot_dimension_numbers<[1], [0], [0], [1], [0, 0, 1, 1], [], []>, transpose_lhs_hint = false} : vector<2000x4xf32>, vector<4x128xf32>, vector<2000x128xf32> -> vector<2000x128xf32>
    %mul3A = arith.mulf %add3A, %dot_general3A_31 : vector<2000x128xf32>
    %get3A_32 = arith.constant 0 : index
    %get3A_33 = arith.constant 0 : index
    %get3A_34 = vector.load %arg4[%get3A_32, %get3A_33] : memref<128x128xf32, #tpu.memory_space<vmem>>, vector<128x128xf32>
    %dot_general3A_35 = arith.constant dense<0.000000e+00> : vector<2000x128xf32>
    %dot_general3A_36 = tpu.matmul %get3A_1, %get3A_34, %dot_general3A_35 {dimension_numbers = #tpu.dot_dimension_numbers<[1], [0], [0], [1], [0, 0, 1, 1], [], []>, transpose_lhs_hint = false} : vector<2000x128xf32>, vector<128x128xf32>, vector<2000x128xf32> -> vector<2000x128xf32>
    %get3A_37 = arith.constant 0 : index
    %get3A_38 = arith.constant 0 : index
    %get3A_39 = vector.load %arg5[%get3A_37, %get3A_38] : memref<128x128xf32, #tpu.memory_space<vmem>>, vector<128x128xf32>
    %dot_general3A_40 = arith.constant dense<0.000000e+00> : vector<2000x128xf32>
    %dot_general3A_41 = tpu.matmul %mul3A, %get3A_39, %dot_general3A_40 {dimension_numbers = #tpu.dot_dimension_numbers<[1], [0], [0], [1], [0, 0, 1, 1], [], []>, transpose_lhs_hint = false} : vector<2000x128xf32>, vector<128x128xf32>, vector<2000x128xf32> -> vector<2000x128xf32>
    %add3A_42 = arith.addf %dot_general3A_36, %dot_general3A_41 : vector<2000x128xf32>
    %get3A_43 = arith.constant 0 : index
    %get3A_44 = arith.constant 0 : index
    %get3A_45 = vector.load %arg6[%get3A_43, %get3A_44] : memref<1x128xf32, #tpu.memory_space<vmem>>, vector<1x128xf32>
    %add3A_46 = vector.broadcast %get3A_45 : vector<1x128xf32> to vector<2000x128xf32>
    %add3A_47 = arith.addf %add3A_42, %add3A_46 : vector<2000x128xf32>
    %max3A = arith.constant 0.000000e+00 : f32
    %max3A_48 = vector.broadcast %max3A : f32 to vector<2000x128xf32>
    %max3A_49 = arith.maximumf %add3A_47, %max3A_48 : vector<2000x128xf32>
    %get3A_50 = arith.constant 0 : index
    %get3A_51 = arith.constant 0 : index
    %get3A_52 = vector.load %arg7[%get3A_50, %get3A_51] : memref<128x128xf32, #tpu.memory_space<vmem>>, vector<128x128xf32>
    %dot_general3A_53 = arith.constant dense<0.000000e+00> : vector<2000x128xf32>
    %dot_general3A_54 = tpu.matmul %max3A_49, %get3A_52, %dot_general3A_53 {dimension_numbers = #tpu.dot_dimension_numbers<[1], [0], [0], [1], [0, 0, 1, 1], [], []>, transpose_lhs_hint = false} : vector<2000x128xf32>, vector<128x128xf32>, vector<2000x128xf32> -> vector<2000x128xf32>
    %get3A_55 = arith.constant 0 : index
    %get3A_56 = arith.constant 0 : index
    %get3A_57 = vector.load %arg8[%get3A_55, %get3A_56] : memref<1x128xf32, #tpu.memory_space<vmem>>, vector<1x128xf32>
    %add3A_58 = vector.broadcast %get3A_57 : vector<1x128xf32> to vector<2000x128xf32>
    %add3A_59 = arith.addf %dot_general3A_54, %add3A_58 : vector<2000x128xf32>
    %add3A_60 = arith.addf %add3A_59, %get3A_1 : vector<2000x128xf32>
    %swap3A = arith.constant 0 : index
    %swap3A_61 = arith.constant 0 : index
    %swap3A_62 = vector.load %arg10[%swap3A, %swap3A_61] : memref<2000x128xf32, #tpu.memory_space<vmem>>, vector<2000x128xf32>
    tpu.vector_store %arg10[%swap3A, %swap3A_61], %add3A_60 {strides = array<i32>} : memref<2000x128xf32, #tpu.memory_space<vmem>>, vector<2000x128xf32>,
    return
  }
  func.func @transform_0(%arg0: i32) -> (i32, i32) {
    %c0_i32 = arith.constant 0 : i32
    %c0_i32_0 = arith.constant 0 : i32
    return %arg0, %c0_i32 : i32, i32
  }
  func.func @transform_1(%arg0: i32) -> (i32, i32, i32) {
    %c0_i32 = arith.constant 0 : i32
    %c0_i32_0 = arith.constant 0 : i32
    %c0_i32_1 = arith.constant 0 : i32
    return %c0_i32, %arg0, %c0_i32_0 : i32, i32, i32
  }
  func.func @transform_2(%arg0: i32) -> (i32, i32, i32) {
    %c0_i32 = arith.constant 0 : i32
    %c0_i32_0 = arith.constant 0 : i32
    %c0_i32_1 = arith.constant 0 : i32
    return %c0_i32, %arg0, %c0_i32_0 : i32, i32, i32
  }
  func.func @transform_3(%arg0: i32) -> (i32, i32) {
    %c0_i32 = arith.constant 0 : i32
    %c0_i32_0 = arith.constant 0 : i32
    %c0_i32_1 = arith.constant 0 : i32
    return %c0_i32, %c0_i32_0 : i32, i32
  }
  func.func @transform_4(%arg0: i32) -> (i32, i32) {
    %c0_i32 = arith.constant 0 : i32
    %c0_i32_0 = arith.constant 0 : i32
    %c0_i32_1 = arith.constant 0 : i32
    return %c0_i32, %c0_i32_0 : i32, i32
  }
  func.func @transform_5(%arg0: i32) -> (i32, i32) {
    %c0_i32 = arith.constant 0 : i32
    %c0_i32_0 = arith.constant 0 : i32
    %c0_i32_1 = arith.constant 0 : i32
    return %c0_i32, %c0_i32_0 : i32, i32
  }
  func.func @transform_6(%arg0: i32) -> (i32, i32) {
    %c0_i32 = arith.constant 0 : i32
    %c0_i32_0 = arith.constant 0 : i32
    %c0_i32_1 = arith.constant 0 : i32
    return %c0_i32, %c0_i32_0 : i32, i32
  }
  func.func @transform_7(%arg0: i32) -> (i32, i32) {
    %c0_i32 = arith.constant 0 : i32
    %c0_i32_0 = arith.constant 0 : i32
    %c0_i32_1 = arith.constant 0 : i32
    return %c0_i32, %c0_i32_0 : i32, i32
  }
  func.func @transform_8(%arg0: i32) -> (i32, i32) {
    %c0_i32 = arith.constant 0 : i32
    %c0_i32_0 = arith.constant 0 : i32
    %c0_i32_1 = arith.constant 0 : i32
    return %c0_i32, %c0_i32_0 : i32, i32
  }
  func.func @transform_9(%arg0: i32) -> (i32, i32) {
    %c0_i32 = arith.constant 0 : i32
    %c0_i32_0 = arith.constant 0 : i32
    return %arg0, %c0_i32 : i32, i32
  }
}

</mosaic_0001>

<sc_bundles>
// kernel: kernel.6.cloned.1.call-start
scs
__scs_entry_jumppad:
0x0: {  	(pc) =	sbr.rel $0x88, $3  }
0x1: {  	(tag) =	ssettag $0x0;
	lr =	simm.s32 $0x1  }
0x2: {  	[smem:$0x3F89] =	sst lr;
	_ =	strace $0xD0000000  }
0x3: {  	_ = 	snop  }
0x4: {  	_ = 	snop  }
0x5: {  	_ = 	snop  }
0x6: {  	_ = 	snop  }
0x7: {  	_ = 	snop  }
__scs_overlays_trampoline_lowered:
0x8: {  	[smem:$0x3F98] =	sst s0  }
0x9: {  	[smem:$0x3F99] =	sst s1  }
0xa: {  	[smem:$0x3F9A] =	sst s2  }
0xb: {  	[smem:$0x3F9B] =	sst s3  }
0xc: {  	[smem:$0x3F9C] =	sst s4  }
0xd: {  	[smem:$0x3F9D] =	sst s5  }
0xe: {  	[smem:$0x3F9E] =	sst s6  }
0xf: {  	[smem:$0x3F9F] =	sst s7  }
0x10: {  	[smem:$0x3FA0] =	sst s8  }
0x11: {  	[smem:$0x3FA1] =	sst s9;
	s0 =	simm.s32 @!p0 $0x0  }
0x12: {  	s1 =	sld [smem:$0x3F87];
	s0 =	simm.s32 @p0 $0x1  }
0x13: {  	[smem:$0x3FA2] =	sst s0;
	s0 =	simm.s32 @!p1 $0x0  }
0x14: {  	s2 =	sld [smem:$0x3F86];
	s0 =	simm.s32 @p1 $0x1  }
0x15: {  	[smem:$0x3FA3] =	sst s0;
	s0 =	simm.s32 @!p2 $0x0  }
0x16: {  	s3 =	sld [smem:$0x3FDB];
	s0 =	simm.s32 @p2 $0x1  }
0x17: {  	s4 =	simm.s32 $0x1BF5;
	[smem:$0x3FA5] =	sst s0  }
0x18: {  	s0 =	sld [smem:$0x3F88];
	_ =	swait.ge [sflag:s4], $0x0  }
0x19: {  	s7 =	sld [smem:$0x3F89]  }
0x1a: {  	s8 =	sadd.s32 $0xFFFFE003, lr  }
0x1b: {  	s9 =	sadd.s32 $0xFFFFFEF7, lr;
	s5 =	simm.s32 $0xFFFFFFFF;
	p2 =	slt.u32 s8, $0xFFFFF086  }
0x1c: {  	p1 =	slt.u32 s9, $0xF7A;
	s5 =	simm.s32 @!p2 $0x0  }
0x1d: {  	s5 =	simm.s32 @p1 $0x1;
	p0 =	seq.s32 s7, s2  }
0x1e: {  	s7 =	smul.u32 @!p0 $0xF7A, s2;
	p2 =	seq.s32 @!p0 s5, $0x0  }
0x1f: {  	s9 =	smul.u32 $0xF7A, s1;
	s8 =	simm.s32 @!p0 $0x1BF5;
	p2 =	por !p2, p0  }
0x20: {  	[sflag:s8] =	ssyncset.s32 @!p0 $0xFFFFF086;
	s6 =	sadd.s32 @!p0 s3, s7;
	s7 =	simm.s32 @!p0 $0x108  }
0x21: {  	s3 =	sadd.s32 s3, s9;
	s6 =	sadd.s32 @!p0 $0x88, s6;
	s7 =	simm.s32 @p2 $0x1082  }
0x22: {  	[simem:s7], [sflag:s8] =	dma.local @!p0 [hbm:s6], $0xF7A  }
0x23: {  	s9 =	sor.u32 $0xD0000000, s2;
	s6 =	simm.s32 $0x108;
	_ =	swait.ge @!p0 [sflag:s8], $0x0  }
0x24: {  	s3 =	sadd.s32 $0x88, s3;
	s6 =	simm.s32 @!p1 $0x1082;
	[sflag:s4] =	ssyncset.s32 $0xFFFFF086  }
0x25: {  	[simem:s6], [sflag:s4] =	dma.local [hbm:s3], $0xF7A  }
0x26: {  	[smem:$0x3F89] =	sst s1;
	(tag) =	ssettag s2;
	_ =	strace s9  }
0x27: {  	s1 =	sld [smem:$0x3F99]  }
0x28: {  	s2 =	sld [smem:$0x3F9A]  }
0x29: {  	s4 =	sld [smem:$0x3F9C]  }
0x2a: {  	p0 =	seq.s32 s5, $0x0;
	s5 =	sld [smem:$0x3F9D]  }
0x2b: {  	s6 =	sld [smem:$0x3F9E]  }
0x2c: {  	s7 =	sld [smem:$0x3F9F]  }
0x2d: {  	s3 =	simm.s32 $0x108;
	s8 =	sld [smem:$0x3FA0]  }
0x2e: {  	s3 =	simm.s32 @!p0 $0x1082;
	s9 =	sld [smem:$0x3FA1]  }
0x2f: {  	lr =	sadd.s32 s0, s3;
	s0 =	sld [smem:$0x3F98]  }
0x30: {  	s3 =	sld [smem:$0x3F9B]  }
0x31: {  	[smem:$0x3FA4] =	sst s10  }
0x32: {  	s10 =	sld [smem:$0x3FA2];
	_ =	sdelay $0x3  }
0x33: {  	p0 =	seq.s32 s10, $0x1;
	s10 =	sld [smem:$0x3FA4];
	_ =	sdelay $0x3  }
0x34: {  	[smem:$0x3FA4] =	sst s10  }
0x35: {  	s10 =	sld [smem:$0x3FA3];
	_ =	sdelay $0x3  }
0x36: {  	p1 =	seq.s32 s10, $0x1;
	s10 =	sld [smem:$0x3FA4];
	_ =	sdelay $0x3  }
0x37: {  	[smem:$0x3FA4] =	sst s10  }
0x38: {  	s10 =	sld [smem:$0x3FA5]  }
0x39: {  	_ = 	snop;
	(pc) =	sbr.ind lr, $3  }
0x3a: {  	_ = 	snop  }
0x3b: {  	_ = 	snop  }
0x3c: {  	p2 =	seq.s32 s10, $0x1;
	s10 =	sld [smem:$0x3FA4]  }
0x3d: {  	_ =	shalt  }
0x3e: {  	_ =	shalt  }
0x3f: {  	_ =	shalt  }
0x40: {  	_ =	shalt  }
0x41: {  	_ =	shalt  }
0x42: {  	_ =	shalt  }
0x43: {  	_ =	shalt  }
0x44: {  	_ =	shalt  }
0x45: {  	_ =	shalt  }
0x46: {  	_ =	shalt  }
0x47: {  	_ =	shalt  }
0x48: {  	_ =	shalt  }
0x49: {  	_ =	shalt  }
0x4a: {  	_ =	shalt  }
0x4b: {  	_ =	shalt  }
0x4c: {  	_ =	shalt  }
0x4d: {  	_ =	shalt  }
0x4e: {  	_ =	shalt  }
0x4f: {  	_ =	shalt  }
0x50: {  	_ =	shalt  }
0x51: {  	_ =	shalt  }
0x52: {  	_ =	shalt  }
0x53: {  	_ =	shalt  }
0x54: {  	_ =	shalt  }
0x55: {  	_ =	shalt  }
0x56: {  	_ =	shalt  }
0x57: {  	_ =	shalt  }
0x58: {  	_ =	shalt  }
0x59: {  	_ =	shalt  }
0x5a: {  	_ =	shalt  }
0x5b: {  	_ =	shalt  }
0x5c: {  	_ =	shalt  }
0x5d: {  	_ =	shalt  }
0x5e: {  	_ =	shalt  }
0x5f: {  	_ =	shalt  }
0x60: {  	_ =	shalt  }
0x61: {  	_ =	shalt  }
0x62: {  	_ =	shalt  }
0x63: {  	_ =	shalt  }
0x64: {  	_ =	shalt  }
0x65: {  	_ =	shalt  }
0x66: {  	_ =	shalt  }
0x67: {  	_ =	shalt  }
0x68: {  	_ =	shalt  }
0x69: {  	_ =	shalt  }
0x6a: {  	_ =	shalt  }
0x6b: {  	_ =	shalt  }
0x6c: {  	_ =	shalt  }
0x6d: {  	_ =	shalt  }
0x6e: {  	_ =	shalt  }
0x6f: {  	_ =	shalt  }
0x70: {  	_ =	shalt  }
0x71: {  	_ =	shalt  }
0x72: {  	_ =	shalt  }
0x73: {  	_ =	shalt  }
0x74: {  	_ =	shalt  }
0x75: {  	_ =	shalt  }
0x76: {  	_ =	shalt  }
0x77: {  	_ =	shalt  }
0x78: {  	_ =	shalt  }
0x79: {  	_ =	shalt  }
0x7a: {  	_ =	shalt  }
0x7b: {  	_ =	shalt  }
0x7c: {  	_ =	shalt  }
0x7d: {  	_ =	shalt  }
0x7e: {  	_ =	shalt  }
0x7f: {  	_ =	shalt  }
0x80: {  	_ =	shalt  }
0x81: {  	_ =	shalt  }
0x82: {  	_ =	shalt  }
0x83: {  	_ =	shalt  }
0x84: {  	_ =	shalt  }
0x85: {  	_ =	shalt  }
0x86: {  	_ =	shalt  }
0x87: {  	_ =	shalt  }
.Lfunc_end0:
.L_simem_size_0:
called_computation_lowered:
.L_overlay_start_0:
0x88: {  	s2 =	sld [smem:$0x3FD9]  }
0x89: {  	s3 =	sld [smem:$0x3FFE];
	_ =	sdelay $0x1  }
0x8a: {  	s1 =	srdreg.scid  }
0x8b: {  	s0 =	sand.u32 $0x1, s1  }
0x8c: {  	s17 =	sshll.u32 s0, $0xA;
	s2 =	sadd.s32 s3, s2  }
0x8d: {  	s2 =	sadd.s32 s2, s17  }
0x8e: {  	[smem:$0x3FB0] =	sst s2  }
0x8f: {  	_ = 	snop  }
0x90: {  	s2 =	sld [smem:$0x3FC9];
	(tm) =	ssettm $0x1  }
0x91: {  	s18 =	sld [smem:$0x3FFB];
	_ =	sdelay $0x3  }
0x92: {  	_ =	strace s18  }
0x93: {  	s3 =	sld [smem:$0x3FFC];
	_ =	sdelay $0x3  }
0x94: {  	_ =	strace s3  }
0x95: {  	s3 =	sld [smem:$0x3FFD];
	_ =	sdelay $0x3  }
0x96: {  	_ =	strace s3  }
0x97: {  	_ =	strace $0x8FFFFFFF  }
0x98: {  	s19 =	sld [smem:$0x3FDB];
	_ =	sdelay $0x1  }
0x99: {  	s4 =	simm.s32 $_scs_section_size  }
0x9a: {  	s5 =	simm.s32 $_size__tile_overlayer_lowered;
	s6 =	simm.s32 $_tile_overlayer_lowered  }
0x9b: {  	s22 =	simm.s32 $0x1BFF;
	s21 =	sshll.u32 s6, $0x1;
	s3 =	sadd.s32 s4, s19  }
0x9c: {  	s7 =	simm.s32 $0x0;
	s20 =	sshll.u32 s5, $0x1;
	s5 =	sadd.s32 s21, s3  }
0x9d: {  	[timem:s7], [sflag:s22] =	dma.local [hbm:s5], s20  }
0x9e: {  	_ =	swait.ge [sflag:s22], s20  }
0x9f: {  	s4 =	ssub.s32 $0x0, s20;
	[sflag:s22] =	ssyncset.done $0x0  }
0xa0: {  	[sflag:s22] =	ssyncadd.s32 s4;
	_ =	sdelay $0x1  }
0xa1: {  	s23 =	simm.s32 $0x1B8B  }
0xa2: {  	_ =	swait.ge [sflag:s23], $0x1  }
0xa3: {  	[sflag:s23] =	ssyncset.done $0x0  }
0xa4: {  	s25 =	simm.s32 $0x1B8E;
	s24 =	sld [smem:$0x3FFE];
	[sflag:s23] =	ssyncadd.s32 $0xFFFFFFFF  }
0xa5: {  	s26 =	simm.s32 $execute0_lowered;
	[smem:$0x3FD2] =	sst s25  }
0xa6: {  	s5 =	sshll.u32 s26, $0x1;
	_ =	strace $0x80000046;
	[dreg:$0x1] =	wrdreg $0xFFFFFFFF  }
0xa7: {  	s28 =	simm.s32 $_size_execute0_lowered;
	s3 =	sadd.s32 s3, s5;
	[dreg:$0x0] =	wrdreg $0x0  }
0xa8: {  	s5 =	sshll.u32 s28, $0x1;
	[dreg:$0x2] =	wrdreg s3  }
0xa9: {  	[dreg:$0x3] =	wrdreg s5  }
0xaa: {  	[dreg:$0x4] =	wrdreg $0xC0  }
0xab: {  	_ =	task [dreg:s7], $0x5FFFF  }
0xac: {  	[dreg:$0x1] =	wrdreg $0xFFFFFFFF  }
0xad: {  	[dreg:$0x0] =	wrdreg $0x60  }
0xae: {  	[dreg:$0x2] =	wrdreg s2  }
0xaf: {  	[dreg:$0x3] =	wrdreg s24  }
0xb0: {  	[dreg:$0x4] =	wrdreg $0x9  }
0xb1: {  	_ =	task.clear_ibuf [dreg:s7], $0x5FFFF;
	_ =	strace $0x90000046  }
0xb2: {  	s29 =	simm.s32 $0x9;
	_ =	strace $0x80000048  }
0xb3: {  	_ =	swait.ge [sflag:s29], $0x1  }
0xb4: {  	[sflag:s29] =	ssyncadd.s32 $0xFFFFFFFF  }
0xb5: {  	_ =	strace $0x90000048  }
0xb6: {  	_ =	sfence  }
0xb7: {  	s30 =	sld [smem:$0x0];
	_ =	sdelay $0x2  }
0xb8: {  	s31 =	sshll.u32 s1, $0xD;
	s1 =	sshrl.u32 s1, $0x2  }
0xb9: {  	s3 =	sand.u32 $0x4000, s31;
	s1 =	sadd.s32 s1, s30  }
0xba: {  	s0 =	sor.u32 s3, s0;
	s1 =	sshll.u32 s1, $0x11  }
0xbb: {  	s0 =	sor.u32 s1, s0  }
0xbc: {  	s0 =	sadd.s32 $0x8F2B, s0  }
0xbd: {  	[sflag:s0] =	ssyncadd.remote.s32 $0x1  }
0xbe: {  	_ =	sfence.sel $0xFFFF  }
0xbf: {  	[dreg:$0x0] =	wrdreg $0xFFFFFFFF;
	(pc) =	sbr.abs _section_cstart, $3  }
0xc0: {  	[dreg:$0x1] =	wrdreg $0xFFFFFFFF  }
0xc1: {  	_ =	task.clear_ibuf [dreg:s7], $0x2FFFF;
	_ =	strace $0x9FFFFFFF  }
0xc2: {  	(tm) =	ssettm $0x7FFFFFFF  }
0xc3: {  	_ =	shalt  }
tec
execute0_lowered:
.L_overlay_start_1:
0x0: {  	(tag) =	ssettag $0x1  }
0x1: {  	s2 =	rddreg [dreg:$0x0]  }
0x2: {  	s4 =	rddreg [dreg:$0x1]  }
0x3: {  	s0 =	rddreg [dreg:$0x2]  }
0x4: {  	s1 =	stileid.u32;
	s5 =	srdreg.scid  }
0x5: {  	s3 =	simm.s32 $0x0;
	s12 =	simm.s32 $0x0;
	s6 =	smul.u32 $0x4F000, s1  }
0x6: {  	s5 =	sand.u32 $0x1, s5;
	[smem:$0x7FF] =	sst s3;
	s8 =	smul.u32 $0x4F00, s1  }
0x7: {  	s11 =	sadd.s32 $0x1C800, s4;
	s7 =	ssub.s32 $0x2, s5;
	s10 =	smul.u32 $0x2780, s5  }
0x8: {  	_ =	strace $0x80000047;
	s5 =	smul.u32 $0x27800, s5;
	s9 =	sshrl.u32 s7, $0x1  }
0x9: {  	s6 =	sadd.s32 s6, s4;
	s7 =	ssub.s32 s7, s9;
	s28 =	sadd.s32 s10, s8  }
0xa: {  	s29 =	sadd.s32 s5, s6;
	s9 =	simm.s32 $0x2;
	s10 =	simm.s32 $0x80  }
0xb: {  	s4 =	smax.u32 s7, $0x1;
	s30 =	sshrl.u32 s28, $0x3;
	s7 =	sadd.s32 $0x4F000, s28  }
0xc: {  	s5 =	sadd.s32 $0x30400, s29;
	s6 =	sadd.s32 s30, s11;
	s31 =	sshrl.u32 s7, $0x3  }
0xd: {  	s7 =	sadd.s32 $0x520400, s29;
	s8 =	sadd.s32 s31, s11;
	s11 =	simm.s32 $0x1  }
.LBB2_1:
0xe: {  	s13 =	sadd.s32 $0x0, s6  }
0xf: {  	[tilespmem:s3], [sflag:$0x2] =	stream.linear.gather [hbm4b:s13+s3], $0x80, $0x38;
	[tilespmem:$0x4080] =	vst v63  }
0x10: {  	_ =	swait.ge [sflag:s9], $0x80  }
0x11: {  	[sflag:s9] =	ssyncset.done $0x0  }
0x12: {  	[sflag:s9] =	ssyncadd.s32 $0xFFFFFF80  }
0x13: {  	[tilespmem:s10], [sflag:$0x1] =	stream.indirect.gather [hbm4b:s2+s10], $0x80, s3, s10, $0xb8;
	[tilespmem:$0x4080] =	vst v63  }
0x14: {  	_ =	swait.ge [sflag:s11], $0x4000  }
0x15: {  	[sflag:s11] =	ssyncset.done $0x0  }
0x16: {  	[sflag:s11] =	ssyncadd.s32 $0xFFFFC000  }
0x17: {  	[hbm4b:s5+s3] =	stream.linear.scatter [tilespmem:s10], [sflag:$0x2], $0x4000, $0x38;
	[tilespmem:$0x4080] =	vst v63  }
0x18: {  	s16 =	sadd.s32 $0x10, s6;
	_ =	swait.ge [sflag:s9], $0x4000  }
0x19: {  	s14 =	simm.s32 $0x20;
	s13 =	sadd.s32 $0x800, s5;
	[sflag:s9] =	ssyncset.done $0x0  }
.LBB2_2:
0x1a: {  	s17 =	sadd.s32 s14, s6;
	s15 =	simm.s32 $0x0;
	[sflag:s9] =	ssyncadd.s32 $0xFFFFC000  }
0x1b: {  	[tilespmem:s15], [sflag:$0x2] =	stream.linear.gather [hbm4b:s16+s15], $0x80, $0x38;
	[tilespmem:$0x4080] =	vst v63  }
0x1c: {  	p0 =	sne.s32 s14, $0x4E0;
	s14 =	sadd.s32 $0x10, s14;
	_ =	swait.ge [sflag:s9], $0x80  }
0x1d: {  	s16 =	smov.u32 s17;
	[sflag:s9] =	ssyncset.done $0x0  }
0x1e: {  	[sflag:s9] =	ssyncadd.s32 $0xFFFFFF80  }
0x1f: {  	[tilespmem:s10], [sflag:$0x1] =	stream.indirect.gather [hbm4b:s2+s10], $0x80, s15, s10, $0xb8;
	[tilespmem:$0x4080] =	vst v63  }
0x20: {  	_ =	swait.ge [sflag:s11], $0x4000  }
.Ltmp0:
0x21: {  	[sflag:s11] =	ssyncset.done $0x0;
	(pc) =	sbr.rel @p0 .LBB2_2-.Ltmp0, $4  }
0x22: {  	[sflag:s11] =	ssyncadd.s32 $0xFFFFC000  }
0x23: {  	[hbm4b:s13+s15] =	stream.linear.scatter [tilespmem:s10], [sflag:$0x2], $0x4000, $0x38;
	[tilespmem:$0x4080] =	vst v63  }
0x24: {  	_ =	swait.ge [sflag:s9], $0x4000  }
0x25: {  	s13 =	sadd.s32 $0x800, s13;
	[sflag:s9] =	ssyncset.done $0x0  }
0x26: {  	[sflag:s9] =	ssyncadd.s32 $0xFFFFC000  }
0x27: {  	[tilespmem:s15], [sflag:$0x2] =	stream.linear.gather [hbm4b:s16+s15], $0x80, $0x38;
	[tilespmem:$0x4080] =	vst v63  }
0x28: {  	_ =	swait.ge [sflag:s9], $0x80  }
0x29: {  	[sflag:s9] =	ssyncset.done $0x0  }
0x2a: {  	[sflag:s9] =	ssyncadd.s32 $0xFFFFFF80  }
0x2b: {  	[tilespmem:s10], [sflag:$0x1] =	stream.indirect.gather [hbm4b:s2+s10], $0x80, s15, s10, $0xb8;
	[tilespmem:$0x4080] =	vst v63  }
0x2c: {  	_ =	swait.ge [sflag:s11], $0x4000  }
0x2d: {  	p1 =	por $0x1, $0x1;
	[sflag:s11] =	ssyncset.done $0x0  }
.Ltmp1:
0x2e: {  	[sflag:s11] =	ssyncadd.s32 $0xFFFFC000;
	(pc) =	sbr.rel @!p1 .LBB2_8-.Ltmp1, $4  }
0x2f: {  	[hbm4b:s13+s15] =	stream.linear.scatter [tilespmem:s10], [sflag:$0x2], $0x4000, $0x38;
	[tilespmem:$0x4080] =	vst v63  }
0x30: {  	_ =	swait.ge [sflag:s9], $0x4000  }
0x31: {  	p0 =	por $0x0, $0x0;
	[sflag:s9] =	ssyncset.done $0x0  }
0x32: {  	s14 =	smov.u32 s7;
	s13 =	simm.s32 $0x10;
	[sflag:s9] =	ssyncadd.s32 $0xFFFFC000  }
0x33: {  	s14 =	sadd.s32 $0x0, s8  }
0x34: {  	[tilespmem:s3], [sflag:$0x2] =	stream.linear.gather [hbm4b:s14+s3], $0x80, $0x38;
	[tilespmem:$0x4080] =	vst v63  }
0x35: {  	_ =	swait.ge [sflag:s9], $0x80  }
0x36: {  	[sflag:s9] =	ssyncset.done $0x0  }
0x37: {  	[sflag:s9] =	ssyncadd.s32 $0xFFFFFF80  }
0x38: {  	[tilespmem:s10], [sflag:$0x1] =	stream.indirect.gather [hbm4b:s2+s10], $0x80, s3, s10, $0xb8;
	[tilespmem:$0x4080] =	vst v63  }
0x39: {  	p1 =	por $0x1, $0x1;
	_ =	swait.ge [sflag:s11], $0x4000  }
.Ltmp2:
0x3a: {  	[sflag:s11] =	ssyncset.done $0x0;
	(pc) =	sbr.rel @!p1 .LBB2_5-.Ltmp2, $4  }
0x3b: {  	[sflag:s11] =	ssyncadd.s32 $0xFFFFC000  }
0x3c: {  	[hbm4b:s7+s3] =	stream.linear.scatter [tilespmem:s10], [sflag:$0x2], $0x4000, $0x38;
	[tilespmem:$0x4080] =	vst v63  }
0x3d: {  	s15 =	simm.s32 $0x20;
	_ =	swait.ge [sflag:s9], $0x4000  }
0x3e: {  	p0 =	por $0x1, $0x1;
	s14 =	sadd.s32 $0x800, s7;
	[sflag:s9] =	ssyncset.done $0x0  }
.LBB2_6:
0x3f: {  	s16 =	sadd.s32 s13, s8  }
0x40: {  	[sflag:s9] =	ssyncadd.s32 $0xFFFFC000;
	s13 =	smov.u32 s15;
	s17 =	sadd.s32 $0x10, s15  }
0x41: {  	[tilespmem:s3], [sflag:$0x2] =	stream.linear.gather [hbm4b:s16+s3], $0x80, $0x38;
	[tilespmem:$0x4080] =	vst v63  }
0x42: {  	p1 =	sne.s32 s15, $0x4E0;
	_ =	swait.ge [sflag:s9], $0x80  }
0x43: {  	[sflag:s9] =	ssyncset.done $0x0  }
0x44: {  	[sflag:s9] =	ssyncadd.s32 $0xFFFFFF80  }
0x45: {  	[tilespmem:s10], [sflag:$0x1] =	stream.indirect.gather [hbm4b:s2+s10], $0x80, s3, s10, $0xb8;
	[tilespmem:$0x4080] =	vst v63  }
0x46: {  	_ =	swait.ge [sflag:s11], $0x4000  }
.Ltmp3:
0x47: {  	[sflag:s11] =	ssyncset.done $0x0;
	(pc) =	sbr.rel @p1 .LBB2_6-.Ltmp3, $4  }
0x48: {  	[sflag:s11] =	ssyncadd.s32 $0xFFFFC000  }
0x49: {  	[hbm4b:s14+s3] =	stream.linear.scatter [tilespmem:s10], [sflag:$0x2], $0x4000, $0x38;
	[tilespmem:$0x4080] =	vst v63  }
0x4a: {  	_ =	swait.ge [sflag:s9], $0x4000  }
0x4b: {  	s15 =	smov.u32 s17;
	s14 =	sadd.s32 $0x800, s14;
	[sflag:s9] =	ssyncset.done $0x0  }
0x4c: {  	s15 =	smov.u32 s13  }
.LBB2_8:
0x4d: {  	s13 =	sadd.s32 s15, s8;
	[sflag:s9] =	ssyncadd.s32 @p0 $0xFFFFC000  }
0x4e: {  	[tilespmem:s3], [sflag:$0x2] =	stream.linear.gather [hbm4b:s13+s3], $0x80, $0x38;
	[tilespmem:$0x4080] =	vst v63  }
0x4f: {  	_ =	swait.ge [sflag:s9], $0x80  }
0x50: {  	[sflag:s9] =	ssyncset.done $0x0  }
0x51: {  	[sflag:s9] =	ssyncadd.s32 $0xFFFFFF80  }
0x52: {  	[tilespmem:s10], [sflag:$0x1] =	stream.indirect.gather [hbm4b:s2+s10], $0x80, s3, s10, $0xb8;
	[tilespmem:$0x4080] =	vst v63  }
0x53: {  	_ =	swait.ge [sflag:s11], $0x4000  }
0x54: {  	s12 =	sadd.s32 $0x1, s12;
	[sflag:s11] =	ssyncset.done $0x0  }
0x55: {  	p0 =	sne.s32 s12, s4;
	[sflag:s11] =	ssyncadd.s32 $0xFFFFC000  }
0x56: {  	[hbm4b:s14+s3] =	stream.linear.scatter [tilespmem:s10], [sflag:$0x2], $0x4000, $0x38;
	[tilespmem:$0x4080] =	vst v63  }
.Ltmp4:
0x57: {  	_ = 	snop;
	(pc) =	sbr.rel @p0 .LBB2_1-.Ltmp4, $4  }
.Ltmp5:
0x58: {  	_ = 	snop;
	(pc) =	sbr.rel @!p0 .LBB2_9-.Ltmp5, $4  }
0x59: {  	_ =	swait.ge [sflag:s9], $0x4000  }
0x5a: {  	[sflag:s9] =	ssyncset.done $0x0  }
0x5b: {  	[sflag:s9] =	ssyncadd.s32 $0xFFFFC000  }
0x5c: {  	_ = 	snop  }
.LBB2_5:
.Ltmp6:
0x5d: {  	(pc) =	sbr.rel .LBB2_8-.Ltmp6, $2  }
0x5e: {  	_ =	sdelay $0x2  }
0x5f: {  	s15 =	simm.s32 $0x10  }
.LBB2_9:
0x60: {  	_ =	sfence.sel $0x180000  }
0x61: {  	[bflag:$0x0] =	sbarrier.arrive $0xFFFF  }
0x62: {  	p0 =	sne.s32 s1, $0x0;
	_ =	strace $0x90000047  }
0x63: {  	s0 =	sadd.s32 @!p0 $0x100000, s0;
	[bflag:$0x2] =	sbarrier.arrive $0xFFFF  }
0x64: {  	[sflag:s0] =	ssyncadd.tile.s32 @!p0 $0x1;
	_ =	shalt  }
.Lfunc_end2:
_tile_overlayer_lowered:
.L_overlay_start_2:
0x65: {  	(tag) =	ssettag $0x2  }
0x66: {  	s0 =	rddreg [dreg:$0x0];
	s2 =	stileid.u32  }
0x67: {  	s1 =	rddreg [dreg:$0x1];
	p0 =	sne.s32 s2, $0x0  }
0x68: {  	s3 =	rddreg [dreg:$0x2];
	[bflag:$0x3] =	sbarrier.arrive $0xFFFF;
	s2 =	simm.s32 @!p0 $0x1C02  }
0x69: {  	[timem:s3], [sflag:s2] =	dma.local @!p0 [hbm:s0], s1  }
0x6a: {  	s0 =	simm.s32 @!p0 $0x2  }
0x6b: {  	_ =	swait.ge @!p0 [sflag:s0], s1  }
0x6c: {  	s1 =	ssub.s32 @!p0 $0x0, s1;
	[sflag:s0] =	ssyncset.done @!p0 $0x0  }
0x6d: {  	[sflag:s0] =	ssyncadd.s32 @!p0 s1  }
0x6e: {  	[bflag:$0x3] =	sbarrier.arrive $0xFFFF  }
0x6f: {  	_ =	shalt  }

// kernel: kernel.9.cloned.1.call-start
scs
__scs_entry_jumppad:
0x0: {  	(pc) =	sbr.rel $0x88, $3  }
0x1: {  	(tag) =	ssettag $0x0;
	lr =	simm.s32 $0x1  }
0x2: {  	[smem:$0x3F89] =	sst lr;
	_ =	strace $0xD0000000  }
0x3: {  	_ = 	snop  }
0x4: {  	_ = 	snop  }
0x5: {  	_ = 	snop  }
0x6: {  	_ = 	snop  }
0x7: {  	_ = 	snop  }
__scs_overlays_trampoline_lowered:
0x8: {  	[smem:$0x3F98] =	sst s0  }
0x9: {  	[smem:$0x3F99] =	sst s1  }
0xa: {  	[smem:$0x3F9A] =	sst s2  }
0xb: {  	[smem:$0x3F9B] =	sst s3  }
0xc: {  	[smem:$0x3F9C] =	sst s4  }
0xd: {  	[smem:$0x3F9D] =	sst s5  }
0xe: {  	[smem:$0x3F9E] =	sst s6  }
0xf: {  	[smem:$0x3F9F] =	sst s7  }
0x10: {  	[smem:$0x3FA0] =	sst s8  }
0x11: {  	[smem:$0x3FA1] =	sst s9;
	s0 =	simm.s32 @!p0 $0x0  }
0x12: {  	s1 =	sld [smem:$0x3F87];
	s0 =	simm.s32 @p0 $0x1  }
0x13: {  	[smem:$0x3FA2] =	sst s0;
	s0 =	simm.s32 @!p1 $0x0  }
0x14: {  	s2 =	sld [smem:$0x3F86];
	s0 =	simm.s32 @p1 $0x1  }
0x15: {  	[smem:$0x3FA3] =	sst s0;
	s0 =	simm.s32 @!p2 $0x0  }
0x16: {  	s3 =	sld [smem:$0x3FDB];
	s0 =	simm.s32 @p2 $0x1  }
0x17: {  	s4 =	simm.s32 $0x1BF5;
	[smem:$0x3FA5] =	sst s0  }
0x18: {  	s0 =	sld [smem:$0x3F88];
	_ =	swait.ge [sflag:s4], $0x0  }
0x19: {  	s7 =	sld [smem:$0x3F89]  }
0x1a: {  	s8 =	sadd.s32 $0xFFFFE003, lr  }
0x1b: {  	s9 =	sadd.s32 $0xFFFFFEF7, lr;
	s5 =	simm.s32 $0xFFFFFFFF;
	p2 =	slt.u32 s8, $0xFFFFF086  }
0x1c: {  	p1 =	slt.u32 s9, $0xF7A;
	s5 =	simm.s32 @!p2 $0x0  }
0x1d: {  	s5 =	simm.s32 @p1 $0x1;
	p0 =	seq.s32 s7, s2  }
0x1e: {  	s7 =	smul.u32 @!p0 $0xF7A, s2;
	p2 =	seq.s32 @!p0 s5, $0x0  }
0x1f: {  	s9 =	smul.u32 $0xF7A, s1;
	s8 =	simm.s32 @!p0 $0x1BF5;
	p2 =	por !p2, p0  }
0x20: {  	[sflag:s8] =	ssyncset.s32 @!p0 $0xFFFFF086;
	s6 =	sadd.s32 @!p0 s3, s7;
	s7 =	simm.s32 @!p0 $0x108  }
0x21: {  	s3 =	sadd.s32 s3, s9;
	s6 =	sadd.s32 @!p0 $0x88, s6;
	s7 =	simm.s32 @p2 $0x1082  }
0x22: {  	[simem:s7], [sflag:s8] =	dma.local @!p0 [hbm:s6], $0xF7A  }
0x23: {  	s9 =	sor.u32 $0xD0000000, s2;
	s6 =	simm.s32 $0x108;
	_ =	swait.ge @!p0 [sflag:s8], $0x0  }
0x24: {  	s3 =	sadd.s32 $0x88, s3;
	s6 =	simm.s32 @!p1 $0x1082;
	[sflag:s4] =	ssyncset.s32 $0xFFFFF086  }
0x25: {  	[simem:s6], [sflag:s4] =	dma.local [hbm:s3], $0xF7A  }
0x26: {  	[smem:$0x3F89] =	sst s1;
	(tag) =	ssettag s2;
	_ =	strace s9  }
0x27: {  	s1 =	sld [smem:$0x3F99]  }
0x28: {  	s2 =	sld [smem:$0x3F9A]  }
0x29: {  	s4 =	sld [smem:$0x3F9C]  }
0x2a: {  	p0 =	seq.s32 s5, $0x0;
	s5 =	sld [smem:$0x3F9D]  }
0x2b: {  	s6 =	sld [smem:$0x3F9E]  }
0x2c: {  	s7 =	sld [smem:$0x3F9F]  }
0x2d: {  	s3 =	simm.s32 $0x108;
	s8 =	sld [smem:$0x3FA0]  }
0x2e: {  	s3 =	simm.s32 @!p0 $0x1082;
	s9 =	sld [smem:$0x3FA1]  }
0x2f: {  	lr =	sadd.s32 s0, s3;
	s0 =	sld [smem:$0x3F98]  }
0x30: {  	s3 =	sld [smem:$0x3F9B]  }
0x31: {  	[smem:$0x3FA4] =	sst s10  }
0x32: {  	s10 =	sld [smem:$0x3FA2];
	_ =	sdelay $0x3  }
0x33: {  	p0 =	seq.s32 s10, $0x1;
	s10 =	sld [smem:$0x3FA4];
	_ =	sdelay $0x3  }
0x34: {  	[smem:$0x3FA4] =	sst s10  }
0x35: {  	s10 =	sld [smem:$0x3FA3];
	_ =	sdelay $0x3  }
0x36: {  	p1 =	seq.s32 s10, $0x1;
	s10 =	sld [smem:$0x3FA4];
	_ =	sdelay $0x3  }
0x37: {  	[smem:$0x3FA4] =	sst s10  }
0x38: {  	s10 =	sld [smem:$0x3FA5]  }
0x39: {  	_ = 	snop;
	(pc) =	sbr.ind lr, $3  }
0x3a: {  	_ = 	snop  }
0x3b: {  	_ = 	snop  }
0x3c: {  	p2 =	seq.s32 s10, $0x1;
	s10 =	sld [smem:$0x3FA4]  }
0x3d: {  	_ =	shalt  }
0x3e: {  	_ =	shalt  }
0x3f: {  	_ =	shalt  }
0x40: {  	_ =	shalt  }
0x41: {  	_ =	shalt  }
0x42: {  	_ =	shalt  }
0x43: {  	_ =	shalt  }
0x44: {  	_ =	shalt  }
0x45: {  	_ =	shalt  }
0x46: {  	_ =	shalt  }
0x47: {  	_ =	shalt  }
0x48: {  	_ =	shalt  }
0x49: {  	_ =	shalt  }
0x4a: {  	_ =	shalt  }
0x4b: {  	_ =	shalt  }
0x4c: {  	_ =	shalt  }
0x4d: {  	_ =	shalt  }
0x4e: {  	_ =	shalt  }
0x4f: {  	_ =	shalt  }
0x50: {  	_ =	shalt  }
0x51: {  	_ =	shalt  }
0x52: {  	_ =	shalt  }
0x53: {  	_ =	shalt  }
0x54: {  	_ =	shalt  }
0x55: {  	_ =	shalt  }
0x56: {  	_ =	shalt  }
0x57: {  	_ =	shalt  }
0x58: {  	_ =	shalt  }
0x59: {  	_ =	shalt  }
0x5a: {  	_ =	shalt  }
0x5b: {  	_ =	shalt  }
0x5c: {  	_ =	shalt  }
0x5d: {  	_ =	shalt  }
0x5e: {  	_ =	shalt  }
0x5f: {  	_ =	shalt  }
0x60: {  	_ =	shalt  }
0x61: {  	_ =	shalt  }
0x62: {  	_ =	shalt  }
0x63: {  	_ =	shalt  }
0x64: {  	_ =	shalt  }
0x65: {  	_ =	shalt  }
0x66: {  	_ =	shalt  }
0x67: {  	_ =	shalt  }
0x68: {  	_ =	shalt  }
0x69: {  	_ =	shalt  }
0x6a: {  	_ =	shalt  }
0x6b: {  	_ =	shalt  }
0x6c: {  	_ =	shalt  }
0x6d: {  	_ =	shalt  }
0x6e: {  	_ =	shalt  }
0x6f: {  	_ =	shalt  }
0x70: {  	_ =	shalt  }
0x71: {  	_ =	shalt  }
0x72: {  	_ =	shalt  }
0x73: {  	_ =	shalt  }
0x74: {  	_ =	shalt  }
0x75: {  	_ =	shalt  }
0x76: {  	_ =	shalt  }
0x77: {  	_ =	shalt  }
0x78: {  	_ =	shalt  }
0x79: {  	_ =	shalt  }
0x7a: {  	_ =	shalt  }
0x7b: {  	_ =	shalt  }
0x7c: {  	_ =	shalt  }
0x7d: {  	_ =	shalt  }
0x7e: {  	_ =	shalt  }
0x7f: {  	_ =	shalt  }
0x80: {  	_ =	shalt  }
0x81: {  	_ =	shalt  }
0x82: {  	_ =	shalt  }
0x83: {  	_ =	shalt  }
0x84: {  	_ =	shalt  }
0x85: {  	_ =	shalt  }
0x86: {  	_ =	shalt  }
0x87: {  	_ =	shalt  }
.Lfunc_end0:
.L_simem_size_0:
called_computation.1_lowered:
.L_overlay_start_0:
0x88: {  	s2 =	sld [smem:$0x3FD9]  }
0x89: {  	s3 =	sld [smem:$0x3FFE];
	_ =	sdelay $0x1  }
0x8a: {  	s1 =	srdreg.scid  }
0x8b: {  	s0 =	sand.u32 $0x1, s1  }
0x8c: {  	s17 =	sshll.u32 s0, $0xA;
	s2 =	sadd.s32 s3, s2  }
0x8d: {  	s2 =	sadd.s32 s2, s17  }
0x8e: {  	[smem:$0x3FB0] =	sst s2  }
0x8f: {  	_ = 	snop  }
0x90: {  	s2 =	sld [smem:$0x3FD0];
	(tm) =	ssettm $0x1  }
0x91: {  	s18 =	sld [smem:$0x3FFB];
	_ =	sdelay $0x3  }
0x92: {  	_ =	strace s18  }
0x93: {  	s3 =	sld [smem:$0x3FFC];
	_ =	sdelay $0x3  }
0x94: {  	_ =	strace s3  }
0x95: {  	s3 =	sld [smem:$0x3FFD];
	_ =	sdelay $0x3  }
0x96: {  	_ =	strace s3  }
0x97: {  	_ =	strace $0x8FFFFFFF  }
0x98: {  	s19 =	sld [smem:$0x3FDB];
	_ =	sdelay $0x1  }
0x99: {  	s4 =	simm.s32 $_scs_section_size  }
0x9a: {  	s5 =	simm.s32 $_size__tile_overlayer_lowered;
	s6 =	simm.s32 $_tile_overlayer_lowered  }
0x9b: {  	s22 =	simm.s32 $0x1BFF;
	s21 =	sshll.u32 s6, $0x1;
	s3 =	sadd.s32 s4, s19  }
0x9c: {  	s7 =	simm.s32 $0x0;
	s20 =	sshll.u32 s5, $0x1;
	s5 =	sadd.s32 s21, s3  }
0x9d: {  	[timem:s7], [sflag:s22] =	dma.local [hbm:s5], s20  }
0x9e: {  	_ =	swait.ge [sflag:s22], s20  }
0x9f: {  	s4 =	ssub.s32 $0x0, s20;
	[sflag:s22] =	ssyncset.done $0x0  }
0xa0: {  	[sflag:s22] =	ssyncadd.s32 s4;
	_ =	sdelay $0x1  }
0xa1: {  	s23 =	simm.s32 $0x1B8B  }
0xa2: {  	_ =	swait.ge [sflag:s23], $0x1  }
0xa3: {  	[sflag:s23] =	ssyncset.done $0x0  }
0xa4: {  	s25 =	simm.s32 $0x1B8E;
	s24 =	sld [smem:$0x3FFE];
	[sflag:s23] =	ssyncadd.s32 $0xFFFFFFFF  }
0xa5: {  	s26 =	simm.s32 $execute0_lowered;
	[smem:$0x3FD2] =	sst s25  }
0xa6: {  	s5 =	sshll.u32 s26, $0x1;
	_ =	strace $0x80000049;
	[dreg:$0x1] =	wrdreg $0xFFFFFFFF  }
0xa7: {  	s28 =	simm.s32 $_size_execute0_lowered;
	s3 =	sadd.s32 s3, s5;
	[dreg:$0x0] =	wrdreg $0x0  }
0xa8: {  	s5 =	sshll.u32 s28, $0x1;
	[dreg:$0x2] =	wrdreg s3  }
0xa9: {  	[dreg:$0x3] =	wrdreg s5  }
0xaa: {  	[dreg:$0x4] =	wrdreg $0xC0  }
0xab: {  	_ =	task [dreg:s7], $0x5FFFF  }
0xac: {  	[dreg:$0x1] =	wrdreg $0xFFFFFFFF  }
0xad: {  	[dreg:$0x0] =	wrdreg $0x60  }
0xae: {  	[dreg:$0x2] =	wrdreg s2  }
0xaf: {  	[dreg:$0x3] =	wrdreg s24  }
0xb0: {  	[dreg:$0x4] =	wrdreg $0x41000  }
0xb1: {  	[dreg:$0x5] =	wrdreg $0x181000  }
0xb2: {  	[dreg:$0x6] =	wrdreg $0x9  }
0xb3: {  	_ =	task.clear_ibuf [dreg:s7], $0x7FFFF;
	_ =	strace $0x90000049  }
0xb4: {  	s29 =	simm.s32 $0x9;
	_ =	strace $0x8000004B  }
0xb5: {  	_ =	swait.ge [sflag:s29], $0x1  }
0xb6: {  	[sflag:s29] =	ssyncadd.s32 $0xFFFFFFFF  }
0xb7: {  	_ =	strace $0x9000004B  }
0xb8: {  	_ =	sfence  }
0xb9: {  	s30 =	sld [smem:$0x0];
	_ =	sdelay $0x2  }
0xba: {  	s31 =	sshll.u32 s1, $0xD;
	s1 =	sshrl.u32 s1, $0x2  }
0xbb: {  	s3 =	sand.u32 $0x4000, s31;
	s1 =	sadd.s32 s1, s30  }
0xbc: {  	s0 =	sor.u32 s3, s0;
	s1 =	sshll.u32 s1, $0x11  }
0xbd: {  	s0 =	sor.u32 s1, s0  }
0xbe: {  	s0 =	sadd.s32 $0x8F2B, s0  }
0xbf: {  	[sflag:s0] =	ssyncadd.remote.s32 $0x1  }
0xc0: {  	_ =	sfence.sel $0xFFFF  }
0xc1: {  	[dreg:$0x0] =	wrdreg $0xFFFFFFFF;
	(pc) =	sbr.abs _section_cstart, $3  }
0xc2: {  	[dreg:$0x1] =	wrdreg $0xFFFFFFFF  }
0xc3: {  	_ =	task.clear_ibuf [dreg:s7], $0x2FFFF;
	_ =	strace $0x9FFFFFFF  }
0xc4: {  	(tm) =	ssettm $0x7FFFFFFF  }
0xc5: {  	_ =	shalt  }
tec
execute0_lowered:
.L_overlay_start_1:
0x0: {  	(tag) =	ssettag $0x1  }
0x1: {  	s4 =	stileid.u32  }
0x2: {  	s7 =	smul.u32 $0x9E00, s4  }
0x3: {  	s0 =	rddreg [dreg:$0x0];
	s9 =	smul.u32 $0x500, s4  }
0x4: {  	s1 =	srdreg.scid;
	s10 =	smul.u32 $0x278000, s4  }
0x5: {  	s5 =	rddreg [dreg:$0x1];
	s6 =	sand.u32 $0x1, s1;
	s16 =	smul.u32 $0x14000, s4  }
0x6: {  	s2 =	rddreg [dreg:$0x3];
	s8 =	smul.u32 $0x4F00, s6  }
0x7: {  	s3 =	simm.s32 $0x0;
	s1 =	rddreg [dreg:$0x2];
	s11 =	smul.u32 $0x13C000, s6  }
0x8: {  	[smem:$0x7FF] =	sst s3;
	s13 =	smul.u32 $0x140000, s6  }
0x9: {  	s17 =	sadd.s32 $0x12E00, s5;
	s18 =	smul.u32 $0xA000, s6;
	s6 =	ssub.s32 $0x2, s6  }
0xa: {  	_ =	strace $0x8000004A;
	s12 =	sshrl.u32 s9, $0x3;
	s19 =	sshrl.u32 s6, $0x1  }
0xb: {  	s7 =	sadd.s32 s8, s7;
	s8 =	sadd.s32 s11, s10;
	s15 =	sadd.s32 s12, s5  }
0xc: {  	s11 =	sadd.s32 $0x8C00, s5;
	s25 =	ssub.s32 s6, s19;
	s12 =	sadd.s32 $0x12E20, s5  }
0xd: {  	s19 =	sadd.s32 $0x12E40, s5;
	s20 =	sshrl.u32 s7, $0x3;
	s14 =	sshrl.u32 s8, $0x3  }
0xe: {  	[dreg:$0x5] =	wrdreg s11;
	s8 =	sadd.s32 s16, s13;
	s7 =	sshrl.u32 s18, $0x3  }
0xf: {  	s6 =	sadd.s32 $0x13000, s15;
	s9 =	sadd.s32 $0x13020, s15;
	s13 =	sadd.s32 $0x13030, s15  }
0x10: {  	s10 =	sadd.s32 $0x13050, s15;
	s16 =	sadd.s32 $0x13060, s15;
	[dreg:$0x7] =	wrdreg s12  }
0x11: {  	s18 =	sadd.s32 $0x13080, s15;
	s11 =	sadd.s32 $0x13090, s15;
	[dreg:$0xa] =	wrdreg s19  }
0x12: {  	s21 =	sadd.s32 s14, s5;
	s8 =	sshrl.u32 s8, $0x3;
	s24 =	sadd.s32 s7, s5  }
0x13: {  	s7 =	sadd.s32 $0x13010, s15;
	s14 =	sadd.s32 $0x13040, s15;
	[dreg:$0x8] =	wrdreg s11  }
0x14: {  	[dreg:$0xb] =	wrdreg s18;
	s22 =	sadd.s32 s8, s5;
	s8 =	smov.u32 s17  }
0x15: {  	s17 =	sadd.s32 $0x13070, s15;
	s15 =	sadd.s32 $0x12E30, s5;
	[dreg:$0x6] =	wrdreg s8  }
0x16: {  	s23 =	sadd.s32 $0xF14000, s22;
	[dreg:$0x9] =	wrdreg s15  }
0x17: {  	p0 =	sne.s32 s4, $0x0;
	s4 =	sadd.s32 $0xF15800, s22;
	[dreg:$0xc] =	wrdreg s23  }
0x18: {  	s23 =	sadd.s32 $0xF14400, s22;
	[dreg:$0x11] =	wrdreg s4  }
0x19: {  	s4 =	sadd.s32 $0xF15000, s22;
	[dreg:$0xd] =	wrdreg s23  }
0x1a: {  	s26 =	sadd.s32 $0x12E10, s5;
	s23 =	sadd.s32 $0xF14800, s22;
	[dreg:$0x13] =	wrdreg s4  }
0x1b: {  	s5 =	sadd.s32 s20, s5;
	s4 =	sadd.s32 $0xF16400, s22;
	[dreg:$0xe] =	wrdreg s23  }
0x1c: {  	s23 =	sadd.s32 s20, s0;
	s20 =	sadd.s32 $0xF14C00, s22;
	[dreg:$0x15] =	wrdreg s4  }
0x1d: {  	s4 =	sadd.s32 $0x9400, s24;
	[dreg:$0xf] =	wrdreg s20  }
0x1e: {  	s20 =	sadd.s32 $0xF15400, s22;
	[dreg:$0x17] =	wrdreg s4  }
0x1f: {  	s4 =	sadd.s32 $0xA000, s24;
	[dreg:$0x10] =	wrdreg s20  }
0x20: {  	s20 =	sadd.s32 $0xF15C00, s22;
	[dreg:$0x1a] =	wrdreg s4  }
0x21: {  	s29 =	simm.s32 $0x100;
	[dreg:$0x12] =	wrdreg s20;
	s20 =	sadd.s32 $0xF16000, s22  }
0x22: {  	s22 =	smov.u32 s6;
	s6 =	sadd.s32 $0x9800, s24;
	[dreg:$0x14] =	wrdreg s20  }
0x23: {  	s30 =	simm.s32 $0x1;
	s20 =	sadd.s32 $0x9000, s24;
	[dreg:$0x18] =	wrdreg s6  }
0x24: {  	s31 =	simm.s32 $0x40;
	s6 =	sadd.s32 $0x22B2400, s21;
	[dreg:$0x16] =	wrdreg s20  }
0x25: {  	s28 =	sadd.s32 $0xF00400, s5;
	s20 =	sadd.s32 $0x9C00, s24;
	[dreg:$0x1b] =	wrdreg s6  }
0x26: {  	s5 =	simm.s32 $0x2100;
	s24 =	sadd.s32 $0x1DC2400, s21;
	[dreg:$0x19] =	wrdreg s20  }
0x27: {  	s0 =	simm.s32 $0x80;
	s20 =	smax.u32 s25, $0x1;
	[dreg:$0x1d] =	wrdreg s24  }
0x28: {  	s25 =	smov.u32 s7;
	[dreg:$0x1c] =	wrdreg s20;
	s20 =	simm.s32 $0x0  }
.LBB2_1:
0x29: {  	s4 =	rddreg [dreg:$0x5]  }
0x2a: {  	[tilespmem:s29], [sflag:$0x1] =	stream.linear.gather [hbm4b:s4+s3], $0x2000, $0x38;
	[tilespmem:$0x18B00] =	vst v63  }
0x2b: {  	_ =	swait.ge [sflag:s30], $0x2000  }
0x2c: {  	[sflag:s30] =	ssyncset.done $0x0  }
0x2d: {  	[sflag:s30] =	ssyncadd.s32 $0xFFFFE000  }
0x2e: {  	[tilespmem:s3], [sflag:$0x1] =	stream.linear.gather [hbm4b:s22+s3], $0x80, $0x38;
	[tilespmem:$0x18B00] =	vst v63  }
0x2f: {  	_ =	swait.ge [sflag:s30], $0x80  }
0x30: {  	[sflag:s30] =	ssyncset.done $0x0  }
0x31: {  	[sflag:s30] =	ssyncadd.s32 $0xFFFFFF80  }
0x32: {  	[spmem:s1] =	stream.indirect.scatter [tilespmem:s29], [sflag:$0x1], $0x80, s3, s31, $0xb8;
	[tilespmem:$0x18B00] =	vst v63  }
0x33: {  	_ =	swait.ge [sflag:s30], $0x2000  }
0x34: {  	[sflag:s30] =	ssyncset.done $0x0  }
0x35: {  	[sflag:s30] =	ssyncadd.s32 $0xFFFFE000  }
0x36: {  	[tilespmem:s3], [sflag:$0x1] =	stream.linear.gather [hbm4b:s25+s3], $0x80, $0x38;
	[tilespmem:$0x18B00] =	vst v63  }
0x37: {  	_ =	swait.ge [sflag:s30], $0x80  }
0x38: {  	[sflag:s30] =	ssyncset.done $0x0  }
0x39: {  	[sflag:s30] =	ssyncadd.s32 $0xFFFFFF80  }
0x3a: {  	[spmem:s1] =	stream.indirect.scatter [tilespmem:s29], [sflag:$0x1], $0x80, s3, s31, $0xb8;
	[tilespmem:$0x18B00] =	vst v63  }
0x3b: {  	_ =	swait.ge [sflag:s30], $0x2000  }
0x3c: {  	[sflag:s30] =	ssyncset.done $0x0  }
0x3d: {  	[sflag:s30] =	ssyncadd.s32 $0xFFFFE000  }
0x3e: {  	[tilespmem:s3], [sflag:$0x1] =	stream.linear.gather [hbm4b:s9+s3], $0x80, $0x38;
	[tilespmem:$0x18B00] =	vst v63  }
0x3f: {  	_ =	swait.ge [sflag:s30], $0x80  }
0x40: {  	[sflag:s30] =	ssyncset.done $0x0  }
0x41: {  	[sflag:s30] =	ssyncadd.s32 $0xFFFFFF80  }
0x42: {  	[spmem:s1] =	stream.indirect.scatter [tilespmem:s29], [sflag:$0x1], $0x80, s3, s31, $0xb8;
	[tilespmem:$0x18B00] =	vst v63  }
0x43: {  	_ =	swait.ge [sflag:s30], $0x2000  }
0x44: {  	[sflag:s30] =	ssyncset.done $0x0  }
0x45: {  	[sflag:s30] =	ssyncadd.s32 $0xFFFFE000  }
0x46: {  	[tilespmem:s3], [sflag:$0x1] =	stream.linear.gather [hbm4b:s13+s3], $0x80, $0x38;
	[tilespmem:$0x18B00] =	vst v63  }
0x47: {  	_ =	swait.ge [sflag:s30], $0x80  }
0x48: {  	[sflag:s30] =	ssyncset.done $0x0  }
0x49: {  	[sflag:s30] =	ssyncadd.s32 $0xFFFFFF80  }
0x4a: {  	[spmem:s1] =	stream.indirect.scatter [tilespmem:s29], [sflag:$0x1], $0x80, s3, s31, $0xb8;
	[tilespmem:$0x18B00] =	vst v63  }
0x4b: {  	_ =	swait.ge [sflag:s30], $0x2000  }
0x4c: {  	[sflag:s30] =	ssyncset.done $0x0  }
0x4d: {  	[sflag:s30] =	ssyncadd.s32 $0xFFFFE000  }
0x4e: {  	[tilespmem:s3], [sflag:$0x1] =	stream.linear.gather [hbm4b:s14+s3], $0x80, $0x38;
	[tilespmem:$0x18B00] =	vst v63  }
0x4f: {  	_ =	swait.ge [sflag:s30], $0x80  }
0x50: {  	[sflag:s30] =	ssyncset.done $0x0  }
0x51: {  	[sflag:s30] =	ssyncadd.s32 $0xFFFFFF80  }
0x52: {  	[spmem:s1] =	stream.indirect.scatter [tilespmem:s29], [sflag:$0x1], $0x80, s3, s31, $0xb8;
	[tilespmem:$0x18B00] =	vst v63  }
0x53: {  	_ =	swait.ge [sflag:s30], $0x2000  }
0x54: {  	[sflag:s30] =	ssyncset.done $0x0  }
0x55: {  	s7 =	smov.u32 s10;
	[sflag:s30] =	ssyncadd.s32 $0xFFFFE000  }
0x56: {  	[tilespmem:s3], [sflag:$0x1] =	stream.linear.gather [hbm4b:s7+s3], $0x80, $0x38;
	[tilespmem:$0x18B00] =	vst v63  }
0x57: {  	_ =	swait.ge [sflag:s30], $0x80  }
0x58: {  	[sflag:s30] =	ssyncset.done $0x0  }
0x59: {  	[sflag:s30] =	ssyncadd.s32 $0xFFFFFF80  }
0x5a: {  	[spmem:s1] =	stream.indirect.scatter [tilespmem:s29], [sflag:$0x1], $0x80, s3, s31, $0xb8;
	[tilespmem:$0x18B00] =	vst v63  }
0x5b: {  	_ =	swait.ge [sflag:s30], $0x2000  }
0x5c: {  	[sflag:s30] =	ssyncset.done $0x0  }
0x5d: {  	[sflag:s30] =	ssyncadd.s32 $0xFFFFE000  }
0x5e: {  	[tilespmem:s3], [sflag:$0x1] =	stream.linear.gather [hbm4b:s16+s3], $0x80, $0x38;
	[tilespmem:$0x18B00] =	vst v63  }
0x5f: {  	_ =	swait.ge [sflag:s30], $0x80  }
0x60: {  	[sflag:s30] =	ssyncset.done $0x0  }
0x61: {  	[sflag:s30] =	ssyncadd.s32 $0xFFFFFF80  }
0x62: {  	[spmem:s1] =	stream.indirect.scatter [tilespmem:s29], [sflag:$0x1], $0x80, s3, s31, $0xb8;
	[tilespmem:$0x18B00] =	vst v63  }
0x63: {  	_ =	swait.ge [sflag:s30], $0x2000  }
0x64: {  	[sflag:s30] =	ssyncset.done $0x0  }
0x65: {  	s4 =	smov.u32 s17;
	[sflag:s30] =	ssyncadd.s32 $0xFFFFE000  }
0x66: {  	[tilespmem:s3], [sflag:$0x1] =	stream.linear.gather [hbm4b:s4+s3], $0x80, $0x38;
	[tilespmem:$0x18B00] =	vst v63  }
0x67: {  	_ =	swait.ge [sflag:s30], $0x80  }
0x68: {  	[sflag:s30] =	ssyncset.done $0x0  }
0x69: {  	[sflag:s30] =	ssyncadd.s32 $0xFFFFFF80  }
0x6a: {  	[spmem:s1] =	stream.indirect.scatter [tilespmem:s29], [sflag:$0x1], $0x80, s3, s31, $0xb8;
	[tilespmem:$0x18B00] =	vst v63  }
0x6b: {  	_ =	swait.ge [sflag:s30], $0x2000  }
0x6c: {  	[sflag:s30] =	ssyncset.done $0x0  }
0x6d: {  	[sflag:s30] =	ssyncadd.s32 $0xFFFFE000  }
0x6e: {  	[tilespmem:s3], [sflag:$0x1] =	stream.linear.gather [hbm4b:s18+s3], $0x80, $0x38;
	[tilespmem:$0x18B00] =	vst v63  }
0x6f: {  	_ =	swait.ge [sflag:s30], $0x80  }
0x70: {  	[sflag:s30] =	ssyncset.done $0x0  }
0x71: {  	[sflag:s30] =	ssyncadd.s32 $0xFFFFFF80  }
0x72: {  	[spmem:s1] =	stream.indirect.scatter [tilespmem:s29], [sflag:$0x1], $0x80, s3, s31, $0xb8;
	[tilespmem:$0x18B00] =	vst v63  }
0x73: {  	_ =	swait.ge [sflag:s30], $0x2000  }
0x74: {  	[sflag:s30] =	ssyncset.done $0x0  }
0x75: {  	s24 =	smov.u32 s11;
	[sflag:s30] =	ssyncadd.s32 $0xFFFFE000  }
0x76: {  	[tilespmem:s3], [sflag:$0x1] =	stream.linear.gather [hbm4b:s24+s3], $0x80, $0x38;
	[tilespmem:$0x18B00] =	vst v63  }
0x77: {  	_ =	swait.ge [sflag:s30], $0x80  }
0x78: {  	[sflag:s30] =	ssyncset.done $0x0  }
0x79: {  	[sflag:s30] =	ssyncadd.s32 $0xFFFFFF80  }
0x7a: {  	[spmem:s1] =	stream.indirect.scatter [tilespmem:s29], [sflag:$0x1], $0x80, s3, s31, $0xb8;
	[tilespmem:$0x18B00] =	vst v63  }
0x7b: {  	_ =	swait.ge [sflag:s30], $0x2000  }
0x7c: {  	s21 =	simm.s32 @!p0 $0x1;
	s17 =	smov.u32 s9;
	[sflag:s30] =	ssyncset.done $0x0  }
0x7d: {  	s9 =	smov.u32 s4;
	s4 =	simm.s32 @!p0 $0x0;
	[sflag:s30] =	ssyncadd.s32 $0xFFFFE000  }
0x7e: {  	[tilespmem:s4], [sflag:$0x1] =	stream.linear.gather @!p0 [hbm4b:s8+s4], $0x80, $0x38;
	[tilespmem:$0x18B00] =	vst v63  }
0x7f: {  	_ =	swait.ge @!p0 [sflag:s21], $0x80  }
0x80: {  	s10 =	smov.u32 s22;
	s11 =	smov.u32 s25;
	[sflag:s21] =	ssyncset.done @!p0 $0x0  }
0x81: {  	s22 =	simm.s32 @!p0 $0x40;
	s25 =	simm.s32 @!p0 $0x100;
	[sflag:s21] =	ssyncadd.s32 @!p0 $0xFFFFFF80  }
0x82: {  	[spmem:s2] =	stream.indirect.scatter @!p0 [tilespmem:s25], [sflag:$0x1], $0x80, s4, s22, $0xb8;
	[tilespmem:$0x18B00] =	vst v63  }
0x83: {  	_ =	swait.ge @!p0 [sflag:s21], $0x2000  }
0x84: {  	[sflag:s21] =	ssyncset.done @!p0 $0x0  }
0x85: {  	[sflag:s21] =	ssyncadd.s32 @!p0 $0xFFFFE000  }
0x86: {  	[tilespmem:s4], [sflag:$0x1] =	stream.linear.gather @!p0 [hbm4b:s26+s4], $0x80, $0x38;
	[tilespmem:$0x18B00] =	vst v63  }
0x87: {  	_ =	swait.ge @!p0 [sflag:s21], $0x80  }
0x88: {  	[sflag:s21] =	ssyncset.done @!p0 $0x0  }
0x89: {  	[sflag:s21] =	ssyncadd.s32 @!p0 $0xFFFFFF80  }
0x8a: {  	[spmem:s2] =	stream.indirect.scatter @!p0 [tilespmem:s25], [sflag:$0x1], $0x80, s4, s22, $0xb8;
	[tilespmem:$0x18B00] =	vst v63  }
0x8b: {  	_ =	swait.ge @!p0 [sflag:s21], $0x2000  }
0x8c: {  	[sflag:s21] =	ssyncset.done @!p0 $0x0  }
0x8d: {  	[sflag:s21] =	ssyncadd.s32 @!p0 $0xFFFFE000  }
0x8e: {  	[tilespmem:s4], [sflag:$0x1] =	stream.linear.gather @!p0 [hbm4b:s12+s4], $0x80, $0x38;
	[tilespmem:$0x18B00] =	vst v63  }
0x8f: {  	_ =	swait.ge @!p0 [sflag:s21], $0x80  }
0x90: {  	[sflag:s21] =	ssyncset.done @!p0 $0x0  }
0x91: {  	[sflag:s21] =	ssyncadd.s32 @!p0 $0xFFFFFF80  }
0x92: {  	[spmem:s2] =	stream.indirect.scatter @!p0 [tilespmem:s25], [sflag:$0x1], $0x80, s4, s22, $0xb8;
	[tilespmem:$0x18B00] =	vst v63  }
0x93: {  	_ =	swait.ge @!p0 [sflag:s21], $0x2000  }
0x94: {  	[sflag:s21] =	ssyncset.done @!p0 $0x0  }
0x95: {  	s6 =	smov.u32 s15;
	[sflag:s21] =	ssyncadd.s32 @!p0 $0xFFFFE000  }
0x96: {  	[tilespmem:s4], [sflag:$0x1] =	stream.linear.gather @!p0 [hbm4b:s6+s4], $0x80, $0x38;
	[tilespmem:$0x18B00] =	vst v63  }
0x97: {  	_ =	swait.ge @!p0 [sflag:s21], $0x80  }
0x98: {  	[sflag:s21] =	ssyncset.done @!p0 $0x0  }
0x99: {  	[sflag:s21] =	ssyncadd.s32 @!p0 $0xFFFFFF80  }
0x9a: {  	[spmem:s2] =	stream.indirect.scatter @!p0 [tilespmem:s25], [sflag:$0x1], $0x80, s4, s22, $0xb8;
	[tilespmem:$0x18B00] =	vst v63  }
0x9b: {  	_ =	swait.ge @!p0 [sflag:s21], $0x2000  }
0x9c: {  	[sflag:s21] =	ssyncset.done @!p0 $0x0  }
0x9d: {  	[sflag:s21] =	ssyncadd.s32 @!p0 $0xFFFFE000  }
0x9e: {  	[tilespmem:s4], [sflag:$0x1] =	stream.linear.gather @!p0 [hbm4b:s19+s4], $0x80, $0x38;
	[tilespmem:$0x18B00] =	vst v63  }
0x9f: {  	_ =	swait.ge @!p0 [sflag:s21], $0x80  }
0xa0: {  	[sflag:s21] =	ssyncset.done @!p0 $0x0  }
0xa1: {  	[sflag:s21] =	ssyncadd.s32 @!p0 $0xFFFFFF80  }
0xa2: {  	[spmem:s2] =	stream.indirect.scatter @!p0 [tilespmem:s25], [sflag:$0x1], $0x80, s4, s22, $0xb8;
	[tilespmem:$0x18B00] =	vst v63  }
0xa3: {  	_ =	swait.ge @!p0 [sflag:s21], $0x2000  }
0xa4: {  	[sflag:s21] =	ssyncset.done @!p0 $0x0  }
0xa5: {  	[sflag:s21] =	ssyncadd.s32 @!p0 $0xFFFFE000  }
0xa6: {  	s19 =	sadd.s32 $0x0, s23;
	[bflag:$0x0] =	sbarrier.arrive $0xFFFF  }
0xa7: {  	[tilespmem:s3], [sflag:$0x1] =	stream.linear.gather [hbm4b:s19+s3], $0x80, $0x38;
	[tilespmem:$0x18B00] =	vst v63  }
0xa8: {  	_ =	swait.ge [sflag:s30], $0x80  }
0xa9: {  	[sflag:s30] =	ssyncset.done $0x0  }
0xaa: {  	s21 =	sadd.s32 $0x0, s28;
	[sflag:s30] =	ssyncadd.s32 $0xFFFFFF80  }
0xab: {  	[tilespmem:s0], [sflag:$0x1] =	stream.linear.gather [hbm4b:s21+s3], $0x80, $0x38;
	[tilespmem:$0x18B00] =	vst v63  }
0xac: {  	_ =	swait.ge [sflag:s30], $0x80  }
0xad: {  	[sflag:s30] =	ssyncset.done $0x0  }
0xae: {  	s22 =	rddreg [dreg:$0x1d];
	[sflag:s30] =	ssyncadd.s32 $0xFFFFFF80  }
0xaf: {  	[tilespmem:s29], [sflag:$0x1] =	stream.linear.gather [hbm4b:s22+s3], $0x2000, $0x38;
	[tilespmem:$0x18B00] =	vst v63  }
0xb0: {  	_ =	swait.ge [sflag:s30], $0x2000  }
0xb1: {  	[sflag:s30] =	ssyncset.done $0x0  }
0xb2: {  	s24 =	rddreg [dreg:$0x1b];
	[sflag:s30] =	ssyncadd.s32 $0xFFFFE000  }
0xb3: {  	[tilespmem:s5], [sflag:$0x1] =	stream.linear.gather [hbm4b:s24+s3], $0x2000, $0x38;
	[tilespmem:$0x18B00] =	vst v63  }
0xb4: {  	_ =	swait.ge [sflag:s30], $0x2000  }
0xb5: {  	[sflag:s30] =	ssyncset.done $0x0  }
0xb6: {  	[sflag:s30] =	ssyncadd.s32 $0xFFFFE000  }
0xb7: {  	[spmem:s1] =	stream.indirect.scatter.add.f32 [tilespmem:s29], [sflag:$0x1], $0x80, s3, s31, $0xb8;
	[tilespmem:$0x18B00] =	vst v63  }
0xb8: {  	_ =	swait.ge [sflag:s30], $0x2000  }
0xb9: {  	[sflag:s30] =	ssyncset.done $0x0  }
0xba: {  	s15 =	smov.u32 s7;
	[sflag:s30] =	ssyncadd.s32 $0xFFFFE000  }
0xbb: {  	[spmem:s2] =	stream.indirect.scatter.add.f32 [tilespmem:s5], [sflag:$0x1], $0x80, s0, s31, $0xb8;
	[tilespmem:$0x18B00] =	vst v63  }
0xbc: {  	s25 =	simm.s32 $0x10;
	s4 =	simm.s32 $0x20;
	_ =	swait.ge [sflag:s30], $0x2000  }
0xbd: {  	s22 =	sadd.s32 $0x400, s22;
	s21 =	sadd.s32 $0x400, s24;
	[sflag:s30] =	ssyncset.done $0x0  }
.LBB2_2:
0xbe: {  	s6 =	sadd.s32 s25, s23  }
0xbf: {  	[sflag:s30] =	ssyncadd.s32 $0xFFFFE000;
	s7 =	smov.u32 s4;
	s8 =	sadd.s32 $0x10, s4  }
0xc0: {  	[tilespmem:s3], [sflag:$0x1] =	stream.linear.gather [hbm4b:s6+s3], $0x80, $0x38;
	[tilespmem:$0x18B00] =	vst v63  }
0xc1: {  	p1 =	sne.s32 s4, $0x9D0;
	_ =	swait.ge [sflag:s30], $0x80  }
0xc2: {  	[sflag:s30] =	ssyncset.done $0x0  }
0xc3: {  	s4 =	sadd.s32 s25, s28;
	s25 =	smov.u32 s7;
	[sflag:s30] =	ssyncadd.s32 $0xFFFFFF80  }
0xc4: {  	[tilespmem:s0], [sflag:$0x1] =	stream.linear.gather [hbm4b:s4+s3], $0x80, $0x38;
	[tilespmem:$0x18B00] =	vst v63  }
0xc5: {  	_ =	swait.ge [sflag:s30], $0x80  }
0xc6: {  	[sflag:s30] =	ssyncset.done $0x0  }
0xc7: {  	[sflag:s30] =	ssyncadd.s32 $0xFFFFFF80  }
0xc8: {  	[tilespmem:s29], [sflag:$0x1] =	stream.linear.gather [hbm4b:s22+s3], $0x2000, $0x38;
	[tilespmem:$0x18B00] =	vst v63  }
0xc9: {  	_ =	swait.ge [sflag:s30], $0x2000  }
0xca: {  	[sflag:s30] =	ssyncset.done $0x0  }
0xcb: {  	[sflag:s30] =	ssyncadd.s32 $0xFFFFE000  }
0xcc: {  	[tilespmem:s5], [sflag:$0x1] =	stream.linear.gather [hbm4b:s21+s3], $0x2000, $0x38;
	[tilespmem:$0x18B00] =	vst v63  }
0xcd: {  	_ =	swait.ge [sflag:s30], $0x2000  }
0xce: {  	[sflag:s30] =	ssyncset.done $0x0  }
0xcf: {  	[sflag:s30] =	ssyncadd.s32 $0xFFFFE000  }
0xd0: {  	[spmem:s1] =	stream.indirect.scatter.add.f32 [tilespmem:s29], [sflag:$0x1], $0x80, s3, s31, $0xb8;
	[tilespmem:$0x18B00] =	vst v63  }
0xd1: {  	_ =	swait.ge [sflag:s30], $0x2000  }
.Ltmp0:
0xd2: {  	[sflag:s30] =	ssyncset.done $0x0;
	(pc) =	sbr.rel @p1 .LBB2_2-.Ltmp0, $4  }
0xd3: {  	[sflag:s30] =	ssyncadd.s32 $0xFFFFE000  }
0xd4: {  	[spmem:s2] =	stream.indirect.scatter.add.f32 [tilespmem:s5], [sflag:$0x1], $0x80, s0, s31, $0xb8;
	[tilespmem:$0x18B00] =	vst v63  }
0xd5: {  	s4 =	smov.u32 s8;
	_ =	swait.ge [sflag:s30], $0x2000  }
0xd6: {  	s22 =	sadd.s32 $0x400, s22;
	s21 =	sadd.s32 $0x400, s21;
	[sflag:s30] =	ssyncset.done $0x0  }
0xd7: {  	s4 =	sadd.s32 s25, s23;
	[sflag:s30] =	ssyncadd.s32 $0xFFFFE000  }
0xd8: {  	[tilespmem:s3], [sflag:$0x1] =	stream.linear.gather [hbm4b:s4+s3], $0x80, $0x38;
	[tilespmem:$0x18B00] =	vst v63  }
0xd9: {  	_ =	swait.ge [sflag:s30], $0x80  }
0xda: {  	[sflag:s30] =	ssyncset.done $0x0  }
0xdb: {  	s25 =	sadd.s32 s25, s28;
	[sflag:s30] =	ssyncadd.s32 $0xFFFFFF80  }
0xdc: {  	[tilespmem:s0], [sflag:$0x1] =	stream.linear.gather [hbm4b:s25+s3], $0x80, $0x38;
	[tilespmem:$0x18B00] =	vst v63  }
0xdd: {  	_ =	swait.ge [sflag:s30], $0x80  }
0xde: {  	[sflag:s30] =	ssyncset.done $0x0  }
0xdf: {  	[sflag:s30] =	ssyncadd.s32 $0xFFFFFF80  }
0xe0: {  	[tilespmem:s29], [sflag:$0x1] =	stream.linear.gather [hbm4b:s22+s3], $0x2000, $0x38;
	[tilespmem:$0x18B00] =	vst v63  }
0xe1: {  	_ =	swait.ge [sflag:s30], $0x2000  }
0xe2: {  	[sflag:s30] =	ssyncset.done $0x0  }
0xe3: {  	[sflag:s30] =	ssyncadd.s32 $0xFFFFE000  }
0xe4: {  	[tilespmem:s5], [sflag:$0x1] =	stream.linear.gather [hbm4b:s21+s3], $0x2000, $0x38;
	[tilespmem:$0x18B00] =	vst v63  }
0xe5: {  	_ =	swait.ge [sflag:s30], $0x2000  }
0xe6: {  	[sflag:s30] =	ssyncset.done $0x0  }
0xe7: {  	[sflag:s30] =	ssyncadd.s32 $0xFFFFE000  }
0xe8: {  	[spmem:s1] =	stream.indirect.scatter.add.f32 [tilespmem:s29], [sflag:$0x1], $0x80, s3, s31, $0xb8;
	[tilespmem:$0x18B00] =	vst v63  }
0xe9: {  	_ =	swait.ge [sflag:s30], $0x2000  }
0xea: {  	[sflag:s30] =	ssyncset.done $0x0  }
0xeb: {  	[sflag:s30] =	ssyncadd.s32 $0xFFFFE000  }
0xec: {  	[spmem:s2] =	stream.indirect.scatter.add.f32 [tilespmem:s5], [sflag:$0x1], $0x80, s0, s31, $0xb8;
	[tilespmem:$0x18B00] =	vst v63  }
0xed: {  	_ =	swait.ge [sflag:s30], $0x2000  }
0xee: {  	[sflag:s30] =	ssyncset.done $0x0  }
0xef: {  	[sflag:s30] =	ssyncadd.s32 $0xFFFFE000  }
0xf0: {  	[bflag:$0x0] =	sbarrier.arrive $0xFFFF  }
0xf1: {  	[tilespmem:s3], [sflag:$0x1] =	stream.linear.gather [hbm4b:s10+s3], $0x80, $0x38;
	[tilespmem:$0x18B00] =	vst v63  }
0xf2: {  	_ =	swait.ge [sflag:s30], $0x80  }
0xf3: {  	[sflag:s30] =	ssyncset.done $0x0  }
0xf4: {  	[sflag:s30] =	ssyncadd.s32 $0xFFFFFF80  }
0xf5: {  	[tilespmem:s29], [sflag:$0x1] =	stream.indirect.gather [spmem:s1], $0x80, s3, s31, $0xb8;
	[tilespmem:$0x18B00] =	vst v63  }
0xf6: {  	_ =	swait.ge [sflag:s30], $0x2000  }
0xf7: {  	[sflag:s30] =	ssyncset.done $0x0  }
0xf8: {  	s6 =	rddreg [dreg:$0xc];
	[sflag:s30] =	ssyncadd.s32 $0xFFFFE000  }
0xf9: {  	[hbm4b:s6+s3] =	stream.linear.scatter [tilespmem:s29], [sflag:$0x1], $0x2000, $0x38;
	[tilespmem:$0x18B00] =	vst v63  }
0xfa: {  	_ =	swait.ge [sflag:s30], $0x2000  }
0xfb: {  	[sflag:s30] =	ssyncset.done $0x0  }
0xfc: {  	[sflag:s30] =	ssyncadd.s32 $0xFFFFE000  }
0xfd: {  	[tilespmem:s3], [sflag:$0x1] =	stream.linear.gather [hbm4b:s11+s3], $0x80, $0x38;
	[tilespmem:$0x18B00] =	vst v63  }
0xfe: {  	_ =	swait.ge [sflag:s30], $0x80  }
0xff: {  	[sflag:s30] =	ssyncset.done $0x0  }
0x100: {  	[sflag:s30] =	ssyncadd.s32 $0xFFFFFF80  }
0x101: {  	[tilespmem:s29], [sflag:$0x1] =	stream.indirect.gather [spmem:s1], $0x80, s3, s31, $0xb8;
	[tilespmem:$0x18B00] =	vst v63  }
0x102: {  	_ =	swait.ge [sflag:s30], $0x2000  }
0x103: {  	[sflag:s30] =	ssyncset.done $0x0  }
0x104: {  	s7 =	rddreg [dreg:$0xd];
	[sflag:s30] =	ssyncadd.s32 $0xFFFFE000  }
0x105: {  	[hbm4b:s7+s3] =	stream.linear.scatter [tilespmem:s29], [sflag:$0x1], $0x2000, $0x38;
	[tilespmem:$0x18B00] =	vst v63  }
0x106: {  	_ =	swait.ge [sflag:s30], $0x2000  }
0x107: {  	[sflag:s30] =	ssyncset.done $0x0  }
0x108: {  	[sflag:s30] =	ssyncadd.s32 $0xFFFFE000  }
0x109: {  	[tilespmem:s3], [sflag:$0x1] =	stream.linear.gather [hbm4b:s17+s3], $0x80, $0x38;
	[tilespmem:$0x18B00] =	vst v63  }
0x10a: {  	_ =	swait.ge [sflag:s30], $0x80  }
0x10b: {  	[sflag:s30] =	ssyncset.done $0x0  }
0x10c: {  	[sflag:s30] =	ssyncadd.s32 $0xFFFFFF80  }
0x10d: {  	[tilespmem:s29], [sflag:$0x1] =	stream.indirect.gather [spmem:s1], $0x80, s3, s31, $0xb8;
	[tilespmem:$0x18B00] =	vst v63  }
0x10e: {  	_ =	swait.ge [sflag:s30], $0x2000  }
0x10f: {  	[sflag:s30] =	ssyncset.done $0x0  }
0x110: {  	s8 =	rddreg [dreg:$0xe];
	[sflag:s30] =	ssyncadd.s32 $0xFFFFE000  }
0x111: {  	[hbm4b:s8+s3] =	stream.linear.scatter [tilespmem:s29], [sflag:$0x1], $0x2000, $0x38;
	[tilespmem:$0x18B00] =	vst v63  }
0x112: {  	_ =	swait.ge [sflag:s30], $0x2000  }
0x113: {  	[sflag:s30] =	ssyncset.done $0x0  }
0x114: {  	[sflag:s30] =	ssyncadd.s32 $0xFFFFE000  }
0x115: {  	[tilespmem:s3], [sflag:$0x1] =	stream.linear.gather [hbm4b:s13+s3], $0x80, $0x38;
	[tilespmem:$0x18B00] =	vst v63  }
0x116: {  	_ =	swait.ge [sflag:s30], $0x80  }
0x117: {  	[sflag:s30] =	ssyncset.done $0x0  }
0x118: {  	[sflag:s30] =	ssyncadd.s32 $0xFFFFFF80  }
0x119: {  	[tilespmem:s29], [sflag:$0x1] =	stream.indirect.gather [spmem:s1], $0x80, s3, s31, $0xb8;
	[tilespmem:$0x18B00] =	vst v63  }
0x11a: {  	_ =	swait.ge [sflag:s30], $0x2000  }
0x11b: {  	[sflag:s30] =	ssyncset.done $0x0  }
0x11c: {  	s22 =	smov.u32 s10;
	s10 =	rddreg [dreg:$0xf];
	[sflag:s30] =	ssyncadd.s32 $0xFFFFE000  }
0x11d: {  	[hbm4b:s10+s3] =	stream.linear.scatter [tilespmem:s29], [sflag:$0x1], $0x2000, $0x38;
	[tilespmem:$0x18B00] =	vst v63  }
0x11e: {  	_ =	swait.ge [sflag:s30], $0x2000  }
0x11f: {  	[sflag:s30] =	ssyncset.done $0x0  }
0x120: {  	[sflag:s30] =	ssyncadd.s32 $0xFFFFE000  }
0x121: {  	[tilespmem:s3], [sflag:$0x1] =	stream.linear.gather [hbm4b:s14+s3], $0x80, $0x38;
	[tilespmem:$0x18B00] =	vst v63  }
0x122: {  	_ =	swait.ge [sflag:s30], $0x80  }
0x123: {  	[sflag:s30] =	ssyncset.done $0x0  }
0x124: {  	[sflag:s30] =	ssyncadd.s32 $0xFFFFFF80  }
0x125: {  	[tilespmem:s29], [sflag:$0x1] =	stream.indirect.gather [spmem:s1], $0x80, s3, s31, $0xb8;
	[tilespmem:$0x18B00] =	vst v63  }
0x126: {  	_ =	swait.ge [sflag:s30], $0x2000  }
0x127: {  	[sflag:s30] =	ssyncset.done $0x0  }
0x128: {  	s25 =	smov.u32 s11;
	s11 =	rddreg [dreg:$0x13];
	[sflag:s30] =	ssyncadd.s32 $0xFFFFE000  }
0x129: {  	[hbm4b:s11+s3] =	stream.linear.scatter [tilespmem:s29], [sflag:$0x1], $0x2000, $0x38;
	[tilespmem:$0x18B00] =	vst v63  }
0x12a: {  	_ =	swait.ge [sflag:s30], $0x2000  }
0x12b: {  	[sflag:s30] =	ssyncset.done $0x0  }
0x12c: {  	[sflag:s30] =	ssyncadd.s32 $0xFFFFE000  }
0x12d: {  	[tilespmem:s3], [sflag:$0x1] =	stream.linear.gather [hbm4b:s15+s3], $0x80, $0x38;
	[tilespmem:$0x18B00] =	vst v63  }
0x12e: {  	_ =	swait.ge [sflag:s30], $0x80  }
0x12f: {  	[sflag:s30] =	ssyncset.done $0x0  }
0x130: {  	[sflag:s30] =	ssyncadd.s32 $0xFFFFFF80  }
0x131: {  	[tilespmem:s29], [sflag:$0x1] =	stream.indirect.gather [spmem:s1], $0x80, s3, s31, $0xb8;
	[tilespmem:$0x18B00] =	vst v63  }
0x132: {  	_ =	swait.ge [sflag:s30], $0x2000  }
0x133: {  	[sflag:s30] =	ssyncset.done $0x0  }
0x134: {  	s10 =	smov.u32 s15;
	s15 =	rddreg [dreg:$0x10];
	[sflag:s30] =	ssyncadd.s32 $0xFFFFE000  }
0x135: {  	[hbm4b:s15+s3] =	stream.linear.scatter [tilespmem:s29], [sflag:$0x1], $0x2000, $0x38;
	[tilespmem:$0x18B00] =	vst v63  }
0x136: {  	_ =	swait.ge [sflag:s30], $0x2000  }
0x137: {  	[sflag:s30] =	ssyncset.done $0x0  }
0x138: {  	[sflag:s30] =	ssyncadd.s32 $0xFFFFE000  }
0x139: {  	[tilespmem:s3], [sflag:$0x1] =	stream.linear.gather [hbm4b:s16+s3], $0x80, $0x38;
	[tilespmem:$0x18B00] =	vst v63  }
0x13a: {  	_ =	swait.ge [sflag:s30], $0x80  }
0x13b: {  	[sflag:s30] =	ssyncset.done $0x0  }
0x13c: {  	[sflag:s30] =	ssyncadd.s32 $0xFFFFFF80  }
0x13d: {  	[tilespmem:s29], [sflag:$0x1] =	stream.indirect.gather [spmem:s1], $0x80, s3, s31, $0xb8;
	[tilespmem:$0x18B00] =	vst v63  }
0x13e: {  	_ =	swait.ge [sflag:s30], $0x2000  }
0x13f: {  	[sflag:s30] =	ssyncset.done $0x0  }
0x140: {  	s12 =	smov.u32 s17;
	s17 =	rddreg [dreg:$0x11];
	[sflag:s30] =	ssyncadd.s32 $0xFFFFE000  }
0x141: {  	[hbm4b:s17+s3] =	stream.linear.scatter [tilespmem:s29], [sflag:$0x1], $0x2000, $0x38;
	[tilespmem:$0x18B00] =	vst v63  }
0x142: {  	_ =	swait.ge [sflag:s30], $0x2000  }
0x143: {  	[sflag:s30] =	ssyncset.done $0x0  }
0x144: {  	[sflag:s30] =	ssyncadd.s32 $0xFFFFE000  }
0x145: {  	[tilespmem:s3], [sflag:$0x1] =	stream.linear.gather [hbm4b:s9+s3], $0x80, $0x38;
	[tilespmem:$0x18B00] =	vst v63  }
0x146: {  	_ =	swait.ge [sflag:s30], $0x80  }
0x147: {  	[sflag:s30] =	ssyncset.done $0x0  }
0x148: {  	[sflag:s30] =	ssyncadd.s32 $0xFFFFFF80  }
0x149: {  	[tilespmem:s29], [sflag:$0x1] =	stream.indirect.gather [spmem:s1], $0x80, s3, s31, $0xb8;
	[tilespmem:$0x18B00] =	vst v63  }
0x14a: {  	_ =	swait.ge [sflag:s30], $0x2000  }
0x14b: {  	[sflag:s30] =	ssyncset.done $0x0  }
0x14c: {  	s18 =	rddreg [dreg:$0x12];
	[sflag:s30] =	ssyncadd.s32 $0xFFFFE000  }
0x14d: {  	[hbm4b:s18+s3] =	stream.linear.scatter [tilespmem:s29], [sflag:$0x1], $0x2000, $0x38;
	[tilespmem:$0x18B00] =	vst v63  }
0x14e: {  	_ =	swait.ge [sflag:s30], $0x2000  }
0x14f: {  	[sflag:s30] =	ssyncset.done $0x0  }
0x150: {  	s18 =	rddreg [dreg:$0xb];
	[sflag:s30] =	ssyncadd.s32 $0xFFFFE000  }
0x151: {  	[tilespmem:s3], [sflag:$0x1] =	stream.linear.gather [hbm4b:s18+s3], $0x80, $0x38;
	[tilespmem:$0x18B00] =	vst v63  }
0x152: {  	_ =	swait.ge [sflag:s30], $0x80  }
0x153: {  	[sflag:s30] =	ssyncset.done $0x0  }
0x154: {  	[sflag:s30] =	ssyncadd.s32 $0xFFFFFF80  }
0x155: {  	[tilespmem:s29], [sflag:$0x1] =	stream.indirect.gather [spmem:s1], $0x80, s3, s31, $0xb8;
	[tilespmem:$0x18B00] =	vst v63  }
0x156: {  	_ =	swait.ge [sflag:s30], $0x2000  }
0x157: {  	[sflag:s30] =	ssyncset.done $0x0  }
0x158: {  	s19 =	rddreg [dreg:$0x14];
	[sflag:s30] =	ssyncadd.s32 $0xFFFFE000  }
0x159: {  	[hbm4b:s19+s3] =	stream.linear.scatter [tilespmem:s29], [sflag:$0x1], $0x2000, $0x38;
	[tilespmem:$0x18B00] =	vst v63  }
0x15a: {  	_ =	swait.ge [sflag:s30], $0x2000  }
0x15b: {  	[sflag:s30] =	ssyncset.done $0x0  }
0x15c: {  	s11 =	rddreg [dreg:$0x8];
	[sflag:s30] =	ssyncadd.s32 $0xFFFFE000  }
0x15d: {  	[tilespmem:s3], [sflag:$0x1] =	stream.linear.gather [hbm4b:s11+s3], $0x80, $0x38;
	[tilespmem:$0x18B00] =	vst v63  }
0x15e: {  	_ =	swait.ge [sflag:s30], $0x80  }
0x15f: {  	[sflag:s30] =	ssyncset.done $0x0  }
0x160: {  	[sflag:s30] =	ssyncadd.s32 $0xFFFFFF80  }
0x161: {  	[tilespmem:s29], [sflag:$0x1] =	stream.indirect.gather [spmem:s1], $0x80, s3, s31, $0xb8;
	[tilespmem:$0x18B00] =	vst v63  }
0x162: {  	_ =	swait.ge [sflag:s30], $0x2000  }
0x163: {  	[sflag:s30] =	ssyncset.done $0x0  }
0x164: {  	s21 =	rddreg [dreg:$0x15];
	[sflag:s30] =	ssyncadd.s32 $0xFFFFE000  }
0x165: {  	[hbm4b:s21+s3] =	stream.linear.scatter [tilespmem:s29], [sflag:$0x1], $0x2000, $0x38;
	[tilespmem:$0x18B00] =	vst v63  }
0x166: {  	_ =	swait.ge [sflag:s30], $0x2000  }
0x167: {  	s4 =	simm.s32 @!p0 $0x0;
	[sflag:s30] =	ssyncset.done $0x0  }
0x168: {  	s21 =	simm.s32 @!p0 $0x1;
	s8 =	rddreg [dreg:$0x6];
	[sflag:s30] =	ssyncadd.s32 $0xFFFFE000  }
0x169: {  	[tilespmem:s4], [sflag:$0x1] =	stream.linear.gather @!p0 [hbm4b:s8+s4], $0x80, $0x38;
	[tilespmem:$0x18B00] =	vst v63  }
0x16a: {  	_ =	swait.ge @!p0 [sflag:s21], $0x80  }
0x16b: {  	[sflag:s21] =	ssyncset.done @!p0 $0x0  }
0x16c: {  	s6 =	simm.s32 @!p0 $0x40;
	s7 =	simm.s32 @!p0 $0x2100;
	[sflag:s21] =	ssyncadd.s32 @!p0 $0xFFFFFF80  }
0x16d: {  	[tilespmem:s7], [sflag:$0x1] =	stream.indirect.gather @!p0 [spmem:s2], $0x80, s4, s6, $0xb8;
	[tilespmem:$0x18B00] =	vst v63  }
0x16e: {  	_ =	swait.ge @!p0 [sflag:s21], $0x2000  }
0x16f: {  	s17 =	smov.u32 s9;
	[sflag:s21] =	ssyncset.done @!p0 $0x0  }
0x170: {  	s9 =	smov.u32 s12;
	s12 =	rddreg [dreg:$0x16];
	[sflag:s21] =	ssyncadd.s32 @!p0 $0xFFFFE000  }
0x171: {  	[hbm4b:s12+s4] =	stream.linear.scatter @!p0 [tilespmem:s7], [sflag:$0x1], $0x2000, $0x38;
	[tilespmem:$0x18B00] =	vst v63  }
0x172: {  	_ =	swait.ge @!p0 [sflag:s21], $0x2000  }
0x173: {  	[sflag:s21] =	ssyncset.done @!p0 $0x0  }
0x174: {  	[sflag:s21] =	ssyncadd.s32 @!p0 $0xFFFFE000  }
0x175: {  	[tilespmem:s4], [sflag:$0x1] =	stream.linear.gather @!p0 [hbm4b:s26+s4], $0x80, $0x38;
	[tilespmem:$0x18B00] =	vst v63  }
0x176: {  	_ =	swait.ge @!p0 [sflag:s21], $0x80  }
0x177: {  	[sflag:s21] =	ssyncset.done @!p0 $0x0  }
0x178: {  	[sflag:s21] =	ssyncadd.s32 @!p0 $0xFFFFFF80  }
0x179: {  	[tilespmem:s7], [sflag:$0x1] =	stream.indirect.gather @!p0 [spmem:s2], $0x80, s4, s6, $0xb8;
	[tilespmem:$0x18B00] =	vst v63  }
0x17a: {  	_ =	swait.ge @!p0 [sflag:s21], $0x2000  }
0x17b: {  	[sflag:s21] =	ssyncset.done @!p0 $0x0  }
0x17c: {  	s12 =	rddreg [dreg:$0x17];
	[sflag:s21] =	ssyncadd.s32 @!p0 $0xFFFFE000  }
0x17d: {  	[hbm4b:s12+s4] =	stream.linear.scatter @!p0 [tilespmem:s7], [sflag:$0x1], $0x2000, $0x38;
	[tilespmem:$0x18B00] =	vst v63  }
0x17e: {  	_ =	swait.ge @!p0 [sflag:s21], $0x2000  }
0x17f: {  	[sflag:s21] =	ssyncset.done @!p0 $0x0  }
0x180: {  	s12 =	rddreg [dreg:$0x7];
	[sflag:s21] =	ssyncadd.s32 @!p0 $0xFFFFE000  }
0x181: {  	[tilespmem:s4], [sflag:$0x1] =	stream.linear.gather @!p0 [hbm4b:s12+s4], $0x80, $0x38;
	[tilespmem:$0x18B00] =	vst v63  }
0x182: {  	_ =	swait.ge @!p0 [sflag:s21], $0x80  }
0x183: {  	[sflag:s21] =	ssyncset.done @!p0 $0x0  }
0x184: {  	[sflag:s21] =	ssyncadd.s32 @!p0 $0xFFFFFF80  }
0x185: {  	[tilespmem:s7], [sflag:$0x1] =	stream.indirect.gather @!p0 [spmem:s2], $0x80, s4, s6, $0xb8;
	[tilespmem:$0x18B00] =	vst v63  }
0x186: {  	_ =	swait.ge @!p0 [sflag:s21], $0x2000  }
0x187: {  	[sflag:s21] =	ssyncset.done @!p0 $0x0  }
0x188: {  	s15 =	rddreg [dreg:$0x18];
	[sflag:s21] =	ssyncadd.s32 @!p0 $0xFFFFE000  }
0x189: {  	[hbm4b:s15+s4] =	stream.linear.scatter @!p0 [tilespmem:s7], [sflag:$0x1], $0x2000, $0x38;
	[tilespmem:$0x18B00] =	vst v63  }
0x18a: {  	_ =	swait.ge @!p0 [sflag:s21], $0x2000  }
0x18b: {  	[sflag:s21] =	ssyncset.done @!p0 $0x0  }
0x18c: {  	s15 =	rddreg [dreg:$0x9];
	[sflag:s21] =	ssyncadd.s32 @!p0 $0xFFFFE000  }
0x18d: {  	[tilespmem:s4], [sflag:$0x1] =	stream.linear.gather @!p0 [hbm4b:s15+s4], $0x80, $0x38;
	[tilespmem:$0x18B00] =	vst v63  }
0x18e: {  	_ =	swait.ge @!p0 [sflag:s21], $0x80  }
0x18f: {  	[sflag:s21] =	ssyncset.done @!p0 $0x0  }
0x190: {  	[sflag:s21] =	ssyncadd.s32 @!p0 $0xFFFFFF80  }
0x191: {  	[tilespmem:s7], [sflag:$0x1] =	stream.indirect.gather @!p0 [spmem:s2], $0x80, s4, s6, $0xb8;
	[tilespmem:$0x18B00] =	vst v63  }
0x192: {  	_ =	swait.ge @!p0 [sflag:s21], $0x2000  }
0x193: {  	[sflag:s21] =	ssyncset.done @!p0 $0x0  }
0x194: {  	s19 =	rddreg [dreg:$0x19];
	[sflag:s21] =	ssyncadd.s32 @!p0 $0xFFFFE000  }
0x195: {  	[hbm4b:s19+s4] =	stream.linear.scatter @!p0 [tilespmem:s7], [sflag:$0x1], $0x2000, $0x38;
	[tilespmem:$0x18B00] =	vst v63  }
0x196: {  	_ =	swait.ge @!p0 [sflag:s21], $0x2000  }
0x197: {  	[sflag:s21] =	ssyncset.done @!p0 $0x0  }
0x198: {  	s19 =	rddreg [dreg:$0xa];
	[sflag:s21] =	ssyncadd.s32 @!p0 $0xFFFFE000  }
0x199: {  	[tilespmem:s4], [sflag:$0x1] =	stream.linear.gather @!p0 [hbm4b:s19+s4], $0x80, $0x38;
	[tilespmem:$0x18B00] =	vst v63  }
0x19a: {  	_ =	swait.ge @!p0 [sflag:s21], $0x80  }
0x19b: {  	[sflag:s21] =	ssyncset.done @!p0 $0x0  }
0x19c: {  	[sflag:s21] =	ssyncadd.s32 @!p0 $0xFFFFFF80  }
0x19d: {  	[tilespmem:s7], [sflag:$0x1] =	stream.indirect.gather @!p0 [spmem:s2], $0x80, s4, s6, $0xb8;
	[tilespmem:$0x18B00] =	vst v63  }
0x19e: {  	_ =	swait.ge @!p0 [sflag:s21], $0x2000  }
0x19f: {  	[sflag:s21] =	ssyncset.done @!p0 $0x0  }
0x1a0: {  	s6 =	rddreg [dreg:$0x1a];
	[sflag:s21] =	ssyncadd.s32 @!p0 $0xFFFFE000  }
0x1a1: {  	[hbm4b:s6+s4] =	stream.linear.scatter @!p0 [tilespmem:s7], [sflag:$0x1], $0x2000, $0x38;
	[tilespmem:$0x18B00] =	vst v63  }
0x1a2: {  	_ =	swait.ge @!p0 [sflag:s21], $0x2000  }
0x1a3: {  	s20 =	sadd.s32 $0x1, s20;
	s24 =	rddreg [dreg:$0x1c]  }
0x1a4: {  	p1 =	sne.s32 s20, s24  }
.Ltmp1:
0x1a5: {  	_ = 	snop;
	(pc) =	sbr.rel @p1 .LBB2_1-.Ltmp1, $3  }
0x1a6: {  	_ =	sdelay $0x1  }
0x1a7: {  	[sflag:s21] =	ssyncset.done @!p0 $0x0  }
0x1a8: {  	[sflag:s21] =	ssyncadd.s32 @!p0 $0xFFFFE000  }
0x1a9: {  	_ =	sfence.sel $0x180000  }
0x1aa: {  	[bflag:$0x0] =	sbarrier.arrive $0xFFFF  }
0x1ab: {  	_ =	strace $0x9000004A  }
0x1ac: {  	[bflag:$0x2] =	sbarrier.arrive $0xFFFF  }
0x1ad: {  	s0 =	rddreg [dreg:$0x4]  }
0x1ae: {  	s0 =	sadd.s32 @!p0 $0x100000, s0  }
0x1af: {  	[sflag:s0] =	ssyncadd.tile.s32 @!p0 $0x1;
	_ =	shalt  }
.Lfunc_end2:
_tile_overlayer_lowered:
.L_overlay_start_2:
0x1b0: {  	(tag) =	ssettag $0x2  }
0x1b1: {  	s0 =	rddreg [dreg:$0x0];
	s2 =	stileid.u32  }
0x1b2: {  	s1 =	rddreg [dreg:$0x1];
	p0 =	sne.s32 s2, $0x0  }
0x1b3: {  	s3 =	rddreg [dreg:$0x2];
	[bflag:$0x3] =	sbarrier.arrive $0xFFFF;
	s2 =	simm.s32 @!p0 $0x1C01  }
0x1b4: {  	[timem:s3], [sflag:s2] =	dma.local @!p0 [hbm:s0], s1  }
0x1b5: {  	s0 =	simm.s32 @!p0 $0x1  }
0x1b6: {  	_ =	swait.ge @!p0 [sflag:s0], s1  }
0x1b7: {  	s1 =	ssub.s32 @!p0 $0x0, s1;
	[sflag:s0] =	ssyncset.done @!p0 $0x0  }
0x1b8: {  	[sflag:s0] =	ssyncadd.s32 @!p0 s1  }
0x1b9: {  	[bflag:$0x3] =	sbarrier.arrive $0xFFFF  }
0x1ba: {  	_ =	shalt  }

</sc_bundles>
